<compile_context>
chip_gen: v7x
topology: tpu7x:2x2x1
jax: 0.10.2.dev20260603
libtpu: 0.0.44.dev20260713+nightly
codegen_flags: <defaults>
</compile_context>

<pallas_src>
import functools
import math

import jax
import jax.numpy as jnp
from jax import lax
from jax.experimental import pallas as pl
from jax.experimental.pallas import tpu as pltpu
from jax.experimental.pallas import tpu_sc as plsc

T = 2048
C = 1024
NH = 16
DH = 64
NE = 8
TOPK = 2
CAP = 640
NSLOT = NE * CAP
NPAIR = TOPK * T

BQ = 512
BR = 256

F32 = jnp.float32



def _ln(x, g):
    mu = jnp.mean(x, axis=1, keepdims=True)
    var = jnp.mean((x - mu) * (x - mu), axis=1, keepdims=True)
    return (x - mu) / jnp.sqrt(var + 1e-5) * g


BF16 = jnp.bfloat16
HI = jax.lax.Precision.DEFAULT


def _ln1_qkv_body(x_ref, g_ref, w_ref, o_ref):
    h = _ln(x_ref[...], g_ref[...])
    o_ref[...] = lax.dot_general(w_ref[...], h,
                                 (((1,), (1,)), ((), ())),
                                 precision=HI, preferred_element_type=F32)


def _attn_body(q_ref, k_ref, v_ref, o_ref):
    j = pl.program_id(1)
    q = q_ref[0]
    k = k_ref[0]
    v = v_ref[0]
    s = lax.dot_general(q, k, (((0,), (0,)), ((), ())),
                        precision=HI,
                        preferred_element_type=F32) * (1.0 / math.sqrt(DH))
    row = j * BQ + lax.broadcasted_iota(jnp.int32, (BQ, T), 0)
    col = lax.broadcasted_iota(jnp.int32, (BQ, T), 1)
    s = jnp.where(row >= col, s, -1e30)
    m = jnp.max(s, axis=1, keepdims=True)
    e = jnp.exp(s - m)
    p = e / jnp.sum(e, axis=1, keepdims=True)
    o_ref[0] = lax.dot_general(p, v, (((1,), (1,)), ((), ())),
                               precision=HI, preferred_element_type=F32)


def _proj_ln2_router_body(x_ref, y_ref, w_ref, g_ref, wg_ref,
                          x1_ref, h2_ref, lg_ref):
    x1 = x_ref[...] + lax.dot_general(y_ref[...], w_ref[...],
                                      (((1,), (1,)), ((), ())),
                                      precision=HI,
                                      preferred_element_type=F32)
    x1_ref[...] = x1
    h2 = _ln(x1, g_ref[...])
    h2_ref[...] = h2
    lg_ref[...] = lax.dot_general(h2, wg_ref[...], (((1,), (1,)), ((), ())),
                                  precision=HI, preferred_element_type=F32)


def _router_body(lg_ref, idx_ref, w_ref, st_ref):
    l = lg_ref[...]
    col = lax.broadcasted_iota(jnp.int32, (T, NE), 1)
    v0 = jnp.max(l, axis=1, keepdims=True)
    i0 = jnp.min(jnp.where(l >= v0, col, NE), axis=1, keepdims=True)
    l2 = jnp.where(col == i0, -jnp.inf, l)
    v1 = jnp.max(l2, axis=1, keepdims=True)
    i1 = jnp.min(jnp.where(l2 >= v1, col, NE), axis=1, keepdims=True)
    e1 = jnp.exp(v1 - v0)
    p0 = 1.0 / (1.0 + e1)
    p1 = e1 / (1.0 + e1)
    oh0 = (col == i0).astype(F32)
    oh1 = (col == i1).astype(F32)
    ri = lax.broadcasted_iota(jnp.int32, (T, T), 0)
    ci = lax.broadcasted_iota(jnp.int32, (T, T), 1)
    tri = (ri > ci).astype(F32)
    c0 = lax.dot_general(tri, oh0, (((1,), (0,)), ((), ())),
                         preferred_element_type=F32)
    tot0 = jnp.sum(oh0, axis=0, keepdims=True)
    c1 = lax.dot_general(tri, oh1, (((1,), (0,)), ((), ())),
                         preferred_element_type=F32) + tot0
    rank0 = jnp.sum(oh0 * c0, axis=1, keepdims=True).astype(jnp.int32)
    rank1 = jnp.sum(oh1 * c1, axis=1, keepdims=True).astype(jnp.int32)
    valid0 = rank0 < CAP
    valid1 = rank1 < CAP
    src0 = i0 * CAP + jnp.minimum(rank0, CAP - 1)
    src1 = i1 * CAP + jnp.minimum(rank1, CAP - 1)
    w0 = jnp.where(valid0, p0, 0.0)
    w1 = jnp.where(valid1, p1, 0.0)
    zi = jnp.zeros_like(src0)
    zf = jnp.zeros_like(w0)
    idx_ref[...] = jnp.concatenate(
        [src0, src1, zi, zi, zi, zi, zi, zi], axis=1)
    w_ref[...] = jnp.concatenate(
        [w0, w1, zf, zf, zf, zf, zf, zf], axis=1)
    ranks = jnp.concatenate([rank0, rank1], axis=0)
    ohe = jnp.concatenate([oh0, oh1], axis=0)
    tok = lax.rem(lax.broadcasted_iota(jnp.int32, (NPAIR, 1), 0), T) + 1
    bhi = ohe * (tok // 64).astype(F32)
    blo = ohe * lax.rem(tok, 64).astype(F32)
    PC = NPAIR // 4
    st_hi = jnp.zeros((NE, CAP), F32)
    st_lo = jnp.zeros((NE, CAP), F32)
    for u in range(4):
        rc = ranks[u * PC:(u + 1) * PC]
        ohc = (lax.broadcasted_iota(jnp.int32, (PC, CAP), 1)
               == rc).astype(F32)
        dn = (((0,), (0,)), ((), ()))
        st_hi = st_hi + lax.dot_general(bhi[u * PC:(u + 1) * PC], ohc, dn,
                                        preferred_element_type=F32)
        st_lo = st_lo + lax.dot_general(blo[u * PC:(u + 1) * PC], ohc, dn,
                                        preferred_element_type=F32)
    st = st_hi.astype(jnp.int32) * 64 + st_lo.astype(jnp.int32)
    st_ref[...] = jnp.maximum(st - 1, 0)


def _moe_mlp_body(xb_ref, fc_ref, pj_ref, o_ref):
    hb = pl.program_id(1)
    h = lax.dot_general(xb_ref[...].astype(BF16), fc_ref[0].astype(BF16),
                        (((1,), (0,)), ((), ())),
                        preferred_element_type=F32)
    h = 0.5 * h * (1.0 + lax.erf(h * (1.0 / math.sqrt(2.0))))
    part = lax.dot_general(h.astype(BF16), pj_ref[0].astype(BF16),
                           (((1,), (0,)), ((), ())),
                           preferred_element_type=F32)

    @pl.when(hb == 0)
    def _():
        o_ref[...] = part

    @pl.when(hb != 0)
    def _():
        o_ref[...] = o_ref[...] + part


def _combine_body(x1_ref, g0_ref, g1_ref, w_ref, o_ref):
    w = w_ref[...]
    o_ref[...] = (x1_ref[...] + w[:, 0:1] * g0_ref[...]
                  + w[:, 1:2] * g1_ref[...])



_NW = 32
_PW = NPAIR // _NW
_CH = 16
_NC = _PW // _CH


def _make_gather_body(n_rows):
    per_w = n_rows // _NW

    def body(tab_hbm, src_hbm, out_hbm, idx_v, rows_v, sem):
        wid = lax.axis_index("s") * 2 + lax.axis_index("c")
        for c in range(per_w // _CH):
            base = wid * per_w + c * _CH
            pltpu.sync_copy(src_hbm.at[pl.ds(base, _CH)], idx_v)
            pltpu.async_copy(tab_hbm.at[idx_v], rows_v, sem).wait()
            pltpu.sync_copy(rows_v, out_hbm.at[pl.ds(base, _CH)])

    return body


@functools.lru_cache(maxsize=None)
def _sc_kernels():
    mesh = plsc.VectorSubcoreMesh(core_axis_name="c", subcore_axis_name="s")
    scratch = [
        pltpu.VMEM((_CH,), jnp.int32),
        pltpu.VMEM((_CH, C), F32),
        pltpu.SemaphoreType.DMA,
    ]
    disp = functools.partial(
        pl.kernel, mesh=mesh,
        out_type=jax.ShapeDtypeStruct((NSLOT, C), F32),
        scratch_types=scratch)(_make_gather_body(NSLOT))
    gath = functools.partial(
        pl.kernel, mesh=mesh,
        out_type=jax.ShapeDtypeStruct((NPAIR, C), F32),
        scratch_types=scratch)(_make_gather_body(NPAIR))
    return disp, gath


def _dispatch(h2, slot_tok):
    return _sc_kernels()[0](h2, slot_tok)


def _gather(tab, src):
    return _sc_kernels()[1](tab, src)



def kernel(x, ln1_g, c_attn_w, c_proj_w, ln2_g, w_g, c_fc, c_proj_e):
    x2 = x.reshape(T, C)
    g1 = ln1_g.reshape(1, C)
    g2 = ln2_g.reshape(1, C)

    qkv_t = pl.pallas_call(
        _ln1_qkv_body,
        grid=(T // BR,),
        in_specs=[pl.BlockSpec((BR, C), lambda i: (i, 0)),
                  pl.BlockSpec((1, C), lambda i: (0, 0)),
                  pl.BlockSpec((3 * C, C), lambda i: (0, 0))],
        out_specs=pl.BlockSpec((3 * C, BR), lambda i: (0, i)),
        out_shape=jax.ShapeDtypeStruct((3 * C, T), F32),
    )(x2, g1, c_attn_w)

    q = qkv_t[:C].reshape(NH, DH, T)
    k = qkv_t[C:2 * C].reshape(NH, DH, T)
    v = qkv_t[2 * C:].reshape(NH, DH, T)

    y = pl.pallas_call(
        _attn_body,
        grid=(NH, T // BQ),
        in_specs=[pl.BlockSpec((1, DH, BQ), lambda h, j: (h, 0, j)),
                  pl.BlockSpec((1, DH, T), lambda h, j: (h, 0, 0)),
                  pl.BlockSpec((1, DH, T), lambda h, j: (h, 0, 0))],
        out_specs=pl.BlockSpec((1, BQ, DH), lambda h, j: (h, j, 0)),
        out_shape=jax.ShapeDtypeStruct((NH, T, DH), F32),
    )(q, k, v)

    y2 = y.transpose(1, 0, 2).reshape(T, C)

    x1, h2, logits = pl.pallas_call(
        _proj_ln2_router_body,
        grid=(T // BR,),
        in_specs=[pl.BlockSpec((BR, C), lambda i: (i, 0)),
                  pl.BlockSpec((BR, C), lambda i: (i, 0)),
                  pl.BlockSpec((C, C), lambda i: (0, 0)),
                  pl.BlockSpec((1, C), lambda i: (0, 0)),
                  pl.BlockSpec((NE, C), lambda i: (0, 0))],
        out_specs=[pl.BlockSpec((BR, C), lambda i: (i, 0)),
                   pl.BlockSpec((BR, C), lambda i: (i, 0)),
                   pl.BlockSpec((BR, NE), lambda i: (i, 0))],
        out_shape=[jax.ShapeDtypeStruct((T, C), F32),
                   jax.ShapeDtypeStruct((T, C), F32),
                   jax.ShapeDtypeStruct((T, NE), F32)],
    )(x2, y2, c_proj_w, g2, w_g)

    ridx, rw, st = pl.pallas_call(
        _router_body,
        out_shape=[jax.ShapeDtypeStruct((T, NE), jnp.int32),
                   jax.ShapeDtypeStruct((T, NE), F32),
                   jax.ShapeDtypeStruct((NE, CAP), jnp.int32)],
    )(logits)

    src = jnp.concatenate([ridx[:, 0], ridx[:, 1]])
    slot_tok = st.reshape(NSLOT)

    exp_x = _dispatch(h2, slot_tok)

    mlp = pl.pallas_call(
        _moe_mlp_body,
        grid=(NE, 4),
        in_specs=[pl.BlockSpec((CAP, C), lambda e, b: (e, 0)),
                  pl.BlockSpec((1, C, C), lambda e, b: (e, 0, b)),
                  pl.BlockSpec((1, C, C), lambda e, b: (e, b, 0))],
        out_specs=pl.BlockSpec((CAP, C), lambda e, b: (e, 0)),
        out_shape=jax.ShapeDtypeStruct((NSLOT, C), F32),
    )(exp_x, c_fc, c_proj_e)

    g = _gather(mlp, src)

    out = pl.pallas_call(
        _combine_body,
        grid=(T // BR,),
        in_specs=[pl.BlockSpec((BR, C), lambda i: (i, 0)),
                  pl.BlockSpec((BR, C), lambda i: (i, 0)),
                  pl.BlockSpec((BR, C), lambda i: (i, 0)),
                  pl.BlockSpec((BR, NE), lambda i: (i, 0))],
        out_specs=pl.BlockSpec((BR, C), lambda i: (i, 0)),
        out_shape=jax.ShapeDtypeStruct((T, C), F32),
    )(x1, g[:T], g[T:], rw)

    return out.reshape(1, T, C)

# --- scband reference (transcript-rebuilt; emitter-appended) ---
"""Pipeline reference for scband-block-19207093748096 (READ-ONLY COPY).

The authoritative reference and input builder live on the scoring server;
editing this copy changes nothing except your own understanding.
"""

import jax, jax.numpy as jnp
import numpy as np
import math

B = 1
T = 2048
N_EMBD = 1024
N_HEAD = 16
N_EXP = 8
TOP_K = 2
CAP_FACTOR = 1.25
MIN_CAP = 128


def setup_inputs(seed: int = 0) -> dict:
    key = jax.random.key(seed)
    ks = jax.random.split(key, 8)
    d = N_EMBD
    x = jax.random.normal(ks[0], (B, T, d), dtype=jnp.float32)
    ln1_g = jnp.ones((d,), dtype=jnp.float32)
    ln2_g = jnp.ones((d,), dtype=jnp.float32)
    c_attn_w = jax.random.normal(ks[1], (3 * d, d), dtype=jnp.float32) * 0.02
    c_proj_w = jax.random.normal(ks[2], (d, d), dtype=jnp.float32) * 0.02
    w_g = jax.random.normal(ks[3], (N_EXP, d), dtype=jnp.float32) * 0.02
    c_fc = jax.random.normal(ks[4], (N_EXP, d, 4 * d), dtype=jnp.float32) * 0.02
    c_proj_e = jax.random.normal(ks[5], (N_EXP, 4 * d, d), dtype=jnp.float32) * 0.02
    return dict(x=x, ln1_g=ln1_g, c_attn_w=c_attn_w, c_proj_w=c_proj_w,
                ln2_g=ln2_g, w_g=w_g, c_fc=c_fc, c_proj_e=c_proj_e)


def _ln(x, g):
    mu = jnp.mean(x, axis=-1, keepdims=True)
    var = jnp.var(x, axis=-1, keepdims=True)
    return (x - mu) / jnp.sqrt(var + 1e-5) * g


def _block(x, ln1_g, c_attn_w, c_proj_w, ln2_g, w_g, c_fc, c_proj_e):
    Bb, Tt, C = x.shape
    nh = N_HEAD
    dh = C // nh
    # --- causal self attention ---
    h = _ln(x, ln1_g)
    qkv = h @ c_attn_w.T
    q, k, v = jnp.split(qkv, 3, axis=-1)
    q = q.reshape(Bb, Tt, nh, dh).transpose(0, 2, 1, 3)
    k = k.reshape(Bb, Tt, nh, dh).transpose(0, 2, 1, 3)
    v = v.reshape(Bb, Tt, nh, dh).transpose(0, 2, 1, 3)
    att = (q @ k.transpose(0, 1, 3, 2)) * (1.0 / math.sqrt(dh))
    causal = jnp.tril(jnp.ones((Tt, Tt), dtype=bool))
    att = jnp.where(causal[None, None, :, :], att, -jnp.inf)
    att = jax.nn.softmax(att, axis=-1)
    y = att @ v
    y = y.transpose(0, 2, 1, 3).reshape(Bb, Tt, C)
    y = y @ c_proj_w.T
    x = x + y
    # --- MoE layer (router + experts) ---
    h2 = _ln(x, ln2_g)
    N = Bb * Tt
    xt = h2.reshape(N, C)
    logits = xt @ w_g.T                                  # [N, E]
    top_v, top_i = jax.lax.top_k(logits, TOP_K)          # [N, k]
    router_probs = jnp.full_like(logits, -jnp.inf)
    router_probs = router_probs.at[jnp.arange(N)[:, None], top_i].set(top_v)
    router_probs = jax.nn.softmax(router_probs, axis=-1)  # [N, E]
    cap = math.floor(TOP_K * CAP_FACTOR * N / N_EXP)
    cap += cap % 2
    cap = max(cap, MIN_CAP)
    exp_mask = jax.nn.one_hot(top_i, N_EXP, dtype=jnp.int32)   # [N, k, E]
    exp_mask = exp_mask.transpose(1, 0, 2)                     # [k, N, E]
    exp_rank = jnp.cumsum(exp_mask.reshape(TOP_K * N, N_EXP), axis=0) - 1
    exp_rank = exp_rank.reshape(TOP_K, N, N_EXP)
    exp_mask = exp_mask * (exp_rank < cap).astype(jnp.int32)
    used_capacity = jnp.sum(exp_mask, axis=(0, 1))
    exp_rank = jnp.sum(exp_mask * exp_rank, axis=-1)           # [k, N]
    rp = router_probs.reshape(N, N_EXP)[None, :, :]
    exp_weights = exp_mask.astype(rp.dtype) * rp               # [k, N, E]
    exp_rank_sc = jax.nn.one_hot(exp_rank, cap, dtype=rp.dtype)  # [k, N, cap]
    cb_weight = jnp.sum(exp_weights[:, :, :, None] * exp_rank_sc[:, :, None, :], axis=0)  # [N, E, cap]
    sec_mask = jax.lax.stop_gradient((cb_weight != 0).astype(rp.dtype))
    # dispatch tokens to experts
    exp_batches = jnp.einsum('nec,nd->ecd', sec_mask, xt)      # [E, cap, C]
    h1 = jnp.einsum('ecd,edh->ech', exp_batches, c_fc)         # [E, cap, 4C]
    h1 = jax.nn.gelu(h1, approximate=False)
    out = jnp.einsum('ech,ehd->ecd', h1, c_proj_e)             # [E, cap, C]
    moe = cb_weight.reshape(N, N_EXP * cap) @ out.reshape(N_EXP * cap, C)
    return x + moe.reshape(Bb, Tt, C)


def reference(x, ln1_g, c_attn_w, c_proj_w, ln2_g, w_g, c_fc, c_proj_e):
    return _block(x, ln1_g, c_attn_w, c_proj_w, ln2_g, w_g, c_fc, c_proj_e)

if __name__ == "__main__":
    import jax
    _d = setup_inputs()
    print(jax.jit(kernel)(*tuple(_d.values())))

</pallas_src>

<mosaic_0001>
#map = affine_map<(d0, d1) -> (0, 0)>
#map1 = affine_map<(d0, d1) -> (0)>
module attributes {stable_mosaic.version = 14 : i64} {
  func.func @body(%arg0: i32, %arg1: i32, %arg2: memref<2048x1024xf32, #tpu.memory_space<hbm>>, %arg3: memref<5120xi32, #tpu.memory_space<hbm>>, %arg4: memref<5120x1024xf32, #tpu.memory_space<hbm>>, %arg5: memref<16xi32, #tpu.memory_space<vmem>>, %arg6: memref<16x1024xf32, #tpu.memory_space<vmem>>, %arg7: memref<!tpu.dma_semaphore, #tpu.memory_space<semaphore_mem>>) attributes {dimension_semantics = [#tpu.dimension_semantics<core_parallel>, #tpu.dimension_semantics<subcore_parallel>], iteration_bounds = array<i64: 2, 16>, scalar_prefetch = 0 : i64, scratch_operands = 3 : i64, tpu.core_type = #tpu.core_type<sc_vector_subcore>, window_params = [{transform_indices = #map}, {transform_indices = #map1}, {transform_indices = #map}]} {
    %mul3A = arith.constant 2 : i32
    %mul3A_0 = arith.muli %arg1, %mul3A : i32
    %add3A = arith.addi %mul3A_0, %arg0 : i32
    %mul3A_1 = arith.constant 160 : i32
    %mul3A_2 = arith.muli %add3A, %mul3A_1 : i32
    %add3A_3 = arith.constant 0 : i32
    %add3A_4 = arith.addi %mul3A_2, %add3A_3 : i32
    "tpu.region"() ({
      %run_scoped3A = tpu.sem_alloc : memref<!tpu.dma_semaphore, #tpu.memory_space<semaphore_mem>>
      %dma_start3A_99 = tpu.memref_slice %arg3[%add3A_4] : memref<5120xi32, #tpu.memory_space<hbm>> -> memref<16xi32, #tpu.memory_space<hbm>>
      %dma_start3A_100 = tpu.memref_slice %arg3[%add3A_4] : memref<5120xi32, #tpu.memory_space<hbm>> -> memref<16xi32, #tpu.memory_space<hbm>>
      tpu.enqueue_dma source(%dma_start3A_100 : memref<16xi32, #tpu.memory_space<hbm>>) target(%arg5 : memref<16xi32, #tpu.memory_space<vmem>>) target_semaphore(%run_scoped3A : memref<!tpu.dma_semaphore, #tpu.memory_space<semaphore_mem>>)
      %dma_wait3A_101 = tpu.memref_slice %arg3[%add3A_4] : memref<5120xi32, #tpu.memory_space<hbm>> -> memref<16xi32, #tpu.memory_space<hbm>>
      %dma_wait3A_102 = tpu.memref_slice %arg3[%add3A_4] : memref<5120xi32, #tpu.memory_space<hbm>> -> memref<16xi32, #tpu.memory_space<hbm>>
      tpu.wait_dma2 semaphore(%run_scoped3A : memref<!tpu.dma_semaphore, #tpu.memory_space<semaphore_mem>>) src(%dma_wait3A_102 : memref<16xi32, #tpu.memory_space<hbm>>) dst(%arg5 : memref<16xi32, #tpu.memory_space<vmem>>)
      tpu.yield
    }) : () -> ()
    %dma_start3A = arith.constant 0 : i32
    %dma_start3A_5 = arith.constant 0 : i32
    %dma_start3A_6 = tpu.memref_slice %arg2[%dma_start3A, %dma_start3A_5] : memref<2048x1024xf32, #tpu.memory_space<hbm>> -> memref<2048x1024xf32, #tpu.memory_space<hbm>>
    tpu.enqueue_indirect_dma source(%dma_start3A_6 : memref<2048x1024xf32, #tpu.memory_space<hbm>>) target(%arg6 : memref<16x1024xf32, #tpu.memory_space<vmem>>) offsets(%arg5 : memref<16xi32, #tpu.memory_space<vmem>>) semaphore(%arg7 : memref<!tpu.dma_semaphore, #tpu.memory_space<semaphore_mem>>)
    %dma_wait3A = arith.constant 0 : i32
    %dma_wait3A_7 = arith.constant 0 : i32
    %dma_wait3A_8 = tpu.memref_slice %arg2[%dma_wait3A, %dma_wait3A_7] : memref<2048x1024xf32, #tpu.memory_space<hbm>> -> memref<2048x1024xf32, #tpu.memory_space<hbm>>
    tpu.wait_indirect_dma semaphore(%arg7 : memref<!tpu.dma_semaphore, #tpu.memory_space<semaphore_mem>>) src(%dma_wait3A_8 : memref<2048x1024xf32, #tpu.memory_space<hbm>>) dst(%arg6 : memref<16x1024xf32, #tpu.memory_space<vmem>>)
    "tpu.region"() ({
      %run_scoped3A = tpu.sem_alloc : memref<!tpu.dma_semaphore, #tpu.memory_space<semaphore_mem>>
      %dma_start3A_99 = arith.constant 0 : i32
      %dma_start3A_100 = tpu.memref_slice %arg4[%add3A_4, %dma_start3A_99] : memref<5120x1024xf32, #tpu.memory_space<hbm>> -> memref<16x1024xf32, #tpu.memory_space<hbm>>
      %dma_start3A_101 = arith.constant 0 : i32
      %dma_start3A_102 = tpu.memref_slice %arg4[%add3A_4, %dma_start3A_101] : memref<5120x1024xf32, #tpu.memory_space<hbm>> -> memref<16x1024xf32, #tpu.memory_space<hbm>>
      tpu.enqueue_dma source(%arg6 : memref<16x1024xf32, #tpu.memory_space<vmem>>) target(%dma_start3A_102 : memref<16x1024xf32, #tpu.memory_space<hbm>>) target_semaphore(%run_scoped3A : memref<!tpu.dma_semaphore, #tpu.memory_space<semaphore_mem>>)
      %dma_wait3A_103 = arith.constant 0 : i32
      %dma_wait3A_104 = tpu.memref_slice %arg4[%add3A_4, %dma_wait3A_103] : memref<5120x1024xf32, #tpu.memory_space<hbm>> -> memref<16x1024xf32, #tpu.memory_space<hbm>>
      %dma_wait3A_105 = arith.constant 0 : i32
      %dma_wait3A_106 = tpu.memref_slice %arg4[%add3A_4, %dma_wait3A_105] : memref<5120x1024xf32, #tpu.memory_space<hbm>> -> memref<16x1024xf32, #tpu.memory_space<hbm>>
      tpu.wait_dma2 semaphore(%run_scoped3A : memref<!tpu.dma_semaphore, #tpu.memory_space<semaphore_mem>>) src(%arg6 : memref<16x1024xf32, #tpu.memory_space<vmem>>) dst(%dma_wait3A_106 : memref<16x1024xf32, #tpu.memory_space<hbm>>)
      tpu.yield
    }) : () -> ()
    %mul3A_9 = arith.constant 160 : i32
    %mul3A_10 = arith.muli %add3A, %mul3A_9 : i32
    %add3A_11 = arith.constant 16 : i32
    %add3A_12 = arith.addi %mul3A_10, %add3A_11 : i32
    "tpu.region"() ({
      %run_scoped3A = tpu.sem_alloc : memref<!tpu.dma_semaphore, #tpu.memory_space<semaphore_mem>>
      %dma_start3A_99 = tpu.memref_slice %arg3[%add3A_12] : memref<5120xi32, #tpu.memory_space<hbm>> -> memref<16xi32, #tpu.memory_space<hbm>>
      %dma_start3A_100 = tpu.memref_slice %arg3[%add3A_12] : memref<5120xi32, #tpu.memory_space<hbm>> -> memref<16xi32, #tpu.memory_space<hbm>>
      tpu.enqueue_dma source(%dma_start3A_100 : memref<16xi32, #tpu.memory_space<hbm>>) target(%arg5 : memref<16xi32, #tpu.memory_space<vmem>>) target_semaphore(%run_scoped3A : memref<!tpu.dma_semaphore, #tpu.memory_space<semaphore_mem>>)
      %dma_wait3A_101 = tpu.memref_slice %arg3[%add3A_12] : memref<5120xi32, #tpu.memory_space<hbm>> -> memref<16xi32, #tpu.memory_space<hbm>>
      %dma_wait3A_102 = tpu.memref_slice %arg3[%add3A_12] : memref<5120xi32, #tpu.memory_space<hbm>> -> memref<16xi32, #tpu.memory_space<hbm>>
      tpu.wait_dma2 semaphore(%run_scoped3A : memref<!tpu.dma_semaphore, #tpu.memory_space<semaphore_mem>>) src(%dma_wait3A_102 : memref<16xi32, #tpu.memory_space<hbm>>) dst(%arg5 : memref<16xi32, #tpu.memory_space<vmem>>)
      tpu.yield
    }) : () -> ()
    %dma_start3A_13 = arith.constant 0 : i32
    %dma_start3A_14 = arith.constant 0 : i32
    %dma_start3A_15 = tpu.memref_slice %arg2[%dma_start3A_13, %dma_start3A_14] : memref<2048x1024xf32, #tpu.memory_space<hbm>> -> memref<2048x1024xf32, #tpu.memory_space<hbm>>
    tpu.enqueue_indirect_dma source(%dma_start3A_15 : memref<2048x1024xf32, #tpu.memory_space<hbm>>) target(%arg6 : memref<16x1024xf32, #tpu.memory_space<vmem>>) offsets(%arg5 : memref<16xi32, #tpu.memory_space<vmem>>) semaphore(%arg7 : memref<!tpu.dma_semaphore, #tpu.memory_space<semaphore_mem>>)
    %dma_wait3A_16 = arith.constant 0 : i32
    %dma_wait3A_17 = arith.constant 0 : i32
    %dma_wait3A_18 = tpu.memref_slice %arg2[%dma_wait3A_16, %dma_wait3A_17] : memref<2048x1024xf32, #tpu.memory_space<hbm>> -> memref<2048x1024xf32, #tpu.memory_space<hbm>>
    tpu.wait_indirect_dma semaphore(%arg7 : memref<!tpu.dma_semaphore, #tpu.memory_space<semaphore_mem>>) src(%dma_wait3A_18 : memref<2048x1024xf32, #tpu.memory_space<hbm>>) dst(%arg6 : memref<16x1024xf32, #tpu.memory_space<vmem>>)
    "tpu.region"() ({
      %run_scoped3A = tpu.sem_alloc : memref<!tpu.dma_semaphore, #tpu.memory_space<semaphore_mem>>
      %dma_start3A_99 = arith.constant 0 : i32
      %dma_start3A_100 = tpu.memref_slice %arg4[%add3A_12, %dma_start3A_99] : memref<5120x1024xf32, #tpu.memory_space<hbm>> -> memref<16x1024xf32, #tpu.memory_space<hbm>>
      %dma_start3A_101 = arith.constant 0 : i32
      %dma_start3A_102 = tpu.memref_slice %arg4[%add3A_12, %dma_start3A_101] : memref<5120x1024xf32, #tpu.memory_space<hbm>> -> memref<16x1024xf32, #tpu.memory_space<hbm>>
      tpu.enqueue_dma source(%arg6 : memref<16x1024xf32, #tpu.memory_space<vmem>>) target(%dma_start3A_102 : memref<16x1024xf32, #tpu.memory_space<hbm>>) target_semaphore(%run_scoped3A : memref<!tpu.dma_semaphore, #tpu.memory_space<semaphore_mem>>)
      %dma_wait3A_103 = arith.constant 0 : i32
      %dma_wait3A_104 = tpu.memref_slice %arg4[%add3A_12, %dma_wait3A_103] : memref<5120x1024xf32, #tpu.memory_space<hbm>> -> memref<16x1024xf32, #tpu.memory_space<hbm>>
      %dma_wait3A_105 = arith.constant 0 : i32
      %dma_wait3A_106 = tpu.memref_slice %arg4[%add3A_12, %dma_wait3A_105] : memref<5120x1024xf32, #tpu.memory_space<hbm>> -> memref<16x1024xf32, #tpu.memory_space<hbm>>
      tpu.wait_dma2 semaphore(%run_scoped3A : memref<!tpu.dma_semaphore, #tpu.memory_space<semaphore_mem>>) src(%arg6 : memref<16x1024xf32, #tpu.memory_space<vmem>>) dst(%dma_wait3A_106 : memref<16x1024xf32, #tpu.memory_space<hbm>>)
      tpu.yield
    }) : () -> ()
    %mul3A_19 = arith.constant 160 : i32
    %mul3A_20 = arith.muli %add3A, %mul3A_19 : i32
    %add3A_21 = arith.constant 32 : i32
    %add3A_22 = arith.addi %mul3A_20, %add3A_21 : i32
    "tpu.region"() ({
      %run_scoped3A = tpu.sem_alloc : memref<!tpu.dma_semaphore, #tpu.memory_space<semaphore_mem>>
      %dma_start3A_99 = tpu.memref_slice %arg3[%add3A_22] : memref<5120xi32, #tpu.memory_space<hbm>> -> memref<16xi32, #tpu.memory_space<hbm>>
      %dma_start3A_100 = tpu.memref_slice %arg3[%add3A_22] : memref<5120xi32, #tpu.memory_space<hbm>> -> memref<16xi32, #tpu.memory_space<hbm>>
      tpu.enqueue_dma source(%dma_start3A_100 : memref<16xi32, #tpu.memory_space<hbm>>) target(%arg5 : memref<16xi32, #tpu.memory_space<vmem>>) target_semaphore(%run_scoped3A : memref<!tpu.dma_semaphore, #tpu.memory_space<semaphore_mem>>)
      %dma_wait3A_101 = tpu.memref_slice %arg3[%add3A_22] : memref<5120xi32, #tpu.memory_space<hbm>> -> memref<16xi32, #tpu.memory_space<hbm>>
      %dma_wait3A_102 = tpu.memref_slice %arg3[%add3A_22] : memref<5120xi32, #tpu.memory_space<hbm>> -> memref<16xi32, #tpu.memory_space<hbm>>
      tpu.wait_dma2 semaphore(%run_scoped3A : memref<!tpu.dma_semaphore, #tpu.memory_space<semaphore_mem>>) src(%dma_wait3A_102 : memref<16xi32, #tpu.memory_space<hbm>>) dst(%arg5 : memref<16xi32, #tpu.memory_space<vmem>>)
      tpu.yield
    }) : () -> ()
    %dma_start3A_23 = arith.constant 0 : i32
    %dma_start3A_24 = arith.constant 0 : i32
    %dma_start3A_25 = tpu.memref_slice %arg2[%dma_start3A_23, %dma_start3A_24] : memref<2048x1024xf32, #tpu.memory_space<hbm>> -> memref<2048x1024xf32, #tpu.memory_space<hbm>>
    tpu.enqueue_indirect_dma source(%dma_start3A_25 : memref<2048x1024xf32, #tpu.memory_space<hbm>>) target(%arg6 : memref<16x1024xf32, #tpu.memory_space<vmem>>) offsets(%arg5 : memref<16xi32, #tpu.memory_space<vmem>>) semaphore(%arg7 : memref<!tpu.dma_semaphore, #tpu.memory_space<semaphore_mem>>)
    %dma_wait3A_26 = arith.constant 0 : i32
    %dma_wait3A_27 = arith.constant 0 : i32
    %dma_wait3A_28 = tpu.memref_slice %arg2[%dma_wait3A_26, %dma_wait3A_27] : memref<2048x1024xf32, #tpu.memory_space<hbm>> -> memref<2048x1024xf32, #tpu.memory_space<hbm>>
    tpu.wait_indirect_dma semaphore(%arg7 : memref<!tpu.dma_semaphore, #tpu.memory_space<semaphore_mem>>) src(%dma_wait3A_28 : memref<2048x1024xf32, #tpu.memory_space<hbm>>) dst(%arg6 : memref<16x1024xf32, #tpu.memory_space<vmem>>)
    "tpu.region"() ({
      %run_scoped3A = tpu.sem_alloc : memref<!tpu.dma_semaphore, #tpu.memory_space<semaphore_mem>>
      %dma_start3A_99 = arith.constant 0 : i32
      %dma_start3A_100 = tpu.memref_slice %arg4[%add3A_22, %dma_start3A_99] : memref<5120x1024xf32, #tpu.memory_space<hbm>> -> memref<16x1024xf32, #tpu.memory_space<hbm>>
      %dma_start3A_101 = arith.constant 0 : i32
      %dma_start3A_102 = tpu.memref_slice %arg4[%add3A_22, %dma_start3A_101] : memref<5120x1024xf32, #tpu.memory_space<hbm>> -> memref<16x1024xf32, #tpu.memory_space<hbm>>
      tpu.enqueue_dma source(%arg6 : memref<16x1024xf32, #tpu.memory_space<vmem>>) target(%dma_start3A_102 : memref<16x1024xf32, #tpu.memory_space<hbm>>) target_semaphore(%run_scoped3A : memref<!tpu.dma_semaphore, #tpu.memory_space<semaphore_mem>>)
      %dma_wait3A_103 = arith.constant 0 : i32
      %dma_wait3A_104 = tpu.memref_slice %arg4[%add3A_22, %dma_wait3A_103] : memref<5120x1024xf32, #tpu.memory_space<hbm>> -> memref<16x1024xf32, #tpu.memory_space<hbm>>
      %dma_wait3A_105 = arith.constant 0 : i32
      %dma_wait3A_106 = tpu.memref_slice %arg4[%add3A_22, %dma_wait3A_105] : memref<5120x1024xf32, #tpu.memory_space<hbm>> -> memref<16x1024xf32, #tpu.memory_space<hbm>>
      tpu.wait_dma2 semaphore(%run_scoped3A : memref<!tpu.dma_semaphore, #tpu.memory_space<semaphore_mem>>) src(%arg6 : memref<16x1024xf32, #tpu.memory_space<vmem>>) dst(%dma_wait3A_106 : memref<16x1024xf32, #tpu.memory_space<hbm>>)
      tpu.yield
    }) : () -> ()
    %mul3A_29 = arith.constant 160 : i32
    %mul3A_30 = arith.muli %add3A, %mul3A_29 : i32
    %add3A_31 = arith.constant 48 : i32
    %add3A_32 = arith.addi %mul3A_30, %add3A_31 : i32
    "tpu.region"() ({
      %run_scoped3A = tpu.sem_alloc : memref<!tpu.dma_semaphore, #tpu.memory_space<semaphore_mem>>
      %dma_start3A_99 = tpu.memref_slice %arg3[%add3A_32] : memref<5120xi32, #tpu.memory_space<hbm>> -> memref<16xi32, #tpu.memory_space<hbm>>
      %dma_start3A_100 = tpu.memref_slice %arg3[%add3A_32] : memref<5120xi32, #tpu.memory_space<hbm>> -> memref<16xi32, #tpu.memory_space<hbm>>
      tpu.enqueue_dma source(%dma_start3A_100 : memref<16xi32, #tpu.memory_space<hbm>>) target(%arg5 : memref<16xi32, #tpu.memory_space<vmem>>) target_semaphore(%run_scoped3A : memref<!tpu.dma_semaphore, #tpu.memory_space<semaphore_mem>>)
      %dma_wait3A_101 = tpu.memref_slice %arg3[%add3A_32] : memref<5120xi32, #tpu.memory_space<hbm>> -> memref<16xi32, #tpu.memory_space<hbm>>
      %dma_wait3A_102 = tpu.memref_slice %arg3[%add3A_32] : memref<5120xi32, #tpu.memory_space<hbm>> -> memref<16xi32, #tpu.memory_space<hbm>>
      tpu.wait_dma2 semaphore(%run_scoped3A : memref<!tpu.dma_semaphore, #tpu.memory_space<semaphore_mem>>) src(%dma_wait3A_102 : memref<16xi32, #tpu.memory_space<hbm>>) dst(%arg5 : memref<16xi32, #tpu.memory_space<vmem>>)
      tpu.yield
    }) : () -> ()
    %dma_start3A_33 = arith.constant 0 : i32
    %dma_start3A_34 = arith.constant 0 : i32
    %dma_start3A_35 = tpu.memref_slice %arg2[%dma_start3A_33, %dma_start3A_34] : memref<2048x1024xf32, #tpu.memory_space<hbm>> -> memref<2048x1024xf32, #tpu.memory_space<hbm>>
    tpu.enqueue_indirect_dma source(%dma_start3A_35 : memref<2048x1024xf32, #tpu.memory_space<hbm>>) target(%arg6 : memref<16x1024xf32, #tpu.memory_space<vmem>>) offsets(%arg5 : memref<16xi32, #tpu.memory_space<vmem>>) semaphore(%arg7 : memref<!tpu.dma_semaphore, #tpu.memory_space<semaphore_mem>>)
    %dma_wait3A_36 = arith.constant 0 : i32
    %dma_wait3A_37 = arith.constant 0 : i32
    %dma_wait3A_38 = tpu.memref_slice %arg2[%dma_wait3A_36, %dma_wait3A_37] : memref<2048x1024xf32, #tpu.memory_space<hbm>> -> memref<2048x1024xf32, #tpu.memory_space<hbm>>
    tpu.wait_indirect_dma semaphore(%arg7 : memref<!tpu.dma_semaphore, #tpu.memory_space<semaphore_mem>>) src(%dma_wait3A_38 : memref<2048x1024xf32, #tpu.memory_space<hbm>>) dst(%arg6 : memref<16x1024xf32, #tpu.memory_space<vmem>>)
    "tpu.region"() ({
      %run_scoped3A = tpu.sem_alloc : memref<!tpu.dma_semaphore, #tpu.memory_space<semaphore_mem>>
      %dma_start3A_99 = arith.constant 0 : i32
      %dma_start3A_100 = tpu.memref_slice %arg4[%add3A_32, %dma_start3A_99] : memref<5120x1024xf32, #tpu.memory_space<hbm>> -> memref<16x1024xf32, #tpu.memory_space<hbm>>
      %dma_start3A_101 = arith.constant 0 : i32
      %dma_start3A_102 = tpu.memref_slice %arg4[%add3A_32, %dma_start3A_101] : memref<5120x1024xf32, #tpu.memory_space<hbm>> -> memref<16x1024xf32, #tpu.memory_space<hbm>>
      tpu.enqueue_dma source(%arg6 : memref<16x1024xf32, #tpu.memory_space<vmem>>) target(%dma_start3A_102 : memref<16x1024xf32, #tpu.memory_space<hbm>>) target_semaphore(%run_scoped3A : memref<!tpu.dma_semaphore, #tpu.memory_space<semaphore_mem>>)
      %dma_wait3A_103 = arith.constant 0 : i32
      %dma_wait3A_104 = tpu.memref_slice %arg4[%add3A_32, %dma_wait3A_103] : memref<5120x1024xf32, #tpu.memory_space<hbm>> -> memref<16x1024xf32, #tpu.memory_space<hbm>>
      %dma_wait3A_105 = arith.constant 0 : i32
      %dma_wait3A_106 = tpu.memref_slice %arg4[%add3A_32, %dma_wait3A_105] : memref<5120x1024xf32, #tpu.memory_space<hbm>> -> memref<16x1024xf32, #tpu.memory_space<hbm>>
      tpu.wait_dma2 semaphore(%run_scoped3A : memref<!tpu.dma_semaphore, #tpu.memory_space<semaphore_mem>>) src(%arg6 : memref<16x1024xf32, #tpu.memory_space<vmem>>) dst(%dma_wait3A_106 : memref<16x1024xf32, #tpu.memory_space<hbm>>)
      tpu.yield
    }) : () -> ()
    %mul3A_39 = arith.constant 160 : i32
    %mul3A_40 = arith.muli %add3A, %mul3A_39 : i32
    %add3A_41 = arith.constant 64 : i32
    %add3A_42 = arith.addi %mul3A_40, %add3A_41 : i32
    "tpu.region"() ({
      %run_scoped3A = tpu.sem_alloc : memref<!tpu.dma_semaphore, #tpu.memory_space<semaphore_mem>>
      %dma_start3A_99 = tpu.memref_slice %arg3[%add3A_42] : memref<5120xi32, #tpu.memory_space<hbm>> -> memref<16xi32, #tpu.memory_space<hbm>>
      %dma_start3A_100 = tpu.memref_slice %arg3[%add3A_42] : memref<5120xi32, #tpu.memory_space<hbm>> -> memref<16xi32, #tpu.memory_space<hbm>>
      tpu.enqueue_dma source(%dma_start3A_100 : memref<16xi32, #tpu.memory_space<hbm>>) target(%arg5 : memref<16xi32, #tpu.memory_space<vmem>>) target_semaphore(%run_scoped3A : memref<!tpu.dma_semaphore, #tpu.memory_space<semaphore_mem>>)
      %dma_wait3A_101 = tpu.memref_slice %arg3[%add3A_42] : memref<5120xi32, #tpu.memory_space<hbm>> -> memref<16xi32, #tpu.memory_space<hbm>>
      %dma_wait3A_102 = tpu.memref_slice %arg3[%add3A_42] : memref<5120xi32, #tpu.memory_space<hbm>> -> memref<16xi32, #tpu.memory_space<hbm>>
      tpu.wait_dma2 semaphore(%run_scoped3A : memref<!tpu.dma_semaphore, #tpu.memory_space<semaphore_mem>>) src(%dma_wait3A_102 : memref<16xi32, #tpu.memory_space<hbm>>) dst(%arg5 : memref<16xi32, #tpu.memory_space<vmem>>)
      tpu.yield
    }) : () -> ()
    %dma_start3A_43 = arith.constant 0 : i32
    %dma_start3A_44 = arith.constant 0 : i32
    %dma_start3A_45 = tpu.memref_slice %arg2[%dma_start3A_43, %dma_start3A_44] : memref<2048x1024xf32, #tpu.memory_space<hbm>> -> memref<2048x1024xf32, #tpu.memory_space<hbm>>
    tpu.enqueue_indirect_dma source(%dma_start3A_45 : memref<2048x1024xf32, #tpu.memory_space<hbm>>) target(%arg6 : memref<16x1024xf32, #tpu.memory_space<vmem>>) offsets(%arg5 : memref<16xi32, #tpu.memory_space<vmem>>) semaphore(%arg7 : memref<!tpu.dma_semaphore, #tpu.memory_space<semaphore_mem>>)
    %dma_wait3A_46 = arith.constant 0 : i32
    %dma_wait3A_47 = arith.constant 0 : i32
    %dma_wait3A_48 = tpu.memref_slice %arg2[%dma_wait3A_46, %dma_wait3A_47] : memref<2048x1024xf32, #tpu.memory_space<hbm>> -> memref<2048x1024xf32, #tpu.memory_space<hbm>>
    tpu.wait_indirect_dma semaphore(%arg7 : memref<!tpu.dma_semaphore, #tpu.memory_space<semaphore_mem>>) src(%dma_wait3A_48 : memref<2048x1024xf32, #tpu.memory_space<hbm>>) dst(%arg6 : memref<16x1024xf32, #tpu.memory_space<vmem>>)
    "tpu.region"() ({
      %run_scoped3A = tpu.sem_alloc : memref<!tpu.dma_semaphore, #tpu.memory_space<semaphore_mem>>
      %dma_start3A_99 = arith.constant 0 : i32
      %dma_start3A_100 = tpu.memref_slice %arg4[%add3A_42, %dma_start3A_99] : memref<5120x1024xf32, #tpu.memory_space<hbm>> -> memref<16x1024xf32, #tpu.memory_space<hbm>>
      %dma_start3A_101 = arith.constant 0 : i32
      %dma_start3A_102 = tpu.memref_slice %arg4[%add3A_42, %dma_start3A_101] : memref<5120x1024xf32, #tpu.memory_space<hbm>> -> memref<16x1024xf32, #tpu.memory_space<hbm>>
      tpu.enqueue_dma source(%arg6 : memref<16x1024xf32, #tpu.memory_space<vmem>>) target(%dma_start3A_102 : memref<16x1024xf32, #tpu.memory_space<hbm>>) target_semaphore(%run_scoped3A : memref<!tpu.dma_semaphore, #tpu.memory_space<semaphore_mem>>)
      %dma_wait3A_103 = arith.constant 0 : i32
      %dma_wait3A_104 = tpu.memref_slice %arg4[%add3A_42, %dma_wait3A_103] : memref<5120x1024xf32, #tpu.memory_space<hbm>> -> memref<16x1024xf32, #tpu.memory_space<hbm>>
      %dma_wait3A_105 = arith.constant 0 : i32
      %dma_wait3A_106 = tpu.memref_slice %arg4[%add3A_42, %dma_wait3A_105] : memref<5120x1024xf32, #tpu.memory_space<hbm>> -> memref<16x1024xf32, #tpu.memory_space<hbm>>
      tpu.wait_dma2 semaphore(%run_scoped3A : memref<!tpu.dma_semaphore, #tpu.memory_space<semaphore_mem>>) src(%arg6 : memref<16x1024xf32, #tpu.memory_space<vmem>>) dst(%dma_wait3A_106 : memref<16x1024xf32, #tpu.memory_space<hbm>>)
      tpu.yield
    }) : () -> ()
    %mul3A_49 = arith.constant 160 : i32
    %mul3A_50 = arith.muli %add3A, %mul3A_49 : i32
    %add3A_51 = arith.constant 80 : i32
    %add3A_52 = arith.addi %mul3A_50, %add3A_51 : i32
    "tpu.region"() ({
      %run_scoped3A = tpu.sem_alloc : memref<!tpu.dma_semaphore, #tpu.memory_space<semaphore_mem>>
      %dma_start3A_99 = tpu.memref_slice %arg3[%add3A_52] : memref<5120xi32, #tpu.memory_space<hbm>> -> memref<16xi32, #tpu.memory_space<hbm>>
      %dma_start3A_100 = tpu.memref_slice %arg3[%add3A_52] : memref<5120xi32, #tpu.memory_space<hbm>> -> memref<16xi32, #tpu.memory_space<hbm>>
      tpu.enqueue_dma source(%dma_start3A_100 : memref<16xi32, #tpu.memory_space<hbm>>) target(%arg5 : memref<16xi32, #tpu.memory_space<vmem>>) target_semaphore(%run_scoped3A : memref<!tpu.dma_semaphore, #tpu.memory_space<semaphore_mem>>)
      %dma_wait3A_101 = tpu.memref_slice %arg3[%add3A_52] : memref<5120xi32, #tpu.memory_space<hbm>> -> memref<16xi32, #tpu.memory_space<hbm>>
      %dma_wait3A_102 = tpu.memref_slice %arg3[%add3A_52] : memref<5120xi32, #tpu.memory_space<hbm>> -> memref<16xi32, #tpu.memory_space<hbm>>
      tpu.wait_dma2 semaphore(%run_scoped3A : memref<!tpu.dma_semaphore, #tpu.memory_space<semaphore_mem>>) src(%dma_wait3A_102 : memref<16xi32, #tpu.memory_space<hbm>>) dst(%arg5 : memref<16xi32, #tpu.memory_space<vmem>>)
      tpu.yield
    }) : () -> ()
    %dma_start3A_53 = arith.constant 0 : i32
    %dma_start3A_54 = arith.constant 0 : i32
    %dma_start3A_55 = tpu.memref_slice %arg2[%dma_start3A_53, %dma_start3A_54] : memref<2048x1024xf32, #tpu.memory_space<hbm>> -> memref<2048x1024xf32, #tpu.memory_space<hbm>>
    tpu.enqueue_indirect_dma source(%dma_start3A_55 : memref<2048x1024xf32, #tpu.memory_space<hbm>>) target(%arg6 : memref<16x1024xf32, #tpu.memory_space<vmem>>) offsets(%arg5 : memref<16xi32, #tpu.memory_space<vmem>>) semaphore(%arg7 : memref<!tpu.dma_semaphore, #tpu.memory_space<semaphore_mem>>)
    %dma_wait3A_56 = arith.constant 0 : i32
    %dma_wait3A_57 = arith.constant 0 : i32
    %dma_wait3A_58 = tpu.memref_slice %arg2[%dma_wait3A_56, %dma_wait3A_57] : memref<2048x1024xf32, #tpu.memory_space<hbm>> -> memref<2048x1024xf32, #tpu.memory_space<hbm>>
    tpu.wait_indirect_dma semaphore(%arg7 : memref<!tpu.dma_semaphore, #tpu.memory_space<semaphore_mem>>) src(%dma_wait3A_58 : memref<2048x1024xf32, #tpu.memory_space<hbm>>) dst(%arg6 : memref<16x1024xf32, #tpu.memory_space<vmem>>)
    "tpu.region"() ({
      %run_scoped3A = tpu.sem_alloc : memref<!tpu.dma_semaphore, #tpu.memory_space<semaphore_mem>>
      %dma_start3A_99 = arith.constant 0 : i32
      %dma_start3A_100 = tpu.memref_slice %arg4[%add3A_52, %dma_start3A_99] : memref<5120x1024xf32, #tpu.memory_space<hbm>> -> memref<16x1024xf32, #tpu.memory_space<hbm>>
      %dma_start3A_101 = arith.constant 0 : i32
      %dma_start3A_102 = tpu.memref_slice %arg4[%add3A_52, %dma_start3A_101] : memref<5120x1024xf32, #tpu.memory_space<hbm>> -> memref<16x1024xf32, #tpu.memory_space<hbm>>
      tpu.enqueue_dma source(%arg6 : memref<16x1024xf32, #tpu.memory_space<vmem>>) target(%dma_start3A_102 : memref<16x1024xf32, #tpu.memory_space<hbm>>) target_semaphore(%run_scoped3A : memref<!tpu.dma_semaphore, #tpu.memory_space<semaphore_mem>>)
      %dma_wait3A_103 = arith.constant 0 : i32
      %dma_wait3A_104 = tpu.memref_slice %arg4[%add3A_52, %dma_wait3A_103] : memref<5120x1024xf32, #tpu.memory_space<hbm>> -> memref<16x1024xf32, #tpu.memory_space<hbm>>
      %dma_wait3A_105 = arith.constant 0 : i32
      %dma_wait3A_106 = tpu.memref_slice %arg4[%add3A_52, %dma_wait3A_105] : memref<5120x1024xf32, #tpu.memory_space<hbm>> -> memref<16x1024xf32, #tpu.memory_space<hbm>>
      tpu.wait_dma2 semaphore(%run_scoped3A : memref<!tpu.dma_semaphore, #tpu.memory_space<semaphore_mem>>) src(%arg6 : memref<16x1024xf32, #tpu.memory_space<vmem>>) dst(%dma_wait3A_106 : memref<16x1024xf32, #tpu.memory_space<hbm>>)
      tpu.yield
    }) : () -> ()
    %mul3A_59 = arith.constant 160 : i32
    %mul3A_60 = arith.muli %add3A, %mul3A_59 : i32
    %add3A_61 = arith.constant 96 : i32
    %add3A_62 = arith.addi %mul3A_60, %add3A_61 : i32
    "tpu.region"() ({
      %run_scoped3A = tpu.sem_alloc : memref<!tpu.dma_semaphore, #tpu.memory_space<semaphore_mem>>
      %dma_start3A_99 = tpu.memref_slice %arg3[%add3A_62] : memref<5120xi32, #tpu.memory_space<hbm>> -> memref<16xi32, #tpu.memory_space<hbm>>
      %dma_start3A_100 = tpu.memref_slice %arg3[%add3A_62] : memref<5120xi32, #tpu.memory_space<hbm>> -> memref<16xi32, #tpu.memory_space<hbm>>
      tpu.enqueue_dma source(%dma_start3A_100 : memref<16xi32, #tpu.memory_space<hbm>>) target(%arg5 : memref<16xi32, #tpu.memory_space<vmem>>) target_semaphore(%run_scoped3A : memref<!tpu.dma_semaphore, #tpu.memory_space<semaphore_mem>>)
      %dma_wait3A_101 = tpu.memref_slice %arg3[%add3A_62] : memref<5120xi32, #tpu.memory_space<hbm>> -> memref<16xi32, #tpu.memory_space<hbm>>
      %dma_wait3A_102 = tpu.memref_slice %arg3[%add3A_62] : memref<5120xi32, #tpu.memory_space<hbm>> -> memref<16xi32, #tpu.memory_space<hbm>>
      tpu.wait_dma2 semaphore(%run_scoped3A : memref<!tpu.dma_semaphore, #tpu.memory_space<semaphore_mem>>) src(%dma_wait3A_102 : memref<16xi32, #tpu.memory_space<hbm>>) dst(%arg5 : memref<16xi32, #tpu.memory_space<vmem>>)
      tpu.yield
    }) : () -> ()
    %dma_start3A_63 = arith.constant 0 : i32
    %dma_start3A_64 = arith.constant 0 : i32
    %dma_start3A_65 = tpu.memref_slice %arg2[%dma_start3A_63, %dma_start3A_64] : memref<2048x1024xf32, #tpu.memory_space<hbm>> -> memref<2048x1024xf32, #tpu.memory_space<hbm>>
    tpu.enqueue_indirect_dma source(%dma_start3A_65 : memref<2048x1024xf32, #tpu.memory_space<hbm>>) target(%arg6 : memref<16x1024xf32, #tpu.memory_space<vmem>>) offsets(%arg5 : memref<16xi32, #tpu.memory_space<vmem>>) semaphore(%arg7 : memref<!tpu.dma_semaphore, #tpu.memory_space<semaphore_mem>>)
    %dma_wait3A_66 = arith.constant 0 : i32
    %dma_wait3A_67 = arith.constant 0 : i32
    %dma_wait3A_68 = tpu.memref_slice %arg2[%dma_wait3A_66, %dma_wait3A_67] : memref<2048x1024xf32, #tpu.memory_space<hbm>> -> memref<2048x1024xf32, #tpu.memory_space<hbm>>
    tpu.wait_indirect_dma semaphore(%arg7 : memref<!tpu.dma_semaphore, #tpu.memory_space<semaphore_mem>>) src(%dma_wait3A_68 : memref<2048x1024xf32, #tpu.memory_space<hbm>>) dst(%arg6 : memref<16x1024xf32, #tpu.memory_space<vmem>>)
    "tpu.region"() ({
      %run_scoped3A = tpu.sem_alloc : memref<!tpu.dma_semaphore, #tpu.memory_space<semaphore_mem>>
      %dma_start3A_99 = arith.constant 0 : i32
      %dma_start3A_100 = tpu.memref_slice %arg4[%add3A_62, %dma_start3A_99] : memref<5120x1024xf32, #tpu.memory_space<hbm>> -> memref<16x1024xf32, #tpu.memory_space<hbm>>
      %dma_start3A_101 = arith.constant 0 : i32
      %dma_start3A_102 = tpu.memref_slice %arg4[%add3A_62, %dma_start3A_101] : memref<5120x1024xf32, #tpu.memory_space<hbm>> -> memref<16x1024xf32, #tpu.memory_space<hbm>>
      tpu.enqueue_dma source(%arg6 : memref<16x1024xf32, #tpu.memory_space<vmem>>) target(%dma_start3A_102 : memref<16x1024xf32, #tpu.memory_space<hbm>>) target_semaphore(%run_scoped3A : memref<!tpu.dma_semaphore, #tpu.memory_space<semaphore_mem>>)
      %dma_wait3A_103 = arith.constant 0 : i32
      %dma_wait3A_104 = tpu.memref_slice %arg4[%add3A_62, %dma_wait3A_103] : memref<5120x1024xf32, #tpu.memory_space<hbm>> -> memref<16x1024xf32, #tpu.memory_space<hbm>>
      %dma_wait3A_105 = arith.constant 0 : i32
      %dma_wait3A_106 = tpu.memref_slice %arg4[%add3A_62, %dma_wait3A_105] : memref<5120x1024xf32, #tpu.memory_space<hbm>> -> memref<16x1024xf32, #tpu.memory_space<hbm>>
      tpu.wait_dma2 semaphore(%run_scoped3A : memref<!tpu.dma_semaphore, #tpu.memory_space<semaphore_mem>>) src(%arg6 : memref<16x1024xf32, #tpu.memory_space<vmem>>) dst(%dma_wait3A_106 : memref<16x1024xf32, #tpu.memory_space<hbm>>)
      tpu.yield
    }) : () -> ()
    %mul3A_69 = arith.constant 160 : i32
    %mul3A_70 = arith.muli %add3A, %mul3A_69 : i32
    %add3A_71 = arith.constant 112 : i32
    %add3A_72 = arith.addi %mul3A_70, %add3A_71 : i32
    "tpu.region"() ({
      %run_scoped3A = tpu.sem_alloc : memref<!tpu.dma_semaphore, #tpu.memory_space<semaphore_mem>>
      %dma_start3A_99 = tpu.memref_slice %arg3[%add3A_72] : memref<5120xi32, #tpu.memory_space<hbm>> -> memref<16xi32, #tpu.memory_space<hbm>>
      %dma_start3A_100 = tpu.memref_slice %arg3[%add3A_72] : memref<5120xi32, #tpu.memory_space<hbm>> -> memref<16xi32, #tpu.memory_space<hbm>>
      tpu.enqueue_dma source(%dma_start3A_100 : memref<16xi32, #tpu.memory_space<hbm>>) target(%arg5 : memref<16xi32, #tpu.memory_space<vmem>>) target_semaphore(%run_scoped3A : memref<!tpu.dma_semaphore, #tpu.memory_space<semaphore_mem>>)
      %dma_wait3A_101 = tpu.memref_slice %arg3[%add3A_72] : memref<5120xi32, #tpu.memory_space<hbm>> -> memref<16xi32, #tpu.memory_space<hbm>>
      %dma_wait3A_102 = tpu.memref_slice %arg3[%add3A_72] : memref<5120xi32, #tpu.memory_space<hbm>> -> memref<16xi32, #tpu.memory_space<hbm>>
      tpu.wait_dma2 semaphore(%run_scoped3A : memref<!tpu.dma_semaphore, #tpu.memory_space<semaphore_mem>>) src(%dma_wait3A_102 : memref<16xi32, #tpu.memory_space<hbm>>) dst(%arg5 : memref<16xi32, #tpu.memory_space<vmem>>)
      tpu.yield
    }) : () -> ()
    %dma_start3A_73 = arith.constant 0 : i32
    %dma_start3A_74 = arith.constant 0 : i32
    %dma_start3A_75 = tpu.memref_slice %arg2[%dma_start3A_73, %dma_start3A_74] : memref<2048x1024xf32, #tpu.memory_space<hbm>> -> memref<2048x1024xf32, #tpu.memory_space<hbm>>
    tpu.enqueue_indirect_dma source(%dma_start3A_75 : memref<2048x1024xf32, #tpu.memory_space<hbm>>) target(%arg6 : memref<16x1024xf32, #tpu.memory_space<vmem>>) offsets(%arg5 : memref<16xi32, #tpu.memory_space<vmem>>) semaphore(%arg7 : memref<!tpu.dma_semaphore, #tpu.memory_space<semaphore_mem>>)
    %dma_wait3A_76 = arith.constant 0 : i32
    %dma_wait3A_77 = arith.constant 0 : i32
    %dma_wait3A_78 = tpu.memref_slice %arg2[%dma_wait3A_76, %dma_wait3A_77] : memref<2048x1024xf32, #tpu.memory_space<hbm>> -> memref<2048x1024xf32, #tpu.memory_space<hbm>>
    tpu.wait_indirect_dma semaphore(%arg7 : memref<!tpu.dma_semaphore, #tpu.memory_space<semaphore_mem>>) src(%dma_wait3A_78 : memref<2048x1024xf32, #tpu.memory_space<hbm>>) dst(%arg6 : memref<16x1024xf32, #tpu.memory_space<vmem>>)
    "tpu.region"() ({
      %run_scoped3A = tpu.sem_alloc : memref<!tpu.dma_semaphore, #tpu.memory_space<semaphore_mem>>
      %dma_start3A_99 = arith.constant 0 : i32
      %dma_start3A_100 = tpu.memref_slice %arg4[%add3A_72, %dma_start3A_99] : memref<5120x1024xf32, #tpu.memory_space<hbm>> -> memref<16x1024xf32, #tpu.memory_space<hbm>>
      %dma_start3A_101 = arith.constant 0 : i32
      %dma_start3A_102 = tpu.memref_slice %arg4[%add3A_72, %dma_start3A_101] : memref<5120x1024xf32, #tpu.memory_space<hbm>> -> memref<16x1024xf32, #tpu.memory_space<hbm>>
      tpu.enqueue_dma source(%arg6 : memref<16x1024xf32, #tpu.memory_space<vmem>>) target(%dma_start3A_102 : memref<16x1024xf32, #tpu.memory_space<hbm>>) target_semaphore(%run_scoped3A : memref<!tpu.dma_semaphore, #tpu.memory_space<semaphore_mem>>)
      %dma_wait3A_103 = arith.constant 0 : i32
      %dma_wait3A_104 = tpu.memref_slice %arg4[%add3A_72, %dma_wait3A_103] : memref<5120x1024xf32, #tpu.memory_space<hbm>> -> memref<16x1024xf32, #tpu.memory_space<hbm>>
      %dma_wait3A_105 = arith.constant 0 : i32
      %dma_wait3A_106 = tpu.memref_slice %arg4[%add3A_72, %dma_wait3A_105] : memref<5120x1024xf32, #tpu.memory_space<hbm>> -> memref<16x1024xf32, #tpu.memory_space<hbm>>
      tpu.wait_dma2 semaphore(%run_scoped3A : memref<!tpu.dma_semaphore, #tpu.memory_space<semaphore_mem>>) src(%arg6 : memref<16x1024xf32, #tpu.memory_space<vmem>>) dst(%dma_wait3A_106 : memref<16x1024xf32, #tpu.memory_space<hbm>>)
      tpu.yield
    }) : () -> ()
    %mul3A_79 = arith.constant 160 : i32
    %mul3A_80 = arith.muli %add3A, %mul3A_79 : i32
    %add3A_81 = arith.constant 128 : i32
    %add3A_82 = arith.addi %mul3A_80, %add3A_81 : i32
    "tpu.region"() ({
      %run_scoped3A = tpu.sem_alloc : memref<!tpu.dma_semaphore, #tpu.memory_space<semaphore_mem>>
      %dma_start3A_99 = tpu.memref_slice %arg3[%add3A_82] : memref<5120xi32, #tpu.memory_space<hbm>> -> memref<16xi32, #tpu.memory_space<hbm>>
      %dma_start3A_100 = tpu.memref_slice %arg3[%add3A_82] : memref<5120xi32, #tpu.memory_space<hbm>> -> memref<16xi32, #tpu.memory_space<hbm>>
      tpu.enqueue_dma source(%dma_start3A_100 : memref<16xi32, #tpu.memory_space<hbm>>) target(%arg5 : memref<16xi32, #tpu.memory_space<vmem>>) target_semaphore(%run_scoped3A : memref<!tpu.dma_semaphore, #tpu.memory_space<semaphore_mem>>)
      %dma_wait3A_101 = tpu.memref_slice %arg3[%add3A_82] : memref<5120xi32, #tpu.memory_space<hbm>> -> memref<16xi32, #tpu.memory_space<hbm>>
      %dma_wait3A_102 = tpu.memref_slice %arg3[%add3A_82] : memref<5120xi32, #tpu.memory_space<hbm>> -> memref<16xi32, #tpu.memory_space<hbm>>
      tpu.wait_dma2 semaphore(%run_scoped3A : memref<!tpu.dma_semaphore, #tpu.memory_space<semaphore_mem>>) src(%dma_wait3A_102 : memref<16xi32, #tpu.memory_space<hbm>>) dst(%arg5 : memref<16xi32, #tpu.memory_space<vmem>>)
      tpu.yield
    }) : () -> ()
    %dma_start3A_83 = arith.constant 0 : i32
    %dma_start3A_84 = arith.constant 0 : i32
    %dma_start3A_85 = tpu.memref_slice %arg2[%dma_start3A_83, %dma_start3A_84] : memref<2048x1024xf32, #tpu.memory_space<hbm>> -> memref<2048x1024xf32, #tpu.memory_space<hbm>>
    tpu.enqueue_indirect_dma source(%dma_start3A_85 : memref<2048x1024xf32, #tpu.memory_space<hbm>>) target(%arg6 : memref<16x1024xf32, #tpu.memory_space<vmem>>) offsets(%arg5 : memref<16xi32, #tpu.memory_space<vmem>>) semaphore(%arg7 : memref<!tpu.dma_semaphore, #tpu.memory_space<semaphore_mem>>)
    %dma_wait3A_86 = arith.constant 0 : i32
    %dma_wait3A_87 = arith.constant 0 : i32
    %dma_wait3A_88 = tpu.memref_slice %arg2[%dma_wait3A_86, %dma_wait3A_87] : memref<2048x1024xf32, #tpu.memory_space<hbm>> -> memref<2048x1024xf32, #tpu.memory_space<hbm>>
    tpu.wait_indirect_dma semaphore(%arg7 : memref<!tpu.dma_semaphore, #tpu.memory_space<semaphore_mem>>) src(%dma_wait3A_88 : memref<2048x1024xf32, #tpu.memory_space<hbm>>) dst(%arg6 : memref<16x1024xf32, #tpu.memory_space<vmem>>)
    "tpu.region"() ({
      %run_scoped3A = tpu.sem_alloc : memref<!tpu.dma_semaphore, #tpu.memory_space<semaphore_mem>>
      %dma_start3A_99 = arith.constant 0 : i32
      %dma_start3A_100 = tpu.memref_slice %arg4[%add3A_82, %dma_start3A_99] : memref<5120x1024xf32, #tpu.memory_space<hbm>> -> memref<16x1024xf32, #tpu.memory_space<hbm>>
      %dma_start3A_101 = arith.constant 0 : i32
      %dma_start3A_102 = tpu.memref_slice %arg4[%add3A_82, %dma_start3A_101] : memref<5120x1024xf32, #tpu.memory_space<hbm>> -> memref<16x1024xf32, #tpu.memory_space<hbm>>
      tpu.enqueue_dma source(%arg6 : memref<16x1024xf32, #tpu.memory_space<vmem>>) target(%dma_start3A_102 : memref<16x1024xf32, #tpu.memory_space<hbm>>) target_semaphore(%run_scoped3A : memref<!tpu.dma_semaphore, #tpu.memory_space<semaphore_mem>>)
      %dma_wait3A_103 = arith.constant 0 : i32
      %dma_wait3A_104 = tpu.memref_slice %arg4[%add3A_82, %dma_wait3A_103] : memref<5120x1024xf32, #tpu.memory_space<hbm>> -> memref<16x1024xf32, #tpu.memory_space<hbm>>
      %dma_wait3A_105 = arith.constant 0 : i32
      %dma_wait3A_106 = tpu.memref_slice %arg4[%add3A_82, %dma_wait3A_105] : memref<5120x1024xf32, #tpu.memory_space<hbm>> -> memref<16x1024xf32, #tpu.memory_space<hbm>>
      tpu.wait_dma2 semaphore(%run_scoped3A : memref<!tpu.dma_semaphore, #tpu.memory_space<semaphore_mem>>) src(%arg6 : memref<16x1024xf32, #tpu.memory_space<vmem>>) dst(%dma_wait3A_106 : memref<16x1024xf32, #tpu.memory_space<hbm>>)
      tpu.yield
    }) : () -> ()
    %mul3A_89 = arith.constant 160 : i32
    %mul3A_90 = arith.muli %add3A, %mul3A_89 : i32
    %add3A_91 = arith.constant 144 : i32
    %add3A_92 = arith.addi %mul3A_90, %add3A_91 : i32
    "tpu.region"() ({
      %run_scoped3A = tpu.sem_alloc : memref<!tpu.dma_semaphore, #tpu.memory_space<semaphore_mem>>
      %dma_start3A_99 = tpu.memref_slice %arg3[%add3A_92] : memref<5120xi32, #tpu.memory_space<hbm>> -> memref<16xi32, #tpu.memory_space<hbm>>
      %dma_start3A_100 = tpu.memref_slice %arg3[%add3A_92] : memref<5120xi32, #tpu.memory_space<hbm>> -> memref<16xi32, #tpu.memory_space<hbm>>
      tpu.enqueue_dma source(%dma_start3A_100 : memref<16xi32, #tpu.memory_space<hbm>>) target(%arg5 : memref<16xi32, #tpu.memory_space<vmem>>) target_semaphore(%run_scoped3A : memref<!tpu.dma_semaphore, #tpu.memory_space<semaphore_mem>>)
      %dma_wait3A_101 = tpu.memref_slice %arg3[%add3A_92] : memref<5120xi32, #tpu.memory_space<hbm>> -> memref<16xi32, #tpu.memory_space<hbm>>
      %dma_wait3A_102 = tpu.memref_slice %arg3[%add3A_92] : memref<5120xi32, #tpu.memory_space<hbm>> -> memref<16xi32, #tpu.memory_space<hbm>>
      tpu.wait_dma2 semaphore(%run_scoped3A : memref<!tpu.dma_semaphore, #tpu.memory_space<semaphore_mem>>) src(%dma_wait3A_102 : memref<16xi32, #tpu.memory_space<hbm>>) dst(%arg5 : memref<16xi32, #tpu.memory_space<vmem>>)
      tpu.yield
    }) : () -> ()
    %dma_start3A_93 = arith.constant 0 : i32
    %dma_start3A_94 = arith.constant 0 : i32
    %dma_start3A_95 = tpu.memref_slice %arg2[%dma_start3A_93, %dma_start3A_94] : memref<2048x1024xf32, #tpu.memory_space<hbm>> -> memref<2048x1024xf32, #tpu.memory_space<hbm>>
    tpu.enqueue_indirect_dma source(%dma_start3A_95 : memref<2048x1024xf32, #tpu.memory_space<hbm>>) target(%arg6 : memref<16x1024xf32, #tpu.memory_space<vmem>>) offsets(%arg5 : memref<16xi32, #tpu.memory_space<vmem>>) semaphore(%arg7 : memref<!tpu.dma_semaphore, #tpu.memory_space<semaphore_mem>>)
    %dma_wait3A_96 = arith.constant 0 : i32
    %dma_wait3A_97 = arith.constant 0 : i32
    %dma_wait3A_98 = tpu.memref_slice %arg2[%dma_wait3A_96, %dma_wait3A_97] : memref<2048x1024xf32, #tpu.memory_space<hbm>> -> memref<2048x1024xf32, #tpu.memory_space<hbm>>
    tpu.wait_indirect_dma semaphore(%arg7 : memref<!tpu.dma_semaphore, #tpu.memory_space<semaphore_mem>>) src(%dma_wait3A_98 : memref<2048x1024xf32, #tpu.memory_space<hbm>>) dst(%arg6 : memref<16x1024xf32, #tpu.memory_space<vmem>>)
    "tpu.region"() ({
      %run_scoped3A = tpu.sem_alloc : memref<!tpu.dma_semaphore, #tpu.memory_space<semaphore_mem>>
      %dma_start3A_99 = arith.constant 0 : i32
      %dma_start3A_100 = tpu.memref_slice %arg4[%add3A_92, %dma_start3A_99] : memref<5120x1024xf32, #tpu.memory_space<hbm>> -> memref<16x1024xf32, #tpu.memory_space<hbm>>
      %dma_start3A_101 = arith.constant 0 : i32
      %dma_start3A_102 = tpu.memref_slice %arg4[%add3A_92, %dma_start3A_101] : memref<5120x1024xf32, #tpu.memory_space<hbm>> -> memref<16x1024xf32, #tpu.memory_space<hbm>>
      tpu.enqueue_dma source(%arg6 : memref<16x1024xf32, #tpu.memory_space<vmem>>) target(%dma_start3A_102 : memref<16x1024xf32, #tpu.memory_space<hbm>>) target_semaphore(%run_scoped3A : memref<!tpu.dma_semaphore, #tpu.memory_space<semaphore_mem>>)
      %dma_wait3A_103 = arith.constant 0 : i32
      %dma_wait3A_104 = tpu.memref_slice %arg4[%add3A_92, %dma_wait3A_103] : memref<5120x1024xf32, #tpu.memory_space<hbm>> -> memref<16x1024xf32, #tpu.memory_space<hbm>>
      %dma_wait3A_105 = arith.constant 0 : i32
      %dma_wait3A_106 = tpu.memref_slice %arg4[%add3A_92, %dma_wait3A_105] : memref<5120x1024xf32, #tpu.memory_space<hbm>> -> memref<16x1024xf32, #tpu.memory_space<hbm>>
      tpu.wait_dma2 semaphore(%run_scoped3A : memref<!tpu.dma_semaphore, #tpu.memory_space<semaphore_mem>>) src(%arg6 : memref<16x1024xf32, #tpu.memory_space<vmem>>) dst(%dma_wait3A_106 : memref<16x1024xf32, #tpu.memory_space<hbm>>)
      tpu.yield
    }) : () -> ()
    return
  }
}

#map = affine_map<(d0, d1) -> (0, 0)>
#map1 = affine_map<(d0, d1) -> (0)>
module attributes {stable_mosaic.version = 14 : i64} {
  func.func @body(%arg0: i32, %arg1: i32, %arg2: memref<5120x1024xf32, #tpu.memory_space<hbm>>, %arg3: memref<4096xi32, #tpu.memory_space<hbm>>, %arg4: memref<4096x1024xf32, #tpu.memory_space<hbm>>, %arg5: memref<16xi32, #tpu.memory_space<vmem>>, %arg6: memref<16x1024xf32, #tpu.memory_space<vmem>>, %arg7: memref<!tpu.dma_semaphore, #tpu.memory_space<semaphore_mem>>) attributes {dimension_semantics = [#tpu.dimension_semantics<core_parallel>, #tpu.dimension_semantics<subcore_parallel>], iteration_bounds = array<i64: 2, 16>, scalar_prefetch = 0 : i64, scratch_operands = 3 : i64, tpu.core_type = #tpu.core_type<sc_vector_subcore>, window_params = [{transform_indices = #map}, {transform_indices = #map1}, {transform_indices = #map}]} {
    %mul3A = arith.constant 2 : i32
    %mul3A_0 = arith.muli %arg1, %mul3A : i32
    %add3A = arith.addi %mul3A_0, %arg0 : i32
    %mul3A_1 = arith.constant 128 : i32
    %mul3A_2 = arith.muli %add3A, %mul3A_1 : i32
    %add3A_3 = arith.constant 0 : i32
    %add3A_4 = arith.addi %mul3A_2, %add3A_3 : i32
    "tpu.region"() ({
      %run_scoped3A = tpu.sem_alloc : memref<!tpu.dma_semaphore, #tpu.memory_space<semaphore_mem>>
      %dma_start3A_79 = tpu.memref_slice %arg3[%add3A_4] : memref<4096xi32, #tpu.memory_space<hbm>> -> memref<16xi32, #tpu.memory_space<hbm>>
      %dma_start3A_80 = tpu.memref_slice %arg3[%add3A_4] : memref<4096xi32, #tpu.memory_space<hbm>> -> memref<16xi32, #tpu.memory_space<hbm>>
      tpu.enqueue_dma source(%dma_start3A_80 : memref<16xi32, #tpu.memory_space<hbm>>) target(%arg5 : memref<16xi32, #tpu.memory_space<vmem>>) target_semaphore(%run_scoped3A : memref<!tpu.dma_semaphore, #tpu.memory_space<semaphore_mem>>)
      %dma_wait3A_81 = tpu.memref_slice %arg3[%add3A_4] : memref<4096xi32, #tpu.memory_space<hbm>> -> memref<16xi32, #tpu.memory_space<hbm>>
      %dma_wait3A_82 = tpu.memref_slice %arg3[%add3A_4] : memref<4096xi32, #tpu.memory_space<hbm>> -> memref<16xi32, #tpu.memory_space<hbm>>
      tpu.wait_dma2 semaphore(%run_scoped3A : memref<!tpu.dma_semaphore, #tpu.memory_space<semaphore_mem>>) src(%dma_wait3A_82 : memref<16xi32, #tpu.memory_space<hbm>>) dst(%arg5 : memref<16xi32, #tpu.memory_space<vmem>>)
      tpu.yield
    }) : () -> ()
    %dma_start3A = arith.constant 0 : i32
    %dma_start3A_5 = arith.constant 0 : i32
    %dma_start3A_6 = tpu.memref_slice %arg2[%dma_start3A, %dma_start3A_5] : memref<5120x1024xf32, #tpu.memory_space<hbm>> -> memref<5120x1024xf32, #tpu.memory_space<hbm>>
    tpu.enqueue_indirect_dma source(%dma_start3A_6 : memref<5120x1024xf32, #tpu.memory_space<hbm>>) target(%arg6 : memref<16x1024xf32, #tpu.memory_space<vmem>>) offsets(%arg5 : memref<16xi32, #tpu.memory_space<vmem>>) semaphore(%arg7 : memref<!tpu.dma_semaphore, #tpu.memory_space<semaphore_mem>>)
    %dma_wait3A = arith.constant 0 : i32
    %dma_wait3A_7 = arith.constant 0 : i32
    %dma_wait3A_8 = tpu.memref_slice %arg2[%dma_wait3A, %dma_wait3A_7] : memref<5120x1024xf32, #tpu.memory_space<hbm>> -> memref<5120x1024xf32, #tpu.memory_space<hbm>>
    tpu.wait_indirect_dma semaphore(%arg7 : memref<!tpu.dma_semaphore, #tpu.memory_space<semaphore_mem>>) src(%dma_wait3A_8 : memref<5120x1024xf32, #tpu.memory_space<hbm>>) dst(%arg6 : memref<16x1024xf32, #tpu.memory_space<vmem>>)
    "tpu.region"() ({
      %run_scoped3A = tpu.sem_alloc : memref<!tpu.dma_semaphore, #tpu.memory_space<semaphore_mem>>
      %dma_start3A_79 = arith.constant 0 : i32
      %dma_start3A_80 = tpu.memref_slice %arg4[%add3A_4, %dma_start3A_79] : memref<4096x1024xf32, #tpu.memory_space<hbm>> -> memref<16x1024xf32, #tpu.memory_space<hbm>>
      %dma_start3A_81 = arith.constant 0 : i32
      %dma_start3A_82 = tpu.memref_slice %arg4[%add3A_4, %dma_start3A_81] : memref<4096x1024xf32, #tpu.memory_space<hbm>> -> memref<16x1024xf32, #tpu.memory_space<hbm>>
      tpu.enqueue_dma source(%arg6 : memref<16x1024xf32, #tpu.memory_space<vmem>>) target(%dma_start3A_82 : memref<16x1024xf32, #tpu.memory_space<hbm>>) target_semaphore(%run_scoped3A : memref<!tpu.dma_semaphore, #tpu.memory_space<semaphore_mem>>)
      %dma_wait3A_83 = arith.constant 0 : i32
      %dma_wait3A_84 = tpu.memref_slice %arg4[%add3A_4, %dma_wait3A_83] : memref<4096x1024xf32, #tpu.memory_space<hbm>> -> memref<16x1024xf32, #tpu.memory_space<hbm>>
      %dma_wait3A_85 = arith.constant 0 : i32
      %dma_wait3A_86 = tpu.memref_slice %arg4[%add3A_4, %dma_wait3A_85] : memref<4096x1024xf32, #tpu.memory_space<hbm>> -> memref<16x1024xf32, #tpu.memory_space<hbm>>
      tpu.wait_dma2 semaphore(%run_scoped3A : memref<!tpu.dma_semaphore, #tpu.memory_space<semaphore_mem>>) src(%arg6 : memref<16x1024xf32, #tpu.memory_space<vmem>>) dst(%dma_wait3A_86 : memref<16x1024xf32, #tpu.memory_space<hbm>>)
      tpu.yield
    }) : () -> ()
    %mul3A_9 = arith.constant 128 : i32
    %mul3A_10 = arith.muli %add3A, %mul3A_9 : i32
    %add3A_11 = arith.constant 16 : i32
    %add3A_12 = arith.addi %mul3A_10, %add3A_11 : i32
    "tpu.region"() ({
      %run_scoped3A = tpu.sem_alloc : memref<!tpu.dma_semaphore, #tpu.memory_space<semaphore_mem>>
      %dma_start3A_79 = tpu.memref_slice %arg3[%add3A_12] : memref<4096xi32, #tpu.memory_space<hbm>> -> memref<16xi32, #tpu.memory_space<hbm>>
      %dma_start3A_80 = tpu.memref_slice %arg3[%add3A_12] : memref<4096xi32, #tpu.memory_space<hbm>> -> memref<16xi32, #tpu.memory_space<hbm>>
      tpu.enqueue_dma source(%dma_start3A_80 : memref<16xi32, #tpu.memory_space<hbm>>) target(%arg5 : memref<16xi32, #tpu.memory_space<vmem>>) target_semaphore(%run_scoped3A : memref<!tpu.dma_semaphore, #tpu.memory_space<semaphore_mem>>)
      %dma_wait3A_81 = tpu.memref_slice %arg3[%add3A_12] : memref<4096xi32, #tpu.memory_space<hbm>> -> memref<16xi32, #tpu.memory_space<hbm>>
      %dma_wait3A_82 = tpu.memref_slice %arg3[%add3A_12] : memref<4096xi32, #tpu.memory_space<hbm>> -> memref<16xi32, #tpu.memory_space<hbm>>
      tpu.wait_dma2 semaphore(%run_scoped3A : memref<!tpu.dma_semaphore, #tpu.memory_space<semaphore_mem>>) src(%dma_wait3A_82 : memref<16xi32, #tpu.memory_space<hbm>>) dst(%arg5 : memref<16xi32, #tpu.memory_space<vmem>>)
      tpu.yield
    }) : () -> ()
    %dma_start3A_13 = arith.constant 0 : i32
    %dma_start3A_14 = arith.constant 0 : i32
    %dma_start3A_15 = tpu.memref_slice %arg2[%dma_start3A_13, %dma_start3A_14] : memref<5120x1024xf32, #tpu.memory_space<hbm>> -> memref<5120x1024xf32, #tpu.memory_space<hbm>>
    tpu.enqueue_indirect_dma source(%dma_start3A_15 : memref<5120x1024xf32, #tpu.memory_space<hbm>>) target(%arg6 : memref<16x1024xf32, #tpu.memory_space<vmem>>) offsets(%arg5 : memref<16xi32, #tpu.memory_space<vmem>>) semaphore(%arg7 : memref<!tpu.dma_semaphore, #tpu.memory_space<semaphore_mem>>)
    %dma_wait3A_16 = arith.constant 0 : i32
    %dma_wait3A_17 = arith.constant 0 : i32
    %dma_wait3A_18 = tpu.memref_slice %arg2[%dma_wait3A_16, %dma_wait3A_17] : memref<5120x1024xf32, #tpu.memory_space<hbm>> -> memref<5120x1024xf32, #tpu.memory_space<hbm>>
    tpu.wait_indirect_dma semaphore(%arg7 : memref<!tpu.dma_semaphore, #tpu.memory_space<semaphore_mem>>) src(%dma_wait3A_18 : memref<5120x1024xf32, #tpu.memory_space<hbm>>) dst(%arg6 : memref<16x1024xf32, #tpu.memory_space<vmem>>)
    "tpu.region"() ({
      %run_scoped3A = tpu.sem_alloc : memref<!tpu.dma_semaphore, #tpu.memory_space<semaphore_mem>>
      %dma_start3A_79 = arith.constant 0 : i32
      %dma_start3A_80 = tpu.memref_slice %arg4[%add3A_12, %dma_start3A_79] : memref<4096x1024xf32, #tpu.memory_space<hbm>> -> memref<16x1024xf32, #tpu.memory_space<hbm>>
      %dma_start3A_81 = arith.constant 0 : i32
      %dma_start3A_82 = tpu.memref_slice %arg4[%add3A_12, %dma_start3A_81] : memref<4096x1024xf32, #tpu.memory_space<hbm>> -> memref<16x1024xf32, #tpu.memory_space<hbm>>
      tpu.enqueue_dma source(%arg6 : memref<16x1024xf32, #tpu.memory_space<vmem>>) target(%dma_start3A_82 : memref<16x1024xf32, #tpu.memory_space<hbm>>) target_semaphore(%run_scoped3A : memref<!tpu.dma_semaphore, #tpu.memory_space<semaphore_mem>>)
      %dma_wait3A_83 = arith.constant 0 : i32
      %dma_wait3A_84 = tpu.memref_slice %arg4[%add3A_12, %dma_wait3A_83] : memref<4096x1024xf32, #tpu.memory_space<hbm>> -> memref<16x1024xf32, #tpu.memory_space<hbm>>
      %dma_wait3A_85 = arith.constant 0 : i32
      %dma_wait3A_86 = tpu.memref_slice %arg4[%add3A_12, %dma_wait3A_85] : memref<4096x1024xf32, #tpu.memory_space<hbm>> -> memref<16x1024xf32, #tpu.memory_space<hbm>>
      tpu.wait_dma2 semaphore(%run_scoped3A : memref<!tpu.dma_semaphore, #tpu.memory_space<semaphore_mem>>) src(%arg6 : memref<16x1024xf32, #tpu.memory_space<vmem>>) dst(%dma_wait3A_86 : memref<16x1024xf32, #tpu.memory_space<hbm>>)
      tpu.yield
    }) : () -> ()
    %mul3A_19 = arith.constant 128 : i32
    %mul3A_20 = arith.muli %add3A, %mul3A_19 : i32
    %add3A_21 = arith.constant 32 : i32
    %add3A_22 = arith.addi %mul3A_20, %add3A_21 : i32
    "tpu.region"() ({
      %run_scoped3A = tpu.sem_alloc : memref<!tpu.dma_semaphore, #tpu.memory_space<semaphore_mem>>
      %dma_start3A_79 = tpu.memref_slice %arg3[%add3A_22] : memref<4096xi32, #tpu.memory_space<hbm>> -> memref<16xi32, #tpu.memory_space<hbm>>
      %dma_start3A_80 = tpu.memref_slice %arg3[%add3A_22] : memref<4096xi32, #tpu.memory_space<hbm>> -> memref<16xi32, #tpu.memory_space<hbm>>
      tpu.enqueue_dma source(%dma_start3A_80 : memref<16xi32, #tpu.memory_space<hbm>>) target(%arg5 : memref<16xi32, #tpu.memory_space<vmem>>) target_semaphore(%run_scoped3A : memref<!tpu.dma_semaphore, #tpu.memory_space<semaphore_mem>>)
      %dma_wait3A_81 = tpu.memref_slice %arg3[%add3A_22] : memref<4096xi32, #tpu.memory_space<hbm>> -> memref<16xi32, #tpu.memory_space<hbm>>
      %dma_wait3A_82 = tpu.memref_slice %arg3[%add3A_22] : memref<4096xi32, #tpu.memory_space<hbm>> -> memref<16xi32, #tpu.memory_space<hbm>>
      tpu.wait_dma2 semaphore(%run_scoped3A : memref<!tpu.dma_semaphore, #tpu.memory_space<semaphore_mem>>) src(%dma_wait3A_82 : memref<16xi32, #tpu.memory_space<hbm>>) dst(%arg5 : memref<16xi32, #tpu.memory_space<vmem>>)
      tpu.yield
    }) : () -> ()
    %dma_start3A_23 = arith.constant 0 : i32
    %dma_start3A_24 = arith.constant 0 : i32
    %dma_start3A_25 = tpu.memref_slice %arg2[%dma_start3A_23, %dma_start3A_24] : memref<5120x1024xf32, #tpu.memory_space<hbm>> -> memref<5120x1024xf32, #tpu.memory_space<hbm>>
    tpu.enqueue_indirect_dma source(%dma_start3A_25 : memref<5120x1024xf32, #tpu.memory_space<hbm>>) target(%arg6 : memref<16x1024xf32, #tpu.memory_space<vmem>>) offsets(%arg5 : memref<16xi32, #tpu.memory_space<vmem>>) semaphore(%arg7 : memref<!tpu.dma_semaphore, #tpu.memory_space<semaphore_mem>>)
    %dma_wait3A_26 = arith.constant 0 : i32
    %dma_wait3A_27 = arith.constant 0 : i32
    %dma_wait3A_28 = tpu.memref_slice %arg2[%dma_wait3A_26, %dma_wait3A_27] : memref<5120x1024xf32, #tpu.memory_space<hbm>> -> memref<5120x1024xf32, #tpu.memory_space<hbm>>
    tpu.wait_indirect_dma semaphore(%arg7 : memref<!tpu.dma_semaphore, #tpu.memory_space<semaphore_mem>>) src(%dma_wait3A_28 : memref<5120x1024xf32, #tpu.memory_space<hbm>>) dst(%arg6 : memref<16x1024xf32, #tpu.memory_space<vmem>>)
    "tpu.region"() ({
      %run_scoped3A = tpu.sem_alloc : memref<!tpu.dma_semaphore, #tpu.memory_space<semaphore_mem>>
      %dma_start3A_79 = arith.constant 0 : i32
      %dma_start3A_80 = tpu.memref_slice %arg4[%add3A_22, %dma_start3A_79] : memref<4096x1024xf32, #tpu.memory_space<hbm>> -> memref<16x1024xf32, #tpu.memory_space<hbm>>
      %dma_start3A_81 = arith.constant 0 : i32
      %dma_start3A_82 = tpu.memref_slice %arg4[%add3A_22, %dma_start3A_81] : memref<4096x1024xf32, #tpu.memory_space<hbm>> -> memref<16x1024xf32, #tpu.memory_space<hbm>>
      tpu.enqueue_dma source(%arg6 : memref<16x1024xf32, #tpu.memory_space<vmem>>) target(%dma_start3A_82 : memref<16x1024xf32, #tpu.memory_space<hbm>>) target_semaphore(%run_scoped3A : memref<!tpu.dma_semaphore, #tpu.memory_space<semaphore_mem>>)
      %dma_wait3A_83 = arith.constant 0 : i32
      %dma_wait3A_84 = tpu.memref_slice %arg4[%add3A_22, %dma_wait3A_83] : memref<4096x1024xf32, #tpu.memory_space<hbm>> -> memref<16x1024xf32, #tpu.memory_space<hbm>>
      %dma_wait3A_85 = arith.constant 0 : i32
      %dma_wait3A_86 = tpu.memref_slice %arg4[%add3A_22, %dma_wait3A_85] : memref<4096x1024xf32, #tpu.memory_space<hbm>> -> memref<16x1024xf32, #tpu.memory_space<hbm>>
      tpu.wait_dma2 semaphore(%run_scoped3A : memref<!tpu.dma_semaphore, #tpu.memory_space<semaphore_mem>>) src(%arg6 : memref<16x1024xf32, #tpu.memory_space<vmem>>) dst(%dma_wait3A_86 : memref<16x1024xf32, #tpu.memory_space<hbm>>)
      tpu.yield
    }) : () -> ()
    %mul3A_29 = arith.constant 128 : i32
    %mul3A_30 = arith.muli %add3A, %mul3A_29 : i32
    %add3A_31 = arith.constant 48 : i32
    %add3A_32 = arith.addi %mul3A_30, %add3A_31 : i32
    "tpu.region"() ({
      %run_scoped3A = tpu.sem_alloc : memref<!tpu.dma_semaphore, #tpu.memory_space<semaphore_mem>>
      %dma_start3A_79 = tpu.memref_slice %arg3[%add3A_32] : memref<4096xi32, #tpu.memory_space<hbm>> -> memref<16xi32, #tpu.memory_space<hbm>>
      %dma_start3A_80 = tpu.memref_slice %arg3[%add3A_32] : memref<4096xi32, #tpu.memory_space<hbm>> -> memref<16xi32, #tpu.memory_space<hbm>>
      tpu.enqueue_dma source(%dma_start3A_80 : memref<16xi32, #tpu.memory_space<hbm>>) target(%arg5 : memref<16xi32, #tpu.memory_space<vmem>>) target_semaphore(%run_scoped3A : memref<!tpu.dma_semaphore, #tpu.memory_space<semaphore_mem>>)
      %dma_wait3A_81 = tpu.memref_slice %arg3[%add3A_32] : memref<4096xi32, #tpu.memory_space<hbm>> -> memref<16xi32, #tpu.memory_space<hbm>>
      %dma_wait3A_82 = tpu.memref_slice %arg3[%add3A_32] : memref<4096xi32, #tpu.memory_space<hbm>> -> memref<16xi32, #tpu.memory_space<hbm>>
      tpu.wait_dma2 semaphore(%run_scoped3A : memref<!tpu.dma_semaphore, #tpu.memory_space<semaphore_mem>>) src(%dma_wait3A_82 : memref<16xi32, #tpu.memory_space<hbm>>) dst(%arg5 : memref<16xi32, #tpu.memory_space<vmem>>)
      tpu.yield
    }) : () -> ()
    %dma_start3A_33 = arith.constant 0 : i32
    %dma_start3A_34 = arith.constant 0 : i32
    %dma_start3A_35 = tpu.memref_slice %arg2[%dma_start3A_33, %dma_start3A_34] : memref<5120x1024xf32, #tpu.memory_space<hbm>> -> memref<5120x1024xf32, #tpu.memory_space<hbm>>
    tpu.enqueue_indirect_dma source(%dma_start3A_35 : memref<5120x1024xf32, #tpu.memory_space<hbm>>) target(%arg6 : memref<16x1024xf32, #tpu.memory_space<vmem>>) offsets(%arg5 : memref<16xi32, #tpu.memory_space<vmem>>) semaphore(%arg7 : memref<!tpu.dma_semaphore, #tpu.memory_space<semaphore_mem>>)
    %dma_wait3A_36 = arith.constant 0 : i32
    %dma_wait3A_37 = arith.constant 0 : i32
    %dma_wait3A_38 = tpu.memref_slice %arg2[%dma_wait3A_36, %dma_wait3A_37] : memref<5120x1024xf32, #tpu.memory_space<hbm>> -> memref<5120x1024xf32, #tpu.memory_space<hbm>>
    tpu.wait_indirect_dma semaphore(%arg7 : memref<!tpu.dma_semaphore, #tpu.memory_space<semaphore_mem>>) src(%dma_wait3A_38 : memref<5120x1024xf32, #tpu.memory_space<hbm>>) dst(%arg6 : memref<16x1024xf32, #tpu.memory_space<vmem>>)
    "tpu.region"() ({
      %run_scoped3A = tpu.sem_alloc : memref<!tpu.dma_semaphore, #tpu.memory_space<semaphore_mem>>
      %dma_start3A_79 = arith.constant 0 : i32
      %dma_start3A_80 = tpu.memref_slice %arg4[%add3A_32, %dma_start3A_79] : memref<4096x1024xf32, #tpu.memory_space<hbm>> -> memref<16x1024xf32, #tpu.memory_space<hbm>>
      %dma_start3A_81 = arith.constant 0 : i32
      %dma_start3A_82 = tpu.memref_slice %arg4[%add3A_32, %dma_start3A_81] : memref<4096x1024xf32, #tpu.memory_space<hbm>> -> memref<16x1024xf32, #tpu.memory_space<hbm>>
      tpu.enqueue_dma source(%arg6 : memref<16x1024xf32, #tpu.memory_space<vmem>>) target(%dma_start3A_82 : memref<16x1024xf32, #tpu.memory_space<hbm>>) target_semaphore(%run_scoped3A : memref<!tpu.dma_semaphore, #tpu.memory_space<semaphore_mem>>)
      %dma_wait3A_83 = arith.constant 0 : i32
      %dma_wait3A_84 = tpu.memref_slice %arg4[%add3A_32, %dma_wait3A_83] : memref<4096x1024xf32, #tpu.memory_space<hbm>> -> memref<16x1024xf32, #tpu.memory_space<hbm>>
      %dma_wait3A_85 = arith.constant 0 : i32
      %dma_wait3A_86 = tpu.memref_slice %arg4[%add3A_32, %dma_wait3A_85] : memref<4096x1024xf32, #tpu.memory_space<hbm>> -> memref<16x1024xf32, #tpu.memory_space<hbm>>
      tpu.wait_dma2 semaphore(%run_scoped3A : memref<!tpu.dma_semaphore, #tpu.memory_space<semaphore_mem>>) src(%arg6 : memref<16x1024xf32, #tpu.memory_space<vmem>>) dst(%dma_wait3A_86 : memref<16x1024xf32, #tpu.memory_space<hbm>>)
      tpu.yield
    }) : () -> ()
    %mul3A_39 = arith.constant 128 : i32
    %mul3A_40 = arith.muli %add3A, %mul3A_39 : i32
    %add3A_41 = arith.constant 64 : i32
    %add3A_42 = arith.addi %mul3A_40, %add3A_41 : i32
    "tpu.region"() ({
      %run_scoped3A = tpu.sem_alloc : memref<!tpu.dma_semaphore, #tpu.memory_space<semaphore_mem>>
      %dma_start3A_79 = tpu.memref_slice %arg3[%add3A_42] : memref<4096xi32, #tpu.memory_space<hbm>> -> memref<16xi32, #tpu.memory_space<hbm>>
      %dma_start3A_80 = tpu.memref_slice %arg3[%add3A_42] : memref<4096xi32, #tpu.memory_space<hbm>> -> memref<16xi32, #tpu.memory_space<hbm>>
      tpu.enqueue_dma source(%dma_start3A_80 : memref<16xi32, #tpu.memory_space<hbm>>) target(%arg5 : memref<16xi32, #tpu.memory_space<vmem>>) target_semaphore(%run_scoped3A : memref<!tpu.dma_semaphore, #tpu.memory_space<semaphore_mem>>)
      %dma_wait3A_81 = tpu.memref_slice %arg3[%add3A_42] : memref<4096xi32, #tpu.memory_space<hbm>> -> memref<16xi32, #tpu.memory_space<hbm>>
      %dma_wait3A_82 = tpu.memref_slice %arg3[%add3A_42] : memref<4096xi32, #tpu.memory_space<hbm>> -> memref<16xi32, #tpu.memory_space<hbm>>
      tpu.wait_dma2 semaphore(%run_scoped3A : memref<!tpu.dma_semaphore, #tpu.memory_space<semaphore_mem>>) src(%dma_wait3A_82 : memref<16xi32, #tpu.memory_space<hbm>>) dst(%arg5 : memref<16xi32, #tpu.memory_space<vmem>>)
      tpu.yield
    }) : () -> ()
    %dma_start3A_43 = arith.constant 0 : i32
    %dma_start3A_44 = arith.constant 0 : i32
    %dma_start3A_45 = tpu.memref_slice %arg2[%dma_start3A_43, %dma_start3A_44] : memref<5120x1024xf32, #tpu.memory_space<hbm>> -> memref<5120x1024xf32, #tpu.memory_space<hbm>>
    tpu.enqueue_indirect_dma source(%dma_start3A_45 : memref<5120x1024xf32, #tpu.memory_space<hbm>>) target(%arg6 : memref<16x1024xf32, #tpu.memory_space<vmem>>) offsets(%arg5 : memref<16xi32, #tpu.memory_space<vmem>>) semaphore(%arg7 : memref<!tpu.dma_semaphore, #tpu.memory_space<semaphore_mem>>)
    %dma_wait3A_46 = arith.constant 0 : i32
    %dma_wait3A_47 = arith.constant 0 : i32
    %dma_wait3A_48 = tpu.memref_slice %arg2[%dma_wait3A_46, %dma_wait3A_47] : memref<5120x1024xf32, #tpu.memory_space<hbm>> -> memref<5120x1024xf32, #tpu.memory_space<hbm>>
    tpu.wait_indirect_dma semaphore(%arg7 : memref<!tpu.dma_semaphore, #tpu.memory_space<semaphore_mem>>) src(%dma_wait3A_48 : memref<5120x1024xf32, #tpu.memory_space<hbm>>) dst(%arg6 : memref<16x1024xf32, #tpu.memory_space<vmem>>)
    "tpu.region"() ({
      %run_scoped3A = tpu.sem_alloc : memref<!tpu.dma_semaphore, #tpu.memory_space<semaphore_mem>>
      %dma_start3A_79 = arith.constant 0 : i32
      %dma_start3A_80 = tpu.memref_slice %arg4[%add3A_42, %dma_start3A_79] : memref<4096x1024xf32, #tpu.memory_space<hbm>> -> memref<16x1024xf32, #tpu.memory_space<hbm>>
      %dma_start3A_81 = arith.constant 0 : i32
      %dma_start3A_82 = tpu.memref_slice %arg4[%add3A_42, %dma_start3A_81] : memref<4096x1024xf32, #tpu.memory_space<hbm>> -> memref<16x1024xf32, #tpu.memory_space<hbm>>
      tpu.enqueue_dma source(%arg6 : memref<16x1024xf32, #tpu.memory_space<vmem>>) target(%dma_start3A_82 : memref<16x1024xf32, #tpu.memory_space<hbm>>) target_semaphore(%run_scoped3A : memref<!tpu.dma_semaphore, #tpu.memory_space<semaphore_mem>>)
      %dma_wait3A_83 = arith.constant 0 : i32
      %dma_wait3A_84 = tpu.memref_slice %arg4[%add3A_42, %dma_wait3A_83] : memref<4096x1024xf32, #tpu.memory_space<hbm>> -> memref<16x1024xf32, #tpu.memory_space<hbm>>
      %dma_wait3A_85 = arith.constant 0 : i32
      %dma_wait3A_86 = tpu.memref_slice %arg4[%add3A_42, %dma_wait3A_85] : memref<4096x1024xf32, #tpu.memory_space<hbm>> -> memref<16x1024xf32, #tpu.memory_space<hbm>>
      tpu.wait_dma2 semaphore(%run_scoped3A : memref<!tpu.dma_semaphore, #tpu.memory_space<semaphore_mem>>) src(%arg6 : memref<16x1024xf32, #tpu.memory_space<vmem>>) dst(%dma_wait3A_86 : memref<16x1024xf32, #tpu.memory_space<hbm>>)
      tpu.yield
    }) : () -> ()
    %mul3A_49 = arith.constant 128 : i32
    %mul3A_50 = arith.muli %add3A, %mul3A_49 : i32
    %add3A_51 = arith.constant 80 : i32
    %add3A_52 = arith.addi %mul3A_50, %add3A_51 : i32
    "tpu.region"() ({
      %run_scoped3A = tpu.sem_alloc : memref<!tpu.dma_semaphore, #tpu.memory_space<semaphore_mem>>
      %dma_start3A_79 = tpu.memref_slice %arg3[%add3A_52] : memref<4096xi32, #tpu.memory_space<hbm>> -> memref<16xi32, #tpu.memory_space<hbm>>
      %dma_start3A_80 = tpu.memref_slice %arg3[%add3A_52] : memref<4096xi32, #tpu.memory_space<hbm>> -> memref<16xi32, #tpu.memory_space<hbm>>
      tpu.enqueue_dma source(%dma_start3A_80 : memref<16xi32, #tpu.memory_space<hbm>>) target(%arg5 : memref<16xi32, #tpu.memory_space<vmem>>) target_semaphore(%run_scoped3A : memref<!tpu.dma_semaphore, #tpu.memory_space<semaphore_mem>>)
      %dma_wait3A_81 = tpu.memref_slice %arg3[%add3A_52] : memref<4096xi32, #tpu.memory_space<hbm>> -> memref<16xi32, #tpu.memory_space<hbm>>
      %dma_wait3A_82 = tpu.memref_slice %arg3[%add3A_52] : memref<4096xi32, #tpu.memory_space<hbm>> -> memref<16xi32, #tpu.memory_space<hbm>>
      tpu.wait_dma2 semaphore(%run_scoped3A : memref<!tpu.dma_semaphore, #tpu.memory_space<semaphore_mem>>) src(%dma_wait3A_82 : memref<16xi32, #tpu.memory_space<hbm>>) dst(%arg5 : memref<16xi32, #tpu.memory_space<vmem>>)
      tpu.yield
    }) : () -> ()
    %dma_start3A_53 = arith.constant 0 : i32
    %dma_start3A_54 = arith.constant 0 : i32
    %dma_start3A_55 = tpu.memref_slice %arg2[%dma_start3A_53, %dma_start3A_54] : memref<5120x1024xf32, #tpu.memory_space<hbm>> -> memref<5120x1024xf32, #tpu.memory_space<hbm>>
    tpu.enqueue_indirect_dma source(%dma_start3A_55 : memref<5120x1024xf32, #tpu.memory_space<hbm>>) target(%arg6 : memref<16x1024xf32, #tpu.memory_space<vmem>>) offsets(%arg5 : memref<16xi32, #tpu.memory_space<vmem>>) semaphore(%arg7 : memref<!tpu.dma_semaphore, #tpu.memory_space<semaphore_mem>>)
    %dma_wait3A_56 = arith.constant 0 : i32
    %dma_wait3A_57 = arith.constant 0 : i32
    %dma_wait3A_58 = tpu.memref_slice %arg2[%dma_wait3A_56, %dma_wait3A_57] : memref<5120x1024xf32, #tpu.memory_space<hbm>> -> memref<5120x1024xf32, #tpu.memory_space<hbm>>
    tpu.wait_indirect_dma semaphore(%arg7 : memref<!tpu.dma_semaphore, #tpu.memory_space<semaphore_mem>>) src(%dma_wait3A_58 : memref<5120x1024xf32, #tpu.memory_space<hbm>>) dst(%arg6 : memref<16x1024xf32, #tpu.memory_space<vmem>>)
    "tpu.region"() ({
      %run_scoped3A = tpu.sem_alloc : memref<!tpu.dma_semaphore, #tpu.memory_space<semaphore_mem>>
      %dma_start3A_79 = arith.constant 0 : i32
      %dma_start3A_80 = tpu.memref_slice %arg4[%add3A_52, %dma_start3A_79] : memref<4096x1024xf32, #tpu.memory_space<hbm>> -> memref<16x1024xf32, #tpu.memory_space<hbm>>
      %dma_start3A_81 = arith.constant 0 : i32
      %dma_start3A_82 = tpu.memref_slice %arg4[%add3A_52, %dma_start3A_81] : memref<4096x1024xf32, #tpu.memory_space<hbm>> -> memref<16x1024xf32, #tpu.memory_space<hbm>>
      tpu.enqueue_dma source(%arg6 : memref<16x1024xf32, #tpu.memory_space<vmem>>) target(%dma_start3A_82 : memref<16x1024xf32, #tpu.memory_space<hbm>>) target_semaphore(%run_scoped3A : memref<!tpu.dma_semaphore, #tpu.memory_space<semaphore_mem>>)
      %dma_wait3A_83 = arith.constant 0 : i32
      %dma_wait3A_84 = tpu.memref_slice %arg4[%add3A_52, %dma_wait3A_83] : memref<4096x1024xf32, #tpu.memory_space<hbm>> -> memref<16x1024xf32, #tpu.memory_space<hbm>>
      %dma_wait3A_85 = arith.constant 0 : i32
      %dma_wait3A_86 = tpu.memref_slice %arg4[%add3A_52, %dma_wait3A_85] : memref<4096x1024xf32, #tpu.memory_space<hbm>> -> memref<16x1024xf32, #tpu.memory_space<hbm>>
      tpu.wait_dma2 semaphore(%run_scoped3A : memref<!tpu.dma_semaphore, #tpu.memory_space<semaphore_mem>>) src(%arg6 : memref<16x1024xf32, #tpu.memory_space<vmem>>) dst(%dma_wait3A_86 : memref<16x1024xf32, #tpu.memory_space<hbm>>)
      tpu.yield
    }) : () -> ()
    %mul3A_59 = arith.constant 128 : i32
    %mul3A_60 = arith.muli %add3A, %mul3A_59 : i32
    %add3A_61 = arith.constant 96 : i32
    %add3A_62 = arith.addi %mul3A_60, %add3A_61 : i32
    "tpu.region"() ({
      %run_scoped3A = tpu.sem_alloc : memref<!tpu.dma_semaphore, #tpu.memory_space<semaphore_mem>>
      %dma_start3A_79 = tpu.memref_slice %arg3[%add3A_62] : memref<4096xi32, #tpu.memory_space<hbm>> -> memref<16xi32, #tpu.memory_space<hbm>>
      %dma_start3A_80 = tpu.memref_slice %arg3[%add3A_62] : memref<4096xi32, #tpu.memory_space<hbm>> -> memref<16xi32, #tpu.memory_space<hbm>>
      tpu.enqueue_dma source(%dma_start3A_80 : memref<16xi32, #tpu.memory_space<hbm>>) target(%arg5 : memref<16xi32, #tpu.memory_space<vmem>>) target_semaphore(%run_scoped3A : memref<!tpu.dma_semaphore, #tpu.memory_space<semaphore_mem>>)
      %dma_wait3A_81 = tpu.memref_slice %arg3[%add3A_62] : memref<4096xi32, #tpu.memory_space<hbm>> -> memref<16xi32, #tpu.memory_space<hbm>>
      %dma_wait3A_82 = tpu.memref_slice %arg3[%add3A_62] : memref<4096xi32, #tpu.memory_space<hbm>> -> memref<16xi32, #tpu.memory_space<hbm>>
      tpu.wait_dma2 semaphore(%run_scoped3A : memref<!tpu.dma_semaphore, #tpu.memory_space<semaphore_mem>>) src(%dma_wait3A_82 : memref<16xi32, #tpu.memory_space<hbm>>) dst(%arg5 : memref<16xi32, #tpu.memory_space<vmem>>)
      tpu.yield
    }) : () -> ()
    %dma_start3A_63 = arith.constant 0 : i32
    %dma_start3A_64 = arith.constant 0 : i32
    %dma_start3A_65 = tpu.memref_slice %arg2[%dma_start3A_63, %dma_start3A_64] : memref<5120x1024xf32, #tpu.memory_space<hbm>> -> memref<5120x1024xf32, #tpu.memory_space<hbm>>
    tpu.enqueue_indirect_dma source(%dma_start3A_65 : memref<5120x1024xf32, #tpu.memory_space<hbm>>) target(%arg6 : memref<16x1024xf32, #tpu.memory_space<vmem>>) offsets(%arg5 : memref<16xi32, #tpu.memory_space<vmem>>) semaphore(%arg7 : memref<!tpu.dma_semaphore, #tpu.memory_space<semaphore_mem>>)
    %dma_wait3A_66 = arith.constant 0 : i32
    %dma_wait3A_67 = arith.constant 0 : i32
    %dma_wait3A_68 = tpu.memref_slice %arg2[%dma_wait3A_66, %dma_wait3A_67] : memref<5120x1024xf32, #tpu.memory_space<hbm>> -> memref<5120x1024xf32, #tpu.memory_space<hbm>>
    tpu.wait_indirect_dma semaphore(%arg7 : memref<!tpu.dma_semaphore, #tpu.memory_space<semaphore_mem>>) src(%dma_wait3A_68 : memref<5120x1024xf32, #tpu.memory_space<hbm>>) dst(%arg6 : memref<16x1024xf32, #tpu.memory_space<vmem>>)
    "tpu.region"() ({
      %run_scoped3A = tpu.sem_alloc : memref<!tpu.dma_semaphore, #tpu.memory_space<semaphore_mem>>
      %dma_start3A_79 = arith.constant 0 : i32
      %dma_start3A_80 = tpu.memref_slice %arg4[%add3A_62, %dma_start3A_79] : memref<4096x1024xf32, #tpu.memory_space<hbm>> -> memref<16x1024xf32, #tpu.memory_space<hbm>>
      %dma_start3A_81 = arith.constant 0 : i32
      %dma_start3A_82 = tpu.memref_slice %arg4[%add3A_62, %dma_start3A_81] : memref<4096x1024xf32, #tpu.memory_space<hbm>> -> memref<16x1024xf32, #tpu.memory_space<hbm>>
      tpu.enqueue_dma source(%arg6 : memref<16x1024xf32, #tpu.memory_space<vmem>>) target(%dma_start3A_82 : memref<16x1024xf32, #tpu.memory_space<hbm>>) target_semaphore(%run_scoped3A : memref<!tpu.dma_semaphore, #tpu.memory_space<semaphore_mem>>)
      %dma_wait3A_83 = arith.constant 0 : i32
      %dma_wait3A_84 = tpu.memref_slice %arg4[%add3A_62, %dma_wait3A_83] : memref<4096x1024xf32, #tpu.memory_space<hbm>> -> memref<16x1024xf32, #tpu.memory_space<hbm>>
      %dma_wait3A_85 = arith.constant 0 : i32
      %dma_wait3A_86 = tpu.memref_slice %arg4[%add3A_62, %dma_wait3A_85] : memref<4096x1024xf32, #tpu.memory_space<hbm>> -> memref<16x1024xf32, #tpu.memory_space<hbm>>
      tpu.wait_dma2 semaphore(%run_scoped3A : memref<!tpu.dma_semaphore, #tpu.memory_space<semaphore_mem>>) src(%arg6 : memref<16x1024xf32, #tpu.memory_space<vmem>>) dst(%dma_wait3A_86 : memref<16x1024xf32, #tpu.memory_space<hbm>>)
      tpu.yield
    }) : () -> ()
    %mul3A_69 = arith.constant 128 : i32
    %mul3A_70 = arith.muli %add3A, %mul3A_69 : i32
    %add3A_71 = arith.constant 112 : i32
    %add3A_72 = arith.addi %mul3A_70, %add3A_71 : i32
    "tpu.region"() ({
      %run_scoped3A = tpu.sem_alloc : memref<!tpu.dma_semaphore, #tpu.memory_space<semaphore_mem>>
      %dma_start3A_79 = tpu.memref_slice %arg3[%add3A_72] : memref<4096xi32, #tpu.memory_space<hbm>> -> memref<16xi32, #tpu.memory_space<hbm>>
      %dma_start3A_80 = tpu.memref_slice %arg3[%add3A_72] : memref<4096xi32, #tpu.memory_space<hbm>> -> memref<16xi32, #tpu.memory_space<hbm>>
      tpu.enqueue_dma source(%dma_start3A_80 : memref<16xi32, #tpu.memory_space<hbm>>) target(%arg5 : memref<16xi32, #tpu.memory_space<vmem>>) target_semaphore(%run_scoped3A : memref<!tpu.dma_semaphore, #tpu.memory_space<semaphore_mem>>)
      %dma_wait3A_81 = tpu.memref_slice %arg3[%add3A_72] : memref<4096xi32, #tpu.memory_space<hbm>> -> memref<16xi32, #tpu.memory_space<hbm>>
      %dma_wait3A_82 = tpu.memref_slice %arg3[%add3A_72] : memref<4096xi32, #tpu.memory_space<hbm>> -> memref<16xi32, #tpu.memory_space<hbm>>
      tpu.wait_dma2 semaphore(%run_scoped3A : memref<!tpu.dma_semaphore, #tpu.memory_space<semaphore_mem>>) src(%dma_wait3A_82 : memref<16xi32, #tpu.memory_space<hbm>>) dst(%arg5 : memref<16xi32, #tpu.memory_space<vmem>>)
      tpu.yield
    }) : () -> ()
    %dma_start3A_73 = arith.constant 0 : i32
    %dma_start3A_74 = arith.constant 0 : i32
    %dma_start3A_75 = tpu.memref_slice %arg2[%dma_start3A_73, %dma_start3A_74] : memref<5120x1024xf32, #tpu.memory_space<hbm>> -> memref<5120x1024xf32, #tpu.memory_space<hbm>>
    tpu.enqueue_indirect_dma source(%dma_start3A_75 : memref<5120x1024xf32, #tpu.memory_space<hbm>>) target(%arg6 : memref<16x1024xf32, #tpu.memory_space<vmem>>) offsets(%arg5 : memref<16xi32, #tpu.memory_space<vmem>>) semaphore(%arg7 : memref<!tpu.dma_semaphore, #tpu.memory_space<semaphore_mem>>)
    %dma_wait3A_76 = arith.constant 0 : i32
    %dma_wait3A_77 = arith.constant 0 : i32
    %dma_wait3A_78 = tpu.memref_slice %arg2[%dma_wait3A_76, %dma_wait3A_77] : memref<5120x1024xf32, #tpu.memory_space<hbm>> -> memref<5120x1024xf32, #tpu.memory_space<hbm>>
    tpu.wait_indirect_dma semaphore(%arg7 : memref<!tpu.dma_semaphore, #tpu.memory_space<semaphore_mem>>) src(%dma_wait3A_78 : memref<5120x1024xf32, #tpu.memory_space<hbm>>) dst(%arg6 : memref<16x1024xf32, #tpu.memory_space<vmem>>)
    "tpu.region"() ({
      %run_scoped3A = tpu.sem_alloc : memref<!tpu.dma_semaphore, #tpu.memory_space<semaphore_mem>>
      %dma_start3A_79 = arith.constant 0 : i32
      %dma_start3A_80 = tpu.memref_slice %arg4[%add3A_72, %dma_start3A_79] : memref<4096x1024xf32, #tpu.memory_space<hbm>> -> memref<16x1024xf32, #tpu.memory_space<hbm>>
      %dma_start3A_81 = arith.constant 0 : i32
      %dma_start3A_82 = tpu.memref_slice %arg4[%add3A_72, %dma_start3A_81] : memref<4096x1024xf32, #tpu.memory_space<hbm>> -> memref<16x1024xf32, #tpu.memory_space<hbm>>
      tpu.enqueue_dma source(%arg6 : memref<16x1024xf32, #tpu.memory_space<vmem>>) target(%dma_start3A_82 : memref<16x1024xf32, #tpu.memory_space<hbm>>) target_semaphore(%run_scoped3A : memref<!tpu.dma_semaphore, #tpu.memory_space<semaphore_mem>>)
      %dma_wait3A_83 = arith.constant 0 : i32
      %dma_wait3A_84 = tpu.memref_slice %arg4[%add3A_72, %dma_wait3A_83] : memref<4096x1024xf32, #tpu.memory_space<hbm>> -> memref<16x1024xf32, #tpu.memory_space<hbm>>
      %dma_wait3A_85 = arith.constant 0 : i32
      %dma_wait3A_86 = tpu.memref_slice %arg4[%add3A_72, %dma_wait3A_85] : memref<4096x1024xf32, #tpu.memory_space<hbm>> -> memref<16x1024xf32, #tpu.memory_space<hbm>>
      tpu.wait_dma2 semaphore(%run_scoped3A : memref<!tpu.dma_semaphore, #tpu.memory_space<semaphore_mem>>) src(%arg6 : memref<16x1024xf32, #tpu.memory_space<vmem>>) dst(%dma_wait3A_86 : memref<16x1024xf32, #tpu.memory_space<hbm>>)
      tpu.yield
    }) : () -> ()
    return
  }
}

module attributes {stable_mosaic.version = 14 : i64} {
  func.func @_ln1_qkv_body(%arg0: i32, %arg1: memref<256x1024xf32, #tpu.memory_space<vmem>>, %arg2: memref<1x1024xf32, #tpu.memory_space<vmem>>, %arg3: memref<3072x1024xf32, #tpu.memory_space<vmem>>, %arg4: memref<3072x256xf32, #tpu.memory_space<vmem>>) attributes {dimension_semantics = [#tpu.dimension_semantics<arbitrary>], iteration_bounds = array<i64: 8>, scalar_prefetch = 0 : i64, scratch_operands = 0 : i64, tpu.core_type = #tpu.core_type<tc>, window_params = [{transform_indices = @transform_0, window_bounds = array<i64: 256, 1024>}, {pipeline_mode = #tpu.pipeline_mode<synchronous>, transform_indices = @transform_1, window_bounds = array<i64: 1, 1024>}, {pipeline_mode = #tpu.pipeline_mode<synchronous>, transform_indices = @transform_2, window_bounds = array<i64: 3072, 1024>}, {transform_indices = @transform_3, window_bounds = array<i64: 3072, 256>}]} {
    %get3A = arith.constant 0 : index
    %get3A_0 = arith.constant 0 : index
    %get3A_1 = vector.load %arg1[%get3A, %get3A_0] : memref<256x1024xf32, #tpu.memory_space<vmem>>, vector<256x1024xf32>
    %get3A_2 = arith.constant 0 : index
    %get3A_3 = arith.constant 0 : index
    %get3A_4 = vector.load %arg2[%get3A_2, %get3A_3] : memref<1x1024xf32, #tpu.memory_space<vmem>>, vector<1x1024xf32>
    %reduce_sum3A = arith.constant dense<0.000000e+00> : vector<256xf32>
    %reduce_sum3A_5 = vector.multi_reduction <add>, %get3A_1, %reduce_sum3A [1] : vector<256x1024xf32> to vector<256xf32>
    %broadcast_in_dim3A = vector.shape_cast %reduce_sum3A_5 : vector<256xf32> to vector<256x1xf32>
    %div3A = arith.constant 1.024000e+03 : f32
    %div3A_6 = vector.broadcast %div3A : f32 to vector<256x1xf32>
    %div3A_7 = arith.divf %broadcast_in_dim3A, %div3A_6 : vector<256x1xf32>
    %jit3A = arith.constant 0 : i32
    %reduce_sum3A_8 = arith.constant dense<0.000000e+00> : vector<256xf32>
    %reduce_sum3A_9 = vector.multi_reduction <add>, %get3A_1, %reduce_sum3A_8 [1] : vector<256x1024xf32> to vector<256xf32>
    %broadcast_in_dim3A_10 = vector.shape_cast %reduce_sum3A_9 : vector<256xf32> to vector<256x1xf32>
    %div3A_11 = arith.constant 1.024000e+03 : f32
    %div3A_12 = vector.broadcast %div3A_11 : f32 to vector<256x1xf32>
    %div3A_13 = arith.divf %broadcast_in_dim3A_10, %div3A_12 : vector<256x1xf32>
    %sub3A = vector.broadcast %div3A_13 : vector<256x1xf32> to vector<256x1024xf32>
    %sub3A_14 = arith.subf %get3A_1, %sub3A : vector<256x1024xf32>
    %square3A = arith.mulf %sub3A_14, %sub3A_14 : vector<256x1024xf32>
    %convert_element_type3A = arith.sitofp %jit3A : i32 to f32
    %sub3A_15 = arith.constant 1.024000e+03 : f32
    %sub3A_16 = arith.subf %sub3A_15, %convert_element_type3A : f32
    %reduce_sum3A_17 = arith.constant dense<0.000000e+00> : vector<256xf32>
    %reduce_sum3A_18 = vector.multi_reduction <add>, %square3A, %reduce_sum3A_17 [1] : vector<256x1024xf32> to vector<256xf32>
    %broadcast_in_dim3A_19 = vector.shape_cast %reduce_sum3A_18 : vector<256xf32> to vector<256x1xf32>
    %div3A_20 = vector.broadcast %sub3A_16 : f32 to vector<256x1xf32>
    %div3A_21 = arith.divf %broadcast_in_dim3A_19, %div3A_20 : vector<256x1xf32>
    %gt3A = arith.constant 0.000000e+00 : f32
    %gt3A_22 = arith.cmpf ogt, %sub3A_16, %gt3A : f32
    %jit3A_23 = arith.constant 0x7FC00000 : f32
    %broadcast_in_dim3A_24 = vector.broadcast %jit3A_23 : f32 to vector<256x1xf32>
    %select_n3A = arith.select %gt3A_22, %div3A_21, %broadcast_in_dim3A_24 : vector<256x1xf32>
    %sub3A_25 = vector.broadcast %div3A_7 : vector<256x1xf32> to vector<256x1024xf32>
    %sub3A_26 = arith.subf %get3A_1, %sub3A_25 : vector<256x1024xf32>
    %add3A = arith.constant 9.99999974E-6 : f32
    %add3A_27 = vector.broadcast %add3A : f32 to vector<256x1xf32>
    %add3A_28 = arith.addf %select_n3A, %add3A_27 : vector<256x1xf32>
    %sqrt3A = math.sqrt %add3A_28 : vector<256x1xf32>
    %div3A_29 = vector.broadcast %sqrt3A : vector<256x1xf32> to vector<256x1024xf32>
    %div3A_30 = arith.divf %sub3A_26, %div3A_29 : vector<256x1024xf32>
    %mul3A = vector.broadcast %get3A_4 : vector<1x1024xf32> to vector<256x1024xf32>
    %mul3A_31 = arith.mulf %div3A_30, %mul3A : vector<256x1024xf32>
    %get3A_32 = arith.constant 0 : index
    %get3A_33 = arith.constant 0 : index
    %get3A_34 = vector.load %arg3[%get3A_32, %get3A_33] : memref<3072x1024xf32, #tpu.memory_space<vmem>>, vector<3072x1024xf32>
    %dot_general3A = arith.constant dense<0.000000e+00> : vector<3072x256xf32>
    %dot_general3A_35 = tpu.matmul %get3A_34, %mul3A_31, %dot_general3A {dimension_numbers = #tpu.dot_dimension_numbers<[1], [1], [0], [0], [0, 0, 1, 0], [], []>, transpose_lhs_hint = false} : vector<3072x1024xf32>, vector<256x1024xf32>, vector<3072x256xf32> -> vector<3072x256xf32>
    %swap3A = arith.constant 0 : index
    %swap3A_36 = arith.constant 0 : index
    %swap3A_37 = vector.load %arg4[%swap3A, %swap3A_36] : memref<3072x256xf32, #tpu.memory_space<vmem>>, vector<3072x256xf32>
    tpu.vector_store %arg4[%swap3A, %swap3A_36], %dot_general3A_35 {strides = array<i32>} : memref<3072x256xf32, #tpu.memory_space<vmem>>, vector<3072x256xf32>,
    return
  }
  func.func @transform_0(%arg0: i32) -> (i32, i32) {
    %c0_i32 = arith.constant 0 : i32
    %c0_i32_0 = arith.constant 0 : i32
    return %arg0, %c0_i32 : i32, i32
  }
  func.func @transform_1(%arg0: i32) -> (i32, i32) {
    %c0_i32 = arith.constant 0 : i32
    %c0_i32_0 = arith.constant 0 : i32
    %c0_i32_1 = arith.constant 0 : i32
    return %c0_i32, %c0_i32_0 : i32, i32
  }
  func.func @transform_2(%arg0: i32) -> (i32, i32) {
    %c0_i32 = arith.constant 0 : i32
    %c0_i32_0 = arith.constant 0 : i32
    %c0_i32_1 = arith.constant 0 : i32
    return %c0_i32, %c0_i32_0 : i32, i32
  }
  func.func @transform_3(%arg0: i32) -> (i32, i32) {
    %c0_i32 = arith.constant 0 : i32
    %c0_i32_0 = arith.constant 0 : i32
    return %c0_i32, %arg0 : i32, i32
  }
}

module attributes {stable_mosaic.version = 14 : i64} {
  func.func @_attn_body(%arg0: i32, %arg1: i32, %arg2: memref<1x64x512xf32, #tpu.memory_space<vmem>>, %arg3: memref<1x64x2048xf32, #tpu.memory_space<vmem>>, %arg4: memref<1x64x2048xf32, #tpu.memory_space<vmem>>, %arg5: memref<1x512x64xf32, #tpu.memory_space<vmem>>) attributes {dimension_semantics = [#tpu.dimension_semantics<arbitrary>, #tpu.dimension_semantics<arbitrary>], iteration_bounds = array<i64: 16, 4>, scalar_prefetch = 0 : i64, scratch_operands = 0 : i64, tpu.core_type = #tpu.core_type<tc>, window_params = [{transform_indices = @transform_0, window_bounds = array<i64: 1, 64, 512>}, {transform_indices = @transform_1, window_bounds = array<i64: 1, 64, 2048>}, {transform_indices = @transform_2, window_bounds = array<i64: 1, 64, 2048>}, {transform_indices = @transform_3, window_bounds = array<i64: 1, 512, 64>}]} {
    %get3A = arith.constant 0 : index
    %get3A_0 = arith.constant 0 : index
    %get3A_1 = arith.constant 0 : index
    %get3A_2 = vector.load %arg2[%get3A, %get3A_0, %get3A_1] : memref<1x64x512xf32, #tpu.memory_space<vmem>>, vector<1x64x512xf32>
    %get3A_3 = vector.shape_cast %get3A_2 : vector<1x64x512xf32> to vector<64x512xf32>
    %get3A_4 = arith.constant 0 : index
    %get3A_5 = arith.constant 0 : index
    %get3A_6 = arith.constant 0 : index
    %get3A_7 = vector.load %arg3[%get3A_4, %get3A_5, %get3A_6] : memref<1x64x2048xf32, #tpu.memory_space<vmem>>, vector<1x64x2048xf32>
    %get3A_8 = vector.shape_cast %get3A_7 : vector<1x64x2048xf32> to vector<64x2048xf32>
    %get3A_9 = arith.constant 0 : index
    %get3A_10 = arith.constant 0 : index
    %get3A_11 = arith.constant 0 : index
    %get3A_12 = vector.load %arg4[%get3A_9, %get3A_10, %get3A_11] : memref<1x64x2048xf32, #tpu.memory_space<vmem>>, vector<1x64x2048xf32>
    %get3A_13 = vector.shape_cast %get3A_12 : vector<1x64x2048xf32> to vector<64x2048xf32>
    %dot_general3A = arith.constant dense<0.000000e+00> : vector<512x2048xf32>
    %dot_general3A_14 = tpu.matmul %get3A_3, %get3A_8, %dot_general3A {dimension_numbers = #tpu.dot_dimension_numbers<[0], [0], [1], [1], [0, 1, 1, 1], [], []>, transpose_lhs_hint = false} : vector<64x512xf32>, vector<64x2048xf32>, vector<512x2048xf32> -> vector<512x2048xf32>
    %mul3A = arith.constant 1.250000e-01 : f32
    %mul3A_15 = vector.broadcast %mul3A : f32 to vector<512x2048xf32>
    %mul3A_16 = arith.mulf %dot_general3A_14, %mul3A_15 : vector<512x2048xf32>
    %mul3A_17 = arith.constant 512 : i32
    %mul3A_18 = arith.muli %arg1, %mul3A_17 : i32
    %iota3A = tpu.iota {dimensions = array<i32: 0>} : vector<512x2048xi32>
    %add3A = vector.broadcast %mul3A_18 : i32 to vector<512x2048xi32>
    %add3A_19 = arith.addi %add3A, %iota3A : vector<512x2048xi32>
    %iota3A_20 = tpu.iota {dimensions = array<i32: 1>} : vector<512x2048xi32>
    %ge3A = arith.cmpi sge, %add3A_19, %iota3A_20 : vector<512x2048xi32>
    %jit3A = arith.constant -1.000000e+30 : f32
    %broadcast_in_dim3A = vector.broadcast %jit3A : f32 to vector<512x2048xf32>
    %select_n3A = arith.select %ge3A, %mul3A_16, %broadcast_in_dim3A : vector<512x2048xi1>, vector<512x2048xf32>
    %reduce_max3A = arith.constant dense<0xFF800000> : vector<512xf32>
    %reduce_max3A_21 = vector.multi_reduction <maximumf>, %select_n3A, %reduce_max3A [1] : vector<512x2048xf32> to vector<512xf32>
    %broadcast_in_dim3A_22 = vector.shape_cast %reduce_max3A_21 : vector<512xf32> to vector<512x1xf32>
    %sub3A = vector.broadcast %broadcast_in_dim3A_22 : vector<512x1xf32> to vector<512x2048xf32>
    %sub3A_23 = arith.subf %select_n3A, %sub3A : vector<512x2048xf32>
    %exp3A = math.exp %sub3A_23 : vector<512x2048xf32>
    %reduce_sum3A = arith.constant dense<0.000000e+00> : vector<512xf32>
    %reduce_sum3A_24 = vector.multi_reduction <add>, %exp3A, %reduce_sum3A [1] : vector<512x2048xf32> to vector<512xf32>
    %broadcast_in_dim3A_25 = vector.shape_cast %reduce_sum3A_24 : vector<512xf32> to vector<512x1xf32>
    %div3A = vector.broadcast %broadcast_in_dim3A_25 : vector<512x1xf32> to vector<512x2048xf32>
    %div3A_26 = arith.divf %exp3A, %div3A : vector<512x2048xf32>
    %dot_general3A_27 = arith.constant dense<0.000000e+00> : vector<512x64xf32>
    %dot_general3A_28 = tpu.matmul %div3A_26, %get3A_13, %dot_general3A_27 {dimension_numbers = #tpu.dot_dimension_numbers<[1], [1], [0], [0], [0, 0, 1, 0], [], []>, transpose_lhs_hint = false} : vector<512x2048xf32>, vector<64x2048xf32>, vector<512x64xf32> -> vector<512x64xf32>
    %swap3A = arith.constant 0 : index
    %swap3A_29 = arith.constant 0 : index
    %swap3A_30 = arith.constant 0 : index
    %swap3A_31 = vector.load %arg5[%swap3A, %swap3A_29, %swap3A_30] : memref<1x512x64xf32, #tpu.memory_space<vmem>>, vector<1x512x64xf32>
    %swap3A_32 = vector.shape_cast %swap3A_31 : vector<1x512x64xf32> to vector<512x64xf32>
    %swap3A_33 = vector.shape_cast %dot_general3A_28 : vector<512x64xf32> to vector<1x512x64xf32>
    tpu.vector_store %arg5[%swap3A, %swap3A_29, %swap3A_30], %swap3A_33 {strides = array<i32>} : memref<1x512x64xf32, #tpu.memory_space<vmem>>, vector<1x512x64xf32>,
    return
  }
  func.func @transform_0(%arg0: i32, %arg1: i32) -> (i32, i32, i32) {
    %c0_i32 = arith.constant 0 : i32
    %c0_i32_0 = arith.constant 0 : i32
    return %arg0, %c0_i32, %arg1 : i32, i32, i32
  }
  func.func @transform_1(%arg0: i32, %arg1: i32) -> (i32, i32, i32) {
    %c0_i32 = arith.constant 0 : i32
    %c0_i32_0 = arith.constant 0 : i32
    %c0_i32_1 = arith.constant 0 : i32
    return %arg0, %c0_i32, %c0_i32_0 : i32, i32, i32
  }
  func.func @transform_2(%arg0: i32, %arg1: i32) -> (i32, i32, i32) {
    %c0_i32 = arith.constant 0 : i32
    %c0_i32_0 = arith.constant 0 : i32
    %c0_i32_1 = arith.constant 0 : i32
    return %arg0, %c0_i32, %c0_i32_0 : i32, i32, i32
  }
  func.func @transform_3(%arg0: i32, %arg1: i32) -> (i32, i32, i32) {
    %c0_i32 = arith.constant 0 : i32
    %c0_i32_0 = arith.constant 0 : i32
    return %arg0, %arg1, %c0_i32 : i32, i32, i32
  }
}

module attributes {stable_mosaic.version = 14 : i64} {
  func.func @_proj_ln2_router_body(%arg0: i32, %arg1: memref<256x1024xf32, #tpu.memory_space<vmem>>, %arg2: memref<256x1024xf32, #tpu.memory_space<vmem>>, %arg3: memref<1024x1024xf32, #tpu.memory_space<vmem>>, %arg4: memref<1x1024xf32, #tpu.memory_space<vmem>>, %arg5: memref<8x1024xf32, #tpu.memory_space<vmem>>, %arg6: memref<256x1024xf32, #tpu.memory_space<vmem>>, %arg7: memref<256x1024xf32, #tpu.memory_space<vmem>>, %arg8: memref<256x8xf32, #tpu.memory_space<vmem>>) attributes {dimension_semantics = [#tpu.dimension_semantics<arbitrary>], iteration_bounds = array<i64: 8>, scalar_prefetch = 0 : i64, scratch_operands = 0 : i64, tpu.core_type = #tpu.core_type<tc>, window_params = [{transform_indices = @transform_0, window_bounds = array<i64: 256, 1024>}, {transform_indices = @transform_1, window_bounds = array<i64: 256, 1024>}, {pipeline_mode = #tpu.pipeline_mode<synchronous>, transform_indices = @transform_2, window_bounds = array<i64: 1024, 1024>}, {pipeline_mode = #tpu.pipeline_mode<synchronous>, transform_indices = @transform_3, window_bounds = array<i64: 1, 1024>}, {pipeline_mode = #tpu.pipeline_mode<synchronous>, transform_indices = @transform_4, window_bounds = array<i64: 8, 1024>}, {transform_indices = @transform_5, window_bounds = array<i64: 256, 1024>}, {transform_indices = @transform_6, window_bounds = array<i64: 256, 1024>}, {transform_indices = @transform_7, window_bounds = array<i64: 256, 8>}]} {
    %get3A = arith.constant 0 : index
    %get3A_0 = arith.constant 0 : index
    %get3A_1 = vector.load %arg1[%get3A, %get3A_0] : memref<256x1024xf32, #tpu.memory_space<vmem>>, vector<256x1024xf32>
    %get3A_2 = arith.constant 0 : index
    %get3A_3 = arith.constant 0 : index
    %get3A_4 = vector.load %arg2[%get3A_2, %get3A_3] : memref<256x1024xf32, #tpu.memory_space<vmem>>, vector<256x1024xf32>
    %get3A_5 = arith.constant 0 : index
    %get3A_6 = arith.constant 0 : index
    %get3A_7 = vector.load %arg3[%get3A_5, %get3A_6] : memref<1024x1024xf32, #tpu.memory_space<vmem>>, vector<1024x1024xf32>
    %dot_general3A = arith.constant dense<0.000000e+00> : vector<256x1024xf32>
    %dot_general3A_8 = tpu.matmul %get3A_4, %get3A_7, %dot_general3A {dimension_numbers = #tpu.dot_dimension_numbers<[1], [1], [0], [0], [0, 0, 1, 0], [], []>, transpose_lhs_hint = false} : vector<256x1024xf32>, vector<1024x1024xf32>, vector<256x1024xf32> -> vector<256x1024xf32>
    %add3A = arith.addf %get3A_1, %dot_general3A_8 : vector<256x1024xf32>
    %swap3A = arith.constant 0 : index
    %swap3A_9 = arith.constant 0 : index
    %swap3A_10 = vector.load %arg6[%swap3A, %swap3A_9] : memref<256x1024xf32, #tpu.memory_space<vmem>>, vector<256x1024xf32>
    tpu.vector_store %arg6[%swap3A, %swap3A_9], %add3A {strides = array<i32>} : memref<256x1024xf32, #tpu.memory_space<vmem>>, vector<256x1024xf32>,
    %get3A_11 = arith.constant 0 : index
    %get3A_12 = arith.constant 0 : index
    %get3A_13 = vector.load %arg4[%get3A_11, %get3A_12] : memref<1x1024xf32, #tpu.memory_space<vmem>>, vector<1x1024xf32>
    %reduce_sum3A = arith.constant dense<0.000000e+00> : vector<256xf32>
    %reduce_sum3A_14 = vector.multi_reduction <add>, %add3A, %reduce_sum3A [1] : vector<256x1024xf32> to vector<256xf32>
    %broadcast_in_dim3A = vector.shape_cast %reduce_sum3A_14 : vector<256xf32> to vector<256x1xf32>
    %div3A = arith.constant 1.024000e+03 : f32
    %div3A_15 = vector.broadcast %div3A : f32 to vector<256x1xf32>
    %div3A_16 = arith.divf %broadcast_in_dim3A, %div3A_15 : vector<256x1xf32>
    %jit3A = arith.constant 0 : i32
    %reduce_sum3A_17 = arith.constant dense<0.000000e+00> : vector<256xf32>
    %reduce_sum3A_18 = vector.multi_reduction <add>, %add3A, %reduce_sum3A_17 [1] : vector<256x1024xf32> to vector<256xf32>
    %broadcast_in_dim3A_19 = vector.shape_cast %reduce_sum3A_18 : vector<256xf32> to vector<256x1xf32>
    %div3A_20 = arith.constant 1.024000e+03 : f32
    %div3A_21 = vector.broadcast %div3A_20 : f32 to vector<256x1xf32>
    %div3A_22 = arith.divf %broadcast_in_dim3A_19, %div3A_21 : vector<256x1xf32>
    %sub3A = vector.broadcast %div3A_22 : vector<256x1xf32> to vector<256x1024xf32>
    %sub3A_23 = arith.subf %add3A, %sub3A : vector<256x1024xf32>
    %square3A = arith.mulf %sub3A_23, %sub3A_23 : vector<256x1024xf32>
    %convert_element_type3A = arith.sitofp %jit3A : i32 to f32
    %sub3A_24 = arith.constant 1.024000e+03 : f32
    %sub3A_25 = arith.subf %sub3A_24, %convert_element_type3A : f32
    %reduce_sum3A_26 = arith.constant dense<0.000000e+00> : vector<256xf32>
    %reduce_sum3A_27 = vector.multi_reduction <add>, %square3A, %reduce_sum3A_26 [1] : vector<256x1024xf32> to vector<256xf32>
    %broadcast_in_dim3A_28 = vector.shape_cast %reduce_sum3A_27 : vector<256xf32> to vector<256x1xf32>
    %div3A_29 = vector.broadcast %sub3A_25 : f32 to vector<256x1xf32>
    %div3A_30 = arith.divf %broadcast_in_dim3A_28, %div3A_29 : vector<256x1xf32>
    %gt3A = arith.constant 0.000000e+00 : f32
    %gt3A_31 = arith.cmpf ogt, %sub3A_25, %gt3A : f32
    %jit3A_32 = arith.constant 0x7FC00000 : f32
    %broadcast_in_dim3A_33 = vector.broadcast %jit3A_32 : f32 to vector<256x1xf32>
    %select_n3A = arith.select %gt3A_31, %div3A_30, %broadcast_in_dim3A_33 : vector<256x1xf32>
    %sub3A_34 = vector.broadcast %div3A_16 : vector<256x1xf32> to vector<256x1024xf32>
    %sub3A_35 = arith.subf %add3A, %sub3A_34 : vector<256x1024xf32>
    %add3A_36 = arith.constant 9.99999974E-6 : f32
    %add3A_37 = vector.broadcast %add3A_36 : f32 to vector<256x1xf32>
    %add3A_38 = arith.addf %select_n3A, %add3A_37 : vector<256x1xf32>
    %sqrt3A = math.sqrt %add3A_38 : vector<256x1xf32>
    %div3A_39 = vector.broadcast %sqrt3A : vector<256x1xf32> to vector<256x1024xf32>
    %div3A_40 = arith.divf %sub3A_35, %div3A_39 : vector<256x1024xf32>
    %mul3A = vector.broadcast %get3A_13 : vector<1x1024xf32> to vector<256x1024xf32>
    %mul3A_41 = arith.mulf %div3A_40, %mul3A : vector<256x1024xf32>
    %swap3A_42 = arith.constant 0 : index
    %swap3A_43 = arith.constant 0 : index
    %swap3A_44 = vector.load %arg7[%swap3A_42, %swap3A_43] : memref<256x1024xf32, #tpu.memory_space<vmem>>, vector<256x1024xf32>
    tpu.vector_store %arg7[%swap3A_42, %swap3A_43], %mul3A_41 {strides = array<i32>} : memref<256x1024xf32, #tpu.memory_space<vmem>>, vector<256x1024xf32>,
    %get3A_45 = arith.constant 0 : index
    %get3A_46 = arith.constant 0 : index
    %get3A_47 = vector.load %arg5[%get3A_45, %get3A_46] : memref<8x1024xf32, #tpu.memory_space<vmem>>, vector<8x1024xf32>
    %dot_general3A_48 = arith.constant dense<0.000000e+00> : vector<256x8xf32>
    %dot_general3A_49 = tpu.matmul %mul3A_41, %get3A_47, %dot_general3A_48 {dimension_numbers = #tpu.dot_dimension_numbers<[1], [1], [0], [0], [0, 0, 1, 0], [], []>, transpose_lhs_hint = false} : vector<256x1024xf32>, vector<8x1024xf32>, vector<256x8xf32> -> vector<256x8xf32>
    %swap3A_50 = arith.constant 0 : index
    %swap3A_51 = arith.constant 0 : index
    %swap3A_52 = vector.load %arg8[%swap3A_50, %swap3A_51] : memref<256x8xf32, #tpu.memory_space<vmem>>, vector<256x8xf32>
    tpu.vector_store %arg8[%swap3A_50, %swap3A_51], %dot_general3A_49 {strides = array<i32>} : memref<256x8xf32, #tpu.memory_space<vmem>>, vector<256x8xf32>,
    return
  }
  func.func @transform_0(%arg0: i32) -> (i32, i32) {
    %c0_i32 = arith.constant 0 : i32
    %c0_i32_0 = arith.constant 0 : i32
    return %arg0, %c0_i32 : i32, i32
  }
  func.func @transform_1(%arg0: i32) -> (i32, i32) {
    %c0_i32 = arith.constant 0 : i32
    %c0_i32_0 = arith.constant 0 : i32
    return %arg0, %c0_i32 : i32, i32
  }
  func.func @transform_2(%arg0: i32) -> (i32, i32) {
    %c0_i32 = arith.constant 0 : i32
    %c0_i32_0 = arith.constant 0 : i32
    %c0_i32_1 = arith.constant 0 : i32
    return %c0_i32, %c0_i32_0 : i32, i32
  }
  func.func @transform_3(%arg0: i32) -> (i32, i32) {
    %c0_i32 = arith.constant 0 : i32
    %c0_i32_0 = arith.constant 0 : i32
    %c0_i32_1 = arith.constant 0 : i32
    return %c0_i32, %c0_i32_0 : i32, i32
  }
  func.func @transform_4(%arg0: i32) -> (i32, i32) {
    %c0_i32 = arith.constant 0 : i32
    %c0_i32_0 = arith.constant 0 : i32
    %c0_i32_1 = arith.constant 0 : i32
    return %c0_i32, %c0_i32_0 : i32, i32
  }
  func.func @transform_5(%arg0: i32) -> (i32, i32) {
    %c0_i32 = arith.constant 0 : i32
    %c0_i32_0 = arith.constant 0 : i32
    return %arg0, %c0_i32 : i32, i32
  }
  func.func @transform_6(%arg0: i32) -> (i32, i32) {
    %c0_i32 = arith.constant 0 : i32
    %c0_i32_0 = arith.constant 0 : i32
    return %arg0, %c0_i32 : i32, i32
  }
  func.func @transform_7(%arg0: i32) -> (i32, i32) {
    %c0_i32 = arith.constant 0 : i32
    %c0_i32_0 = arith.constant 0 : i32
    return %arg0, %c0_i32 : i32, i32
  }
}

module attributes {stable_mosaic.version = 14 : i64} {
  func.func @_router_body(%arg0: memref<2048x8xf32, #tpu.memory_space<vmem>>, %arg1: memref<2048x8xi32, #tpu.memory_space<vmem>>, %arg2: memref<2048x8xf32, #tpu.memory_space<vmem>>, %arg3: memref<8x640xi32, #tpu.memory_space<vmem>>) attributes {dimension_semantics = [], scalar_prefetch = 0 : i64, scratch_operands = 0 : i64, tpu.core_type = #tpu.core_type<tc>} {
    %get3A = arith.constant 0 : index
    %get3A_0 = arith.constant 0 : index
    %get3A_1 = vector.load %arg0[%get3A, %get3A_0] : memref<2048x8xf32, #tpu.memory_space<vmem>>, vector<2048x8xf32>
    %iota3A = tpu.iota {dimensions = array<i32: 1>} : vector<2048x8xi32>
    %reduce_max3A = arith.constant dense<0xFF800000> : vector<2048xf32>
    %reduce_max3A_2 = vector.multi_reduction <maximumf>, %get3A_1, %reduce_max3A [1] : vector<2048x8xf32> to vector<2048xf32>
    %broadcast_in_dim3A = vector.shape_cast %reduce_max3A_2 : vector<2048xf32> to vector<2048x1xf32>
    %ge3A = vector.broadcast %broadcast_in_dim3A : vector<2048x1xf32> to vector<2048x8xf32>
    %ge3A_3 = arith.cmpf oge, %get3A_1, %ge3A : vector<2048x8xf32>
    %jit3A = arith.constant 8 : i32
    %broadcast_in_dim3A_4 = vector.broadcast %jit3A : i32 to vector<2048x8xi32>
    %select_n3A = arith.select %ge3A_3, %iota3A, %broadcast_in_dim3A_4 : vector<2048x8xi1>, vector<2048x8xi32>
    %reduce_min3A = arith.constant dense<2147483647> : vector<2048xi32>
    %reduce_min3A_5 = vector.multi_reduction <minsi>, %select_n3A, %reduce_min3A [1] : vector<2048x8xi32> to vector<2048xi32>
    %broadcast_in_dim3A_6 = vector.shape_cast %reduce_min3A_5 : vector<2048xi32> to vector<2048x1xi32>
    %eq3A = vector.broadcast %broadcast_in_dim3A_6 : vector<2048x1xi32> to vector<2048x8xi32>
    %eq3A_7 = arith.cmpi eq, %iota3A, %eq3A : vector<2048x8xi32>
    %jit3A_8 = arith.constant 0xFF800000 : f32
    %broadcast_in_dim3A_9 = vector.broadcast %jit3A_8 : f32 to vector<2048x8xf32>
    %select_n3A_10 = arith.select %eq3A_7, %broadcast_in_dim3A_9, %get3A_1 : vector<2048x8xi1>, vector<2048x8xf32>
    %reduce_max3A_11 = arith.constant dense<0xFF800000> : vector<2048xf32>
    %reduce_max3A_12 = vector.multi_reduction <maximumf>, %select_n3A_10, %reduce_max3A_11 [1] : vector<2048x8xf32> to vector<2048xf32>
    %broadcast_in_dim3A_13 = vector.shape_cast %reduce_max3A_12 : vector<2048xf32> to vector<2048x1xf32>
    %ge3A_14 = vector.broadcast %broadcast_in_dim3A_13 : vector<2048x1xf32> to vector<2048x8xf32>
    %ge3A_15 = arith.cmpf oge, %select_n3A_10, %ge3A_14 : vector<2048x8xf32>
    %jit3A_16 = arith.constant 8 : i32
    %broadcast_in_dim3A_17 = vector.broadcast %jit3A_16 : i32 to vector<2048x8xi32>
    %select_n3A_18 = arith.select %ge3A_15, %iota3A, %broadcast_in_dim3A_17 : vector<2048x8xi1>, vector<2048x8xi32>
    %reduce_min3A_19 = arith.constant dense<2147483647> : vector<2048xi32>
    %reduce_min3A_20 = vector.multi_reduction <minsi>, %select_n3A_18, %reduce_min3A_19 [1] : vector<2048x8xi32> to vector<2048xi32>
    %broadcast_in_dim3A_21 = vector.shape_cast %reduce_min3A_20 : vector<2048xi32> to vector<2048x1xi32>
    %sub3A = arith.subf %broadcast_in_dim3A_13, %broadcast_in_dim3A : vector<2048x1xf32>
    %exp3A = math.exp %sub3A : vector<2048x1xf32>
    %add3A = arith.constant 1.000000e+00 : f32
    %add3A_22 = vector.broadcast %add3A : f32 to vector<2048x1xf32>
    %add3A_23 = arith.addf %add3A_22, %exp3A : vector<2048x1xf32>
    %div3A = arith.constant 1.000000e+00 : f32
    %div3A_24 = vector.broadcast %div3A : f32 to vector<2048x1xf32>
    %div3A_25 = arith.divf %div3A_24, %add3A_23 : vector<2048x1xf32>
    %add3A_26 = arith.constant 1.000000e+00 : f32
    %add3A_27 = vector.broadcast %add3A_26 : f32 to vector<2048x1xf32>
    %add3A_28 = arith.addf %add3A_27, %exp3A : vector<2048x1xf32>
    %div3A_29 = arith.divf %exp3A, %add3A_28 : vector<2048x1xf32>
    %eq3A_30 = vector.broadcast %broadcast_in_dim3A_6 : vector<2048x1xi32> to vector<2048x8xi32>
    %eq3A_31 = arith.cmpi eq, %iota3A, %eq3A_30 : vector<2048x8xi32>
    %convert_element_type3A = arith.extui %eq3A_31 : vector<2048x8xi1> to vector<2048x8xi32>
    %convert_element_type3A_32 = arith.sitofp %convert_element_type3A : vector<2048x8xi32> to vector<2048x8xf32>
    %eq3A_33 = vector.broadcast %broadcast_in_dim3A_21 : vector<2048x1xi32> to vector<2048x8xi32>
    %eq3A_34 = arith.cmpi eq, %iota3A, %eq3A_33 : vector<2048x8xi32>
    %convert_element_type3A_35 = arith.extui %eq3A_34 : vector<2048x8xi1> to vector<2048x8xi32>
    %convert_element_type3A_36 = arith.sitofp %convert_element_type3A_35 : vector<2048x8xi32> to vector<2048x8xf32>
    %iota3A_37 = tpu.iota {dimensions = array<i32: 0>} : vector<2048x2048xi32>
    %iota3A_38 = tpu.iota {dimensions = array<i32: 1>} : vector<2048x2048xi32>
    %gt3A = arith.cmpi sgt, %iota3A_37, %iota3A_38 : vector<2048x2048xi32>
    %convert_element_type3A_39 = arith.extui %gt3A : vector<2048x2048xi1> to vector<2048x2048xi32>
    %convert_element_type3A_40 = arith.sitofp %convert_element_type3A_39 : vector<2048x2048xi32> to vector<2048x2048xf32>
    %dot_general3A = arith.constant dense<0.000000e+00> : vector<2048x8xf32>
    %dot_general3A_41 = tpu.matmul %convert_element_type3A_40, %convert_element_type3A_32, %dot_general3A {dimension_numbers = #tpu.dot_dimension_numbers<[1], [0], [0], [1], [0, 0, 1, 1], [], []>, transpose_lhs_hint = false} : vector<2048x2048xf32>, vector<2048x8xf32>, vector<2048x8xf32> -> vector<2048x8xf32>
    %reduce_sum3A = arith.constant dense<0.000000e+00> : vector<8xf32>
    %reduce_sum3A_42 = vector.multi_reduction <add>, %convert_element_type3A_32, %reduce_sum3A [0] : vector<2048x8xf32> to vector<8xf32>
    %broadcast_in_dim3A_43 = vector.shape_cast %reduce_sum3A_42 : vector<8xf32> to vector<1x8xf32>
    %dot_general3A_44 = arith.constant dense<0.000000e+00> : vector<2048x8xf32>
    %dot_general3A_45 = tpu.matmul %convert_element_type3A_40, %convert_element_type3A_36, %dot_general3A_44 {dimension_numbers = #tpu.dot_dimension_numbers<[1], [0], [0], [1], [0, 0, 1, 1], [], []>, transpose_lhs_hint = false} : vector<2048x2048xf32>, vector<2048x8xf32>, vector<2048x8xf32> -> vector<2048x8xf32>
    %add3A_46 = vector.broadcast %broadcast_in_dim3A_43 : vector<1x8xf32> to vector<2048x8xf32>
    %add3A_47 = arith.addf %dot_general3A_45, %add3A_46 : vector<2048x8xf32>
    %mul3A = arith.mulf %convert_element_type3A_32, %dot_general3A_41 : vector<2048x8xf32>
    %reduce_sum3A_48 = arith.constant dense<0.000000e+00> : vector<2048xf32>
    %reduce_sum3A_49 = vector.multi_reduction <add>, %mul3A, %reduce_sum3A_48 [1] : vector<2048x8xf32> to vector<2048xf32>
    %broadcast_in_dim3A_50 = vector.shape_cast %reduce_sum3A_49 : vector<2048xf32> to vector<2048x1xf32>
    %convert_element_type3A_51 = arith.fptosi %broadcast_in_dim3A_50 : vector<2048x1xf32> to vector<2048x1xi32>
    %mul3A_52 = arith.mulf %convert_element_type3A_36, %add3A_47 : vector<2048x8xf32>
    %reduce_sum3A_53 = arith.constant dense<0.000000e+00> : vector<2048xf32>
    %reduce_sum3A_54 = vector.multi_reduction <add>, %mul3A_52, %reduce_sum3A_53 [1] : vector<2048x8xf32> to vector<2048xf32>
    %broadcast_in_dim3A_55 = vector.shape_cast %reduce_sum3A_54 : vector<2048xf32> to vector<2048x1xf32>
    %convert_element_type3A_56 = arith.fptosi %broadcast_in_dim3A_55 : vector<2048x1xf32> to vector<2048x1xi32>
    %lt3A = arith.constant 640 : i32
    %lt3A_57 = vector.broadcast %lt3A : i32 to vector<2048x1xi32>
    %lt3A_58 = arith.cmpi slt, %convert_element_type3A_51, %lt3A_57 : vector<2048x1xi32>
    %lt3A_59 = arith.constant 640 : i32
    %lt3A_60 = vector.broadcast %lt3A_59 : i32 to vector<2048x1xi32>
    %lt3A_61 = arith.cmpi slt, %convert_element_type3A_56, %lt3A_60 : vector<2048x1xi32>
    %mul3A_62 = arith.constant 640 : i32
    %mul3A_63 = vector.broadcast %mul3A_62 : i32 to vector<2048x1xi32>
    %mul3A_64 = arith.muli %broadcast_in_dim3A_6, %mul3A_63 : vector<2048x1xi32>
    %min3A = arith.constant 639 : i32
    %min3A_65 = vector.broadcast %min3A : i32 to vector<2048x1xi32>
    %min3A_66 = arith.minsi %convert_element_type3A_51, %min3A_65 : vector<2048x1xi32>
    %add3A_67 = arith.addi %mul3A_64, %min3A_66 : vector<2048x1xi32>
    %mul3A_68 = arith.constant 640 : i32
    %mul3A_69 = vector.broadcast %mul3A_68 : i32 to vector<2048x1xi32>
    %mul3A_70 = arith.muli %broadcast_in_dim3A_21, %mul3A_69 : vector<2048x1xi32>
    %min3A_71 = arith.constant 639 : i32
    %min3A_72 = vector.broadcast %min3A_71 : i32 to vector<2048x1xi32>
    %min3A_73 = arith.minsi %convert_element_type3A_56, %min3A_72 : vector<2048x1xi32>
    %add3A_74 = arith.addi %mul3A_70, %min3A_73 : vector<2048x1xi32>
    %jit3A_75 = arith.constant 0.000000e+00 : f32
    %broadcast_in_dim3A_76 = vector.broadcast %jit3A_75 : f32 to vector<2048x1xf32>
    %select_n3A_77 = arith.select %lt3A_58, %div3A_25, %broadcast_in_dim3A_76 : vector<2048x1xi1>, vector<2048x1xf32>
    %jit3A_78 = arith.constant 0.000000e+00 : f32
    %broadcast_in_dim3A_79 = vector.broadcast %jit3A_78 : f32 to vector<2048x1xf32>
    %select_n3A_80 = arith.select %lt3A_61, %div3A_29, %broadcast_in_dim3A_79 : vector<2048x1xi1>, vector<2048x1xf32>
    %broadcast_in_dim3A_81 = arith.constant 0 : i32
    %broadcast_in_dim3A_82 = vector.broadcast %broadcast_in_dim3A_81 : i32 to vector<2048x1xi32>
    %broadcast_in_dim3A_83 = arith.constant 0.000000e+00 : f32
    %broadcast_in_dim3A_84 = vector.broadcast %broadcast_in_dim3A_83 : f32 to vector<2048x1xf32>
    %concatenate3A = tpu.concatenate %add3A_67, %add3A_74, %broadcast_in_dim3A_82, %broadcast_in_dim3A_82, %broadcast_in_dim3A_82, %broadcast_in_dim3A_82, %broadcast_in_dim3A_82, %broadcast_in_dim3A_82 in 1 : vector<2048x1xi32>, vector<2048x1xi32>, vector<2048x1xi32>, vector<2048x1xi32>, vector<2048x1xi32>, vector<2048x1xi32>, vector<2048x1xi32>, vector<2048x1xi32> -> vector<2048x8xi32>
    %swap3A = arith.constant 0 : index
    %swap3A_85 = arith.constant 0 : index
    %swap3A_86 = vector.load %arg1[%swap3A, %swap3A_85] : memref<2048x8xi32, #tpu.memory_space<vmem>>, vector<2048x8xi32>
    tpu.vector_store %arg1[%swap3A, %swap3A_85], %concatenate3A {strides = array<i32>} : memref<2048x8xi32, #tpu.memory_space<vmem>>, vector<2048x8xi32>,
    %concatenate3A_87 = tpu.concatenate %select_n3A_77, %select_n3A_80, %broadcast_in_dim3A_84, %broadcast_in_dim3A_84, %broadcast_in_dim3A_84, %broadcast_in_dim3A_84, %broadcast_in_dim3A_84, %broadcast_in_dim3A_84 in 1 : vector<2048x1xf32>, vector<2048x1xf32>, vector<2048x1xf32>, vector<2048x1xf32>, vector<2048x1xf32>, vector<2048x1xf32>, vector<2048x1xf32>, vector<2048x1xf32> -> vector<2048x8xf32>
    %swap3A_88 = arith.constant 0 : index
    %swap3A_89 = arith.constant 0 : index
    %swap3A_90 = vector.load %arg2[%swap3A_88, %swap3A_89] : memref<2048x8xf32, #tpu.memory_space<vmem>>, vector<2048x8xf32>
    tpu.vector_store %arg2[%swap3A_88, %swap3A_89], %concatenate3A_87 {strides = array<i32>} : memref<2048x8xf32, #tpu.memory_space<vmem>>, vector<2048x8xf32>,
    %concatenate3A_91 = tpu.concatenate %convert_element_type3A_51, %convert_element_type3A_56 in 0 : vector<2048x1xi32>, vector<2048x1xi32> -> vector<4096x1xi32>
    %concatenate3A_92 = tpu.concatenate %convert_element_type3A_32, %convert_element_type3A_36 in 0 : vector<2048x8xf32>, vector<2048x8xf32> -> vector<4096x8xf32>
    %iota3A_93 = tpu.iota {dimensions = array<i32: 0>} : vector<4096x1xi32>
    %rem3A = arith.constant 2048 : i32
    %rem3A_94 = vector.broadcast %rem3A : i32 to vector<4096x1xi32>
    %rem3A_95 = arith.remsi %iota3A_93, %rem3A_94 : vector<4096x1xi32>
    %add3A_96 = arith.constant 1 : i32
    %add3A_97 = vector.broadcast %add3A_96 : i32 to vector<4096x1xi32>
    %add3A_98 = arith.addi %rem3A_95, %add3A_97 : vector<4096x1xi32>
    %jit3A_99 = arith.constant 64 : i32
    %div3A_100 = vector.broadcast %jit3A_99 : i32 to vector<4096x1xi32>
    %div3A_101 = arith.divsi %add3A_98, %div3A_100 : vector<4096x1xi32>
    %sign3A = arith.constant 0 : i32
    %sign3A_102 = vector.broadcast %sign3A : i32 to vector<4096x1xi32>
    %sign3A_103 = arith.cmpi sgt, %add3A_98, %sign3A_102 : vector<4096x1xi32>
    %sign3A_104 = arith.extui %sign3A_103 : vector<4096x1xi1> to vector<4096x1xi32>
    %sign3A_105 = arith.constant 0 : i32
    %sign3A_106 = vector.broadcast %sign3A_105 : i32 to vector<4096x1xi32>
    %sign3A_107 = arith.cmpi slt, %add3A_98, %sign3A_106 : vector<4096x1xi32>
    %sign3A_108 = arith.extui %sign3A_107 : vector<4096x1xi1> to vector<4096x1xi32>
    %sign3A_109 = arith.subi %sign3A_104, %sign3A_108 : vector<4096x1xi32>
    %sign3A_110 = arith.constant 0 : i32
    %sign3A_111 = arith.cmpi sgt, %jit3A_99, %sign3A_110 : i32
    %sign3A_112 = arith.extui %sign3A_111 : i1 to i32
    %sign3A_113 = arith.constant 0 : i32
    %sign3A_114 = arith.cmpi slt, %jit3A_99, %sign3A_113 : i32
    %sign3A_115 = arith.extui %sign3A_114 : i1 to i32
    %sign3A_116 = arith.subi %sign3A_112, %sign3A_115 : i32
    %ne3A = vector.broadcast %sign3A_116 : i32 to vector<4096x1xi32>
    %ne3A_117 = arith.cmpi ne, %sign3A_109, %ne3A : vector<4096x1xi32>
    %rem3A_118 = vector.broadcast %jit3A_99 : i32 to vector<4096x1xi32>
    %rem3A_119 = arith.remsi %add3A_98, %rem3A_118 : vector<4096x1xi32>
    %ne3A_120 = arith.constant 0 : i32
    %ne3A_121 = vector.broadcast %ne3A_120 : i32 to vector<4096x1xi32>
    %ne3A_122 = arith.cmpi ne, %rem3A_119, %ne3A_121 : vector<4096x1xi32>
    %and3A = arith.andi %ne3A_117, %ne3A_122 : vector<4096x1xi1>
    %sub3A_123 = arith.constant 1 : i32
    %sub3A_124 = vector.broadcast %sub3A_123 : i32 to vector<4096x1xi32>
    %sub3A_125 = arith.subi %div3A_101, %sub3A_124 : vector<4096x1xi32>
    %select_n3A_126 = arith.select %and3A, %sub3A_125, %div3A_101 : vector<4096x1xi1>, vector<4096x1xi32>
    %convert_element_type3A_127 = arith.sitofp %select_n3A_126 : vector<4096x1xi32> to vector<4096x1xf32>
    %mul3A_128 = vector.broadcast %convert_element_type3A_127 : vector<4096x1xf32> to vector<4096x8xf32>
    %mul3A_129 = arith.mulf %concatenate3A_92, %mul3A_128 : vector<4096x8xf32>
    %rem3A_130 = arith.constant 64 : i32
    %rem3A_131 = vector.broadcast %rem3A_130 : i32 to vector<4096x1xi32>
    %rem3A_132 = arith.remsi %add3A_98, %rem3A_131 : vector<4096x1xi32>
    %convert_element_type3A_133 = arith.sitofp %rem3A_132 : vector<4096x1xi32> to vector<4096x1xf32>
    %mul3A_134 = vector.broadcast %convert_element_type3A_133 : vector<4096x1xf32> to vector<4096x8xf32>
    %mul3A_135 = arith.mulf %concatenate3A_92, %mul3A_134 : vector<4096x8xf32>
    %broadcast_in_dim3A_136 = arith.constant 0.000000e+00 : f32
    %broadcast_in_dim3A_137 = vector.broadcast %broadcast_in_dim3A_136 : f32 to vector<8x640xf32>
    %broadcast_in_dim3A_138 = arith.constant 0.000000e+00 : f32
    %broadcast_in_dim3A_139 = vector.broadcast %broadcast_in_dim3A_138 : f32 to vector<8x640xf32>
    %slice3A = vector.extract_strided_slice %concatenate3A_91 {offsets = [0, 0], sizes = [1024, 1], strides = [1, 1]} : vector<4096x1xi32> to vector<1024x1xi32>
    %iota3A_140 = tpu.iota {dimensions = array<i32: 1>} : vector<1024x640xi32>
    %eq3A_141 = vector.broadcast %slice3A : vector<1024x1xi32> to vector<1024x640xi32>
    %eq3A_142 = arith.cmpi eq, %iota3A_140, %eq3A_141 : vector<1024x640xi32>
    %convert_element_type3A_143 = arith.extui %eq3A_142 : vector<1024x640xi1> to vector<1024x640xi32>
    %convert_element_type3A_144 = arith.sitofp %convert_element_type3A_143 : vector<1024x640xi32> to vector<1024x640xf32>
    %slice3A_145 = vector.extract_strided_slice %mul3A_129 {offsets = [0, 0], sizes = [1024, 8], strides = [1, 1]} : vector<4096x8xf32> to vector<1024x8xf32>
    %dot_general3A_146 = arith.constant dense<0.000000e+00> : vector<8x640xf32>
    %dot_general3A_147 = tpu.matmul %slice3A_145, %convert_element_type3A_144, %dot_general3A_146 {dimension_numbers = #tpu.dot_dimension_numbers<[0], [0], [1], [1], [0, 1, 1, 1], [], []>, transpose_lhs_hint = false} : vector<1024x8xf32>, vector<1024x640xf32>, vector<8x640xf32> -> vector<8x640xf32>
    %add3A_148 = arith.addf %broadcast_in_dim3A_137, %dot_general3A_147 : vector<8x640xf32>
    %slice3A_149 = vector.extract_strided_slice %mul3A_135 {offsets = [0, 0], sizes = [1024, 8], strides = [1, 1]} : vector<4096x8xf32> to vector<1024x8xf32>
    %dot_general3A_150 = arith.constant dense<0.000000e+00> : vector<8x640xf32>
    %dot_general3A_151 = tpu.matmul %slice3A_149, %convert_element_type3A_144, %dot_general3A_150 {dimension_numbers = #tpu.dot_dimension_numbers<[0], [0], [1], [1], [0, 1, 1, 1], [], []>, transpose_lhs_hint = false} : vector<1024x8xf32>, vector<1024x640xf32>, vector<8x640xf32> -> vector<8x640xf32>
    %add3A_152 = arith.addf %broadcast_in_dim3A_139, %dot_general3A_151 : vector<8x640xf32>
    %slice3A_153 = vector.extract_strided_slice %concatenate3A_91 {offsets = [1024, 0], sizes = [1024, 1], strides = [1, 1]} : vector<4096x1xi32> to vector<1024x1xi32>
    %iota3A_154 = tpu.iota {dimensions = array<i32: 1>} : vector<1024x640xi32>
    %eq3A_155 = vector.broadcast %slice3A_153 : vector<1024x1xi32> to vector<1024x640xi32>
    %eq3A_156 = arith.cmpi eq, %iota3A_154, %eq3A_155 : vector<1024x640xi32>
    %convert_element_type3A_157 = arith.extui %eq3A_156 : vector<1024x640xi1> to vector<1024x640xi32>
    %convert_element_type3A_158 = arith.sitofp %convert_element_type3A_157 : vector<1024x640xi32> to vector<1024x640xf32>
    %slice3A_159 = vector.extract_strided_slice %mul3A_129 {offsets = [1024, 0], sizes = [1024, 8], strides = [1, 1]} : vector<4096x8xf32> to vector<1024x8xf32>
    %dot_general3A_160 = arith.constant dense<0.000000e+00> : vector<8x640xf32>
    %dot_general3A_161 = tpu.matmul %slice3A_159, %convert_element_type3A_158, %dot_general3A_160 {dimension_numbers = #tpu.dot_dimension_numbers<[0], [0], [1], [1], [0, 1, 1, 1], [], []>, transpose_lhs_hint = false} : vector<1024x8xf32>, vector<1024x640xf32>, vector<8x640xf32> -> vector<8x640xf32>
    %add3A_162 = arith.addf %add3A_148, %dot_general3A_161 : vector<8x640xf32>
    %slice3A_163 = vector.extract_strided_slice %mul3A_135 {offsets = [1024, 0], sizes = [1024, 8], strides = [1, 1]} : vector<4096x8xf32> to vector<1024x8xf32>
    %dot_general3A_164 = arith.constant dense<0.000000e+00> : vector<8x640xf32>
    %dot_general3A_165 = tpu.matmul %slice3A_163, %convert_element_type3A_158, %dot_general3A_164 {dimension_numbers = #tpu.dot_dimension_numbers<[0], [0], [1], [1], [0, 1, 1, 1], [], []>, transpose_lhs_hint = false} : vector<1024x8xf32>, vector<1024x640xf32>, vector<8x640xf32> -> vector<8x640xf32>
    %add3A_166 = arith.addf %add3A_152, %dot_general3A_165 : vector<8x640xf32>
    %slice3A_167 = vector.extract_strided_slice %concatenate3A_91 {offsets = [2048, 0], sizes = [1024, 1], strides = [1, 1]} : vector<4096x1xi32> to vector<1024x1xi32>
    %iota3A_168 = tpu.iota {dimensions = array<i32: 1>} : vector<1024x640xi32>
    %eq3A_169 = vector.broadcast %slice3A_167 : vector<1024x1xi32> to vector<1024x640xi32>
    %eq3A_170 = arith.cmpi eq, %iota3A_168, %eq3A_169 : vector<1024x640xi32>
    %convert_element_type3A_171 = arith.extui %eq3A_170 : vector<1024x640xi1> to vector<1024x640xi32>
    %convert_element_type3A_172 = arith.sitofp %convert_element_type3A_171 : vector<1024x640xi32> to vector<1024x640xf32>
    %slice3A_173 = vector.extract_strided_slice %mul3A_129 {offsets = [2048, 0], sizes = [1024, 8], strides = [1, 1]} : vector<4096x8xf32> to vector<1024x8xf32>
    %dot_general3A_174 = arith.constant dense<0.000000e+00> : vector<8x640xf32>
    %dot_general3A_175 = tpu.matmul %slice3A_173, %convert_element_type3A_172, %dot_general3A_174 {dimension_numbers = #tpu.dot_dimension_numbers<[0], [0], [1], [1], [0, 1, 1, 1], [], []>, transpose_lhs_hint = false} : vector<1024x8xf32>, vector<1024x640xf32>, vector<8x640xf32> -> vector<8x640xf32>
    %add3A_176 = arith.addf %add3A_162, %dot_general3A_175 : vector<8x640xf32>
    %slice3A_177 = vector.extract_strided_slice %mul3A_135 {offsets = [2048, 0], sizes = [1024, 8], strides = [1, 1]} : vector<4096x8xf32> to vector<1024x8xf32>
    %dot_general3A_178 = arith.constant dense<0.000000e+00> : vector<8x640xf32>
    %dot_general3A_179 = tpu.matmul %slice3A_177, %convert_element_type3A_172, %dot_general3A_178 {dimension_numbers = #tpu.dot_dimension_numbers<[0], [0], [1], [1], [0, 1, 1, 1], [], []>, transpose_lhs_hint = false} : vector<1024x8xf32>, vector<1024x640xf32>, vector<8x640xf32> -> vector<8x640xf32>
    %add3A_180 = arith.addf %add3A_166, %dot_general3A_179 : vector<8x640xf32>
    %slice3A_181 = vector.extract_strided_slice %concatenate3A_91 {offsets = [3072, 0], sizes = [1024, 1], strides = [1, 1]} : vector<4096x1xi32> to vector<1024x1xi32>
    %iota3A_182 = tpu.iota {dimensions = array<i32: 1>} : vector<1024x640xi32>
    %eq3A_183 = vector.broadcast %slice3A_181 : vector<1024x1xi32> to vector<1024x640xi32>
    %eq3A_184 = arith.cmpi eq, %iota3A_182, %eq3A_183 : vector<1024x640xi32>
    %convert_element_type3A_185 = arith.extui %eq3A_184 : vector<1024x640xi1> to vector<1024x640xi32>
    %convert_element_type3A_186 = arith.sitofp %convert_element_type3A_185 : vector<1024x640xi32> to vector<1024x640xf32>
    %slice3A_187 = vector.extract_strided_slice %mul3A_129 {offsets = [3072, 0], sizes = [1024, 8], strides = [1, 1]} : vector<4096x8xf32> to vector<1024x8xf32>
    %dot_general3A_188 = arith.constant dense<0.000000e+00> : vector<8x640xf32>
    %dot_general3A_189 = tpu.matmul %slice3A_187, %convert_element_type3A_186, %dot_general3A_188 {dimension_numbers = #tpu.dot_dimension_numbers<[0], [0], [1], [1], [0, 1, 1, 1], [], []>, transpose_lhs_hint = false} : vector<1024x8xf32>, vector<1024x640xf32>, vector<8x640xf32> -> vector<8x640xf32>
    %add3A_190 = arith.addf %add3A_176, %dot_general3A_189 : vector<8x640xf32>
    %slice3A_191 = vector.extract_strided_slice %mul3A_135 {offsets = [3072, 0], sizes = [1024, 8], strides = [1, 1]} : vector<4096x8xf32> to vector<1024x8xf32>
    %dot_general3A_192 = arith.constant dense<0.000000e+00> : vector<8x640xf32>
    %dot_general3A_193 = tpu.matmul %slice3A_191, %convert_element_type3A_186, %dot_general3A_192 {dimension_numbers = #tpu.dot_dimension_numbers<[0], [0], [1], [1], [0, 1, 1, 1], [], []>, transpose_lhs_hint = false} : vector<1024x8xf32>, vector<1024x640xf32>, vector<8x640xf32> -> vector<8x640xf32>
    %add3A_194 = arith.addf %add3A_180, %dot_general3A_193 : vector<8x640xf32>
    %convert_element_type3A_195 = arith.fptosi %add3A_190 : vector<8x640xf32> to vector<8x640xi32>
    %mul3A_196 = arith.constant 64 : i32
    %mul3A_197 = vector.broadcast %mul3A_196 : i32 to vector<8x640xi32>
    %mul3A_198 = arith.muli %convert_element_type3A_195, %mul3A_197 : vector<8x640xi32>
    %convert_element_type3A_199 = arith.fptosi %add3A_194 : vector<8x640xf32> to vector<8x640xi32>
    %add3A_200 = arith.addi %mul3A_198, %convert_element_type3A_199 : vector<8x640xi32>
    %sub3A_201 = arith.constant 1 : i32
    %sub3A_202 = vector.broadcast %sub3A_201 : i32 to vector<8x640xi32>
    %sub3A_203 = arith.subi %add3A_200, %sub3A_202 : vector<8x640xi32>
    %max3A = arith.constant 0 : i32
    %max3A_204 = vector.broadcast %max3A : i32 to vector<8x640xi32>
    %max3A_205 = arith.maxsi %sub3A_203, %max3A_204 : vector<8x640xi32>
    %swap3A_206 = arith.constant 0 : index
    %swap3A_207 = arith.constant 0 : index
    %swap3A_208 = vector.load %arg3[%swap3A_206, %swap3A_207] : memref<8x640xi32, #tpu.memory_space<vmem>>, vector<8x640xi32>
    tpu.vector_store %arg3[%swap3A_206, %swap3A_207], %max3A_205 {strides = array<i32>} : memref<8x640xi32, #tpu.memory_space<vmem>>, vector<8x640xi32>,
    return
  }
}

module attributes {stable_mosaic.version = 14 : i64} {
  func.func @_moe_mlp_body(%arg0: i32, %arg1: i32, %arg2: memref<640x1024xf32, #tpu.memory_space<vmem>>, %arg3: memref<1x1024x1024xf32, #tpu.memory_space<vmem>>, %arg4: memref<1x1024x1024xf32, #tpu.memory_space<vmem>>, %arg5: memref<640x1024xf32, #tpu.memory_space<vmem>>) attributes {dimension_semantics = [#tpu.dimension_semantics<arbitrary>, #tpu.dimension_semantics<arbitrary>], iteration_bounds = array<i64: 8, 4>, scalar_prefetch = 0 : i64, scratch_operands = 0 : i64, tpu.core_type = #tpu.core_type<tc>, window_params = [{transform_indices = @transform_0, window_bounds = array<i64: 640, 1024>}, {transform_indices = @transform_1, window_bounds = array<i64: 1, 1024, 1024>}, {transform_indices = @transform_2, window_bounds = array<i64: 1, 1024, 1024>}, {transform_indices = @transform_3, window_bounds = array<i64: 640, 1024>}]} {
    %get3A = arith.constant 0 : index
    %get3A_0 = arith.constant 0 : index
    %get3A_1 = vector.load %arg2[%get3A, %get3A_0] : memref<640x1024xf32, #tpu.memory_space<vmem>>, vector<640x1024xf32>
    %convert_element_type3A = arith.truncf %get3A_1 : vector<640x1024xf32> to vector<640x1024xbf16>
    %get3A_2 = arith.constant 0 : index
    %get3A_3 = arith.constant 0 : index
    %get3A_4 = arith.constant 0 : index
    %get3A_5 = vector.load %arg3[%get3A_2, %get3A_3, %get3A_4] : memref<1x1024x1024xf32, #tpu.memory_space<vmem>>, vector<1x1024x1024xf32>
    %get3A_6 = vector.shape_cast %get3A_5 : vector<1x1024x1024xf32> to vector<1024x1024xf32>
    %convert_element_type3A_7 = arith.truncf %get3A_6 : vector<1024x1024xf32> to vector<1024x1024xbf16>
    %dot_general3A = arith.constant dense<0.000000e+00> : vector<640x1024xf32>
    %dot_general3A_8 = tpu.matmul %convert_element_type3A, %convert_element_type3A_7, %dot_general3A {dimension_numbers = #tpu.dot_dimension_numbers<[1], [0], [0], [1], [0, 0, 1, 1], [], []>, transpose_lhs_hint = false} : vector<640x1024xbf16>, vector<1024x1024xbf16>, vector<640x1024xf32> -> vector<640x1024xf32>
    %mul3A = arith.constant 5.000000e-01 : f32
    %mul3A_9 = vector.broadcast %mul3A : f32 to vector<640x1024xf32>
    %mul3A_10 = arith.mulf %mul3A_9, %dot_general3A_8 : vector<640x1024xf32>
    %mul3A_11 = arith.constant 0.707106769 : f32
    %mul3A_12 = vector.broadcast %mul3A_11 : f32 to vector<640x1024xf32>
    %mul3A_13 = arith.mulf %dot_general3A_8, %mul3A_12 : vector<640x1024xf32>
    %erf3A = math.erf %mul3A_13 : vector<640x1024xf32>
    %add3A = arith.constant 1.000000e+00 : f32
    %add3A_14 = vector.broadcast %add3A : f32 to vector<640x1024xf32>
    %add3A_15 = arith.addf %add3A_14, %erf3A : vector<640x1024xf32>
    %mul3A_16 = arith.mulf %mul3A_10, %add3A_15 : vector<640x1024xf32>
    %convert_element_type3A_17 = arith.truncf %mul3A_16 : vector<640x1024xf32> to vector<640x1024xbf16>
    %get3A_18 = arith.constant 0 : index
    %get3A_19 = arith.constant 0 : index
    %get3A_20 = arith.constant 0 : index
    %get3A_21 = vector.load %arg4[%get3A_18, %get3A_19, %get3A_20] : memref<1x1024x1024xf32, #tpu.memory_space<vmem>>, vector<1x1024x1024xf32>
    %get3A_22 = vector.shape_cast %get3A_21 : vector<1x1024x1024xf32> to vector<1024x1024xf32>
    %convert_element_type3A_23 = arith.truncf %get3A_22 : vector<1024x1024xf32> to vector<1024x1024xbf16>
    %dot_general3A_24 = arith.constant dense<0.000000e+00> : vector<640x1024xf32>
    %dot_general3A_25 = tpu.matmul %convert_element_type3A_17, %convert_element_type3A_23, %dot_general3A_24 {dimension_numbers = #tpu.dot_dimension_numbers<[1], [0], [0], [1], [0, 0, 1, 1], [], []>, transpose_lhs_hint = false} : vector<640x1024xbf16>, vector<1024x1024xbf16>, vector<640x1024xf32> -> vector<640x1024xf32>
    %eq3A = arith.constant 0 : i32
    %eq3A_26 = arith.cmpi eq, %arg1, %eq3A : i32
    %convert_element_type3A_27 = arith.extui %eq3A_26 : i1 to i32
    %cond3A = arith.constant 0 : i32
    %cond3A_28 = arith.cmpi ne, %convert_element_type3A_27, %cond3A : i32
    scf.if %cond3A_28 {
      %swap3A = arith.constant 0 : index
      %swap3A_33 = arith.constant 0 : index
      %swap3A_34 = vector.load %arg5[%swap3A, %swap3A_33] : memref<640x1024xf32, #tpu.memory_space<vmem>>, vector<640x1024xf32>
      tpu.vector_store %arg5[%swap3A, %swap3A_33], %dot_general3A_25 {strides = array<i32>} : memref<640x1024xf32, #tpu.memory_space<vmem>>, vector<640x1024xf32>,
    } else {
    }
    %ne3A = arith.constant 0 : i32
    %ne3A_29 = arith.cmpi ne, %arg1, %ne3A : i32
    %convert_element_type3A_30 = arith.extui %ne3A_29 : i1 to i32
    %cond3A_31 = arith.constant 0 : i32
    %cond3A_32 = arith.cmpi ne, %convert_element_type3A_30, %cond3A_31 : i32
    scf.if %cond3A_32 {
      %get3A_33 = arith.constant 0 : index
      %get3A_34 = arith.constant 0 : index
      %get3A_35 = vector.load %arg5[%get3A_33, %get3A_34] : memref<640x1024xf32, #tpu.memory_space<vmem>>, vector<640x1024xf32>
      %add3A_36 = arith.addf %get3A_35, %dot_general3A_25 : vector<640x1024xf32>
      %swap3A = arith.constant 0 : index
      %swap3A_37 = arith.constant 0 : index
      %swap3A_38 = vector.load %arg5[%swap3A, %swap3A_37] : memref<640x1024xf32, #tpu.memory_space<vmem>>, vector<640x1024xf32>
      tpu.vector_store %arg5[%swap3A, %swap3A_37], %add3A_36 {strides = array<i32>} : memref<640x1024xf32, #tpu.memory_space<vmem>>, vector<640x1024xf32>,
    } else {
    }
    return
  }
  func.func @transform_0(%arg0: i32, %arg1: i32) -> (i32, i32) {
    %c0_i32 = arith.constant 0 : i32
    %c0_i32_0 = arith.constant 0 : i32
    return %arg0, %c0_i32 : i32, i32
  }
  func.func @transform_1(%arg0: i32, %arg1: i32) -> (i32, i32, i32) {
    %c0_i32 = arith.constant 0 : i32
    %c0_i32_0 = arith.constant 0 : i32
    return %arg0, %c0_i32, %arg1 : i32, i32, i32
  }
  func.func @transform_2(%arg0: i32, %arg1: i32) -> (i32, i32, i32) {
    %c0_i32 = arith.constant 0 : i32
    %c0_i32_0 = arith.constant 0 : i32
    return %arg0, %arg1, %c0_i32 : i32, i32, i32
  }
  func.func @transform_3(%arg0: i32, %arg1: i32) -> (i32, i32) {
    %c0_i32 = arith.constant 0 : i32
    %c0_i32_0 = arith.constant 0 : i32
    return %arg0, %c0_i32 : i32, i32
  }
}

module attributes {stable_mosaic.version = 14 : i64} {
  func.func @_combine_body(%arg0: i32, %arg1: memref<256x1024xf32, #tpu.memory_space<vmem>>, %arg2: memref<256x1024xf32, #tpu.memory_space<vmem>>, %arg3: memref<256x1024xf32, #tpu.memory_space<vmem>>, %arg4: memref<256x8xf32, #tpu.memory_space<vmem>>, %arg5: memref<256x1024xf32, #tpu.memory_space<vmem>>) attributes {dimension_semantics = [#tpu.dimension_semantics<arbitrary>], iteration_bounds = array<i64: 8>, scalar_prefetch = 0 : i64, scratch_operands = 0 : i64, tpu.core_type = #tpu.core_type<tc>, window_params = [{transform_indices = @transform_0, window_bounds = array<i64: 256, 1024>}, {transform_indices = @transform_1, window_bounds = array<i64: 256, 1024>}, {transform_indices = @transform_2, window_bounds = array<i64: 256, 1024>}, {transform_indices = @transform_3, window_bounds = array<i64: 256, 8>}, {transform_indices = @transform_4, window_bounds = array<i64: 256, 1024>}]} {
    %get3A = arith.constant 0 : index
    %get3A_0 = arith.constant 0 : index
    %get3A_1 = vector.load %arg4[%get3A, %get3A_0] : memref<256x8xf32, #tpu.memory_space<vmem>>, vector<256x8xf32>
    %get3A_2 = arith.constant 0 : index
    %get3A_3 = arith.constant 0 : index
    %get3A_4 = vector.load %arg1[%get3A_2, %get3A_3] : memref<256x1024xf32, #tpu.memory_space<vmem>>, vector<256x1024xf32>
    %slice3A = vector.extract_strided_slice %get3A_1 {offsets = [0, 0], sizes = [256, 1], strides = [1, 1]} : vector<256x8xf32> to vector<256x1xf32>
    %get3A_5 = arith.constant 0 : index
    %get3A_6 = arith.constant 0 : index
    %get3A_7 = vector.load %arg2[%get3A_5, %get3A_6] : memref<256x1024xf32, #tpu.memory_space<vmem>>, vector<256x1024xf32>
    %mul3A = vector.broadcast %slice3A : vector<256x1xf32> to vector<256x1024xf32>
    %mul3A_8 = arith.mulf %mul3A, %get3A_7 : vector<256x1024xf32>
    %add3A = arith.addf %get3A_4, %mul3A_8 : vector<256x1024xf32>
    %slice3A_9 = vector.extract_strided_slice %get3A_1 {offsets = [0, 1], sizes = [256, 1], strides = [1, 1]} : vector<256x8xf32> to vector<256x1xf32>
    %get3A_10 = arith.constant 0 : index
    %get3A_11 = arith.constant 0 : index
    %get3A_12 = vector.load %arg3[%get3A_10, %get3A_11] : memref<256x1024xf32, #tpu.memory_space<vmem>>, vector<256x1024xf32>
    %mul3A_13 = vector.broadcast %slice3A_9 : vector<256x1xf32> to vector<256x1024xf32>
    %mul3A_14 = arith.mulf %mul3A_13, %get3A_12 : vector<256x1024xf32>
    %add3A_15 = arith.addf %add3A, %mul3A_14 : vector<256x1024xf32>
    %swap3A = arith.constant 0 : index
    %swap3A_16 = arith.constant 0 : index
    %swap3A_17 = vector.load %arg5[%swap3A, %swap3A_16] : memref<256x1024xf32, #tpu.memory_space<vmem>>, vector<256x1024xf32>
    tpu.vector_store %arg5[%swap3A, %swap3A_16], %add3A_15 {strides = array<i32>} : memref<256x1024xf32, #tpu.memory_space<vmem>>, vector<256x1024xf32>,
    return
  }
  func.func @transform_0(%arg0: i32) -> (i32, i32) {
    %c0_i32 = arith.constant 0 : i32
    %c0_i32_0 = arith.constant 0 : i32
    return %arg0, %c0_i32 : i32, i32
  }
  func.func @transform_1(%arg0: i32) -> (i32, i32) {
    %c0_i32 = arith.constant 0 : i32
    %c0_i32_0 = arith.constant 0 : i32
    return %arg0, %c0_i32 : i32, i32
  }
  func.func @transform_2(%arg0: i32) -> (i32, i32) {
    %c0_i32 = arith.constant 0 : i32
    %c0_i32_0 = arith.constant 0 : i32
    return %arg0, %c0_i32 : i32, i32
  }
  func.func @transform_3(%arg0: i32) -> (i32, i32) {
    %c0_i32 = arith.constant 0 : i32
    %c0_i32_0 = arith.constant 0 : i32
    return %arg0, %c0_i32 : i32, i32
  }
  func.func @transform_4(%arg0: i32) -> (i32, i32) {
    %c0_i32 = arith.constant 0 : i32
    %c0_i32_0 = arith.constant 0 : i32
    return %arg0, %c0_i32 : i32, i32
  }
}

</mosaic_0001>

<sc_bundles>
// kernel: kernel.10.cloned.1.call-start
scs
__scs_entry_jumppad:
0x0: {  	(pc) =	sbr.rel $0x88, $3  }
0x1: {  	(tag) =	ssettag $0x0;
	lr =	simm.s32 $0x1  }
0x2: {  	[smem:$0x3F99] =	sst lr;
	_ =	strace $0xD0000000  }
0x3: {  	_ = 	snop  }
0x4: {  	_ = 	snop  }
0x5: {  	_ = 	snop  }
0x6: {  	_ = 	snop  }
0x7: {  	_ = 	snop  }
__scs_overlays_trampoline_lowered:
0x8: {  	[smem:$0x3FA8] =	sst s0  }
0x9: {  	[smem:$0x3FA9] =	sst s1  }
0xa: {  	[smem:$0x3FAA] =	sst s2  }
0xb: {  	[smem:$0x3FAB] =	sst s3  }
0xc: {  	[smem:$0x3FAC] =	sst s4  }
0xd: {  	[smem:$0x3FAD] =	sst s5  }
0xe: {  	[smem:$0x3FAE] =	sst s6  }
0xf: {  	[smem:$0x3FAF] =	sst s7  }
0x10: {  	[smem:$0x3FB0] =	sst s8  }
0x11: {  	[smem:$0x3FB1] =	sst s9;
	s0 =	simm.s32 @!p0 $0x0  }
0x12: {  	s1 =	sld [smem:$0x3F97];
	s0 =	simm.s32 @p0 $0x1  }
0x13: {  	[smem:$0x3FB2] =	sst s0;
	s0 =	simm.s32 @!p1 $0x0  }
0x14: {  	s2 =	sld [smem:$0x3F96];
	s0 =	simm.s32 @p1 $0x1  }
0x15: {  	[smem:$0x3FB3] =	sst s0;
	s0 =	simm.s32 @!p2 $0x0  }
0x16: {  	s3 =	sld [smem:$0x3FDB];
	s0 =	simm.s32 @p2 $0x1  }
0x17: {  	s4 =	simm.s32 $0x1BF5;
	[smem:$0x3FB5] =	sst s0  }
0x18: {  	s0 =	sld [smem:$0x3F98];
	_ =	swait.ge [sflag:s4], $0x0  }
0x19: {  	s7 =	sld [smem:$0x3F99]  }
0x1a: {  	s8 =	sadd.s32 $0xFFFFE003, lr  }
0x1b: {  	s9 =	sadd.s32 $0xFFFFFEF7, lr;
	s5 =	simm.s32 $0xFFFFFFFF;
	p2 =	slt.u32 s8, $0xFFFFF086  }
0x1c: {  	p1 =	slt.u32 s9, $0xF7A;
	s5 =	simm.s32 @!p2 $0x0  }
0x1d: {  	s5 =	simm.s32 @p1 $0x1;
	p0 =	seq.s32 s7, s2  }
0x1e: {  	s7 =	smul.u32 @!p0 $0xF7A, s2;
	p2 =	seq.s32 @!p0 s5, $0x0  }
0x1f: {  	s9 =	smul.u32 $0xF7A, s1;
	s8 =	simm.s32 @!p0 $0x1BF5;
	p2 =	por !p2, p0  }
0x20: {  	[sflag:s8] =	ssyncset.s32 @!p0 $0xFFFFF086;
	s6 =	sadd.s32 @!p0 s3, s7;
	s7 =	simm.s32 @!p0 $0x108  }
0x21: {  	s3 =	sadd.s32 s3, s9;
	s6 =	sadd.s32 @!p0 $0x88, s6;
	s7 =	simm.s32 @p2 $0x1082  }
0x22: {  	[simem:s7], [sflag:s8] =	dma.local @!p0 [hbm:s6], $0xF7A  }
0x23: {  	s9 =	sor.u32 $0xD0000000, s2;
	s6 =	simm.s32 $0x108;
	_ =	swait.ge @!p0 [sflag:s8], $0x0  }
0x24: {  	s3 =	sadd.s32 $0x88, s3;
	s6 =	simm.s32 @!p1 $0x1082;
	[sflag:s4] =	ssyncset.s32 $0xFFFFF086  }
0x25: {  	[simem:s6], [sflag:s4] =	dma.local [hbm:s3], $0xF7A  }
0x26: {  	[smem:$0x3F99] =	sst s1;
	(tag) =	ssettag s2;
	_ =	strace s9  }
0x27: {  	s1 =	sld [smem:$0x3FA9]  }
0x28: {  	s2 =	sld [smem:$0x3FAA]  }
0x29: {  	s4 =	sld [smem:$0x3FAC]  }
0x2a: {  	p0 =	seq.s32 s5, $0x0;
	s5 =	sld [smem:$0x3FAD]  }
0x2b: {  	s6 =	sld [smem:$0x3FAE]  }
0x2c: {  	s7 =	sld [smem:$0x3FAF]  }
0x2d: {  	s3 =	simm.s32 $0x108;
	s8 =	sld [smem:$0x3FB0]  }
0x2e: {  	s3 =	simm.s32 @!p0 $0x1082;
	s9 =	sld [smem:$0x3FB1]  }
0x2f: {  	lr =	sadd.s32 s0, s3;
	s0 =	sld [smem:$0x3FA8]  }
0x30: {  	s3 =	sld [smem:$0x3FAB]  }
0x31: {  	[smem:$0x3FB4] =	sst s10  }
0x32: {  	s10 =	sld [smem:$0x3FB2];
	_ =	sdelay $0x3  }
0x33: {  	p0 =	seq.s32 s10, $0x1;
	s10 =	sld [smem:$0x3FB4];
	_ =	sdelay $0x3  }
0x34: {  	[smem:$0x3FB4] =	sst s10  }
0x35: {  	s10 =	sld [smem:$0x3FB3];
	_ =	sdelay $0x3  }
0x36: {  	p1 =	seq.s32 s10, $0x1;
	s10 =	sld [smem:$0x3FB4];
	_ =	sdelay $0x3  }
0x37: {  	[smem:$0x3FB4] =	sst s10  }
0x38: {  	s10 =	sld [smem:$0x3FB5]  }
0x39: {  	_ = 	snop;
	(pc) =	sbr.ind lr, $3  }
0x3a: {  	_ = 	snop  }
0x3b: {  	_ = 	snop  }
0x3c: {  	p2 =	seq.s32 s10, $0x1;
	s10 =	sld [smem:$0x3FB4]  }
0x3d: {  	_ =	shalt  }
0x3e: {  	_ =	shalt  }
0x3f: {  	_ =	shalt  }
0x40: {  	_ =	shalt  }
0x41: {  	_ =	shalt  }
0x42: {  	_ =	shalt  }
0x43: {  	_ =	shalt  }
0x44: {  	_ =	shalt  }
0x45: {  	_ =	shalt  }
0x46: {  	_ =	shalt  }
0x47: {  	_ =	shalt  }
0x48: {  	_ =	shalt  }
0x49: {  	_ =	shalt  }
0x4a: {  	_ =	shalt  }
0x4b: {  	_ =	shalt  }
0x4c: {  	_ =	shalt  }
0x4d: {  	_ =	shalt  }
0x4e: {  	_ =	shalt  }
0x4f: {  	_ =	shalt  }
0x50: {  	_ =	shalt  }
0x51: {  	_ =	shalt  }
0x52: {  	_ =	shalt  }
0x53: {  	_ =	shalt  }
0x54: {  	_ =	shalt  }
0x55: {  	_ =	shalt  }
0x56: {  	_ =	shalt  }
0x57: {  	_ =	shalt  }
0x58: {  	_ =	shalt  }
0x59: {  	_ =	shalt  }
0x5a: {  	_ =	shalt  }
0x5b: {  	_ =	shalt  }
0x5c: {  	_ =	shalt  }
0x5d: {  	_ =	shalt  }
0x5e: {  	_ =	shalt  }
0x5f: {  	_ =	shalt  }
0x60: {  	_ =	shalt  }
0x61: {  	_ =	shalt  }
0x62: {  	_ =	shalt  }
0x63: {  	_ =	shalt  }
0x64: {  	_ =	shalt  }
0x65: {  	_ =	shalt  }
0x66: {  	_ =	shalt  }
0x67: {  	_ =	shalt  }
0x68: {  	_ =	shalt  }
0x69: {  	_ =	shalt  }
0x6a: {  	_ =	shalt  }
0x6b: {  	_ =	shalt  }
0x6c: {  	_ =	shalt  }
0x6d: {  	_ =	shalt  }
0x6e: {  	_ =	shalt  }
0x6f: {  	_ =	shalt  }
0x70: {  	_ =	shalt  }
0x71: {  	_ =	shalt  }
0x72: {  	_ =	shalt  }
0x73: {  	_ =	shalt  }
0x74: {  	_ =	shalt  }
0x75: {  	_ =	shalt  }
0x76: {  	_ =	shalt  }
0x77: {  	_ =	shalt  }
0x78: {  	_ =	shalt  }
0x79: {  	_ =	shalt  }
0x7a: {  	_ =	shalt  }
0x7b: {  	_ =	shalt  }
0x7c: {  	_ =	shalt  }
0x7d: {  	_ =	shalt  }
0x7e: {  	_ =	shalt  }
0x7f: {  	_ =	shalt  }
0x80: {  	_ =	shalt  }
0x81: {  	_ =	shalt  }
0x82: {  	_ =	shalt  }
0x83: {  	_ =	shalt  }
0x84: {  	_ =	shalt  }
0x85: {  	_ =	shalt  }
0x86: {  	_ =	shalt  }
0x87: {  	_ =	shalt  }
.Lfunc_end0:
.L_simem_size_0:
called_computation_lowered:
.L_overlay_start_0:
0x88: {  	s2 =	sld [smem:$0x3FD9]  }
0x89: {  	s3 =	sld [smem:$0x3FFE];
	_ =	sdelay $0x1  }
0x8a: {  	s1 =	srdreg.scid  }
0x8b: {  	s0 =	sand.u32 $0x1, s1  }
0x8c: {  	s16 =	sshll.u32 s0, $0xA;
	s2 =	sadd.s32 s3, s2  }
0x8d: {  	s2 =	sadd.s32 s2, s16  }
0x8e: {  	[smem:$0x3FC0] =	sst s2  }
0x8f: {  	_ = 	snop  }
0x90: {  	(tm) =	ssettm $0x1  }
0x91: {  	s17 =	sld [smem:$0x3FFB];
	_ =	sdelay $0x3  }
0x92: {  	_ =	strace s17  }
0x93: {  	s2 =	sld [smem:$0x3FFC];
	_ =	sdelay $0x3  }
0x94: {  	_ =	strace s2  }
0x95: {  	s2 =	sld [smem:$0x3FFD];
	_ =	sdelay $0x3  }
0x96: {  	_ =	strace s2  }
0x97: {  	_ =	strace $0x8FFFFFFF  }
0x98: {  	s18 =	sld [smem:$0x3FDB];
	_ =	sdelay $0x1  }
0x99: {  	s19 =	simm.s32 $_scs_section_size  }
0x9a: {  	s4 =	simm.s32 $_size__tile_overlayer_lowered;
	s5 =	simm.s32 $_tile_overlayer_lowered  }
0x9b: {  	s22 =	simm.s32 $0x1BFF;
	s21 =	sshll.u32 s5, $0x1;
	s2 =	sadd.s32 s19, s18  }
0x9c: {  	s6 =	simm.s32 $0x0;
	s20 =	sshll.u32 s4, $0x1;
	s4 =	sadd.s32 s21, s2  }
0x9d: {  	[timem:s6], [sflag:s22] =	dma.local [hbm:s4], s20  }
0x9e: {  	_ =	swait.ge [sflag:s22], s20  }
0x9f: {  	s3 =	ssub.s32 $0x0, s20;
	[sflag:s22] =	ssyncset.done $0x0  }
0xa0: {  	[sflag:s22] =	ssyncadd.s32 s3;
	_ =	sdelay $0x1  }
0xa1: {  	s23 =	simm.s32 $0x1B8B  }
0xa2: {  	_ =	swait.ge [sflag:s23], $0x1  }
0xa3: {  	[sflag:s23] =	ssyncset.done $0x0  }
0xa4: {  	s25 =	simm.s32 $0x1B8E;
	s24 =	sld [smem:$0x3FFE];
	[sflag:s23] =	ssyncadd.s32 $0xFFFFFFFF  }
0xa5: {  	s26 =	simm.s32 $execute0_lowered;
	[smem:$0x3FD2] =	sst s25  }
0xa6: {  	s4 =	sshll.u32 s26, $0x1;
	_ =	strace $0x80000046;
	[dreg:$0x1] =	wrdreg $0xFFFFFFFF  }
0xa7: {  	s28 =	simm.s32 $_size_execute0_lowered;
	s2 =	sadd.s32 s2, s4;
	[dreg:$0x0] =	wrdreg $0x0  }
0xa8: {  	s4 =	sshll.u32 s28, $0x1;
	[dreg:$0x2] =	wrdreg s2  }
0xa9: {  	[dreg:$0x3] =	wrdreg s4  }
0xaa: {  	[dreg:$0x4] =	wrdreg $0xC0  }
0xab: {  	_ =	task [dreg:s6], $0x5FFFF  }
0xac: {  	[dreg:$0x1] =	wrdreg $0xFFFFFFFF  }
0xad: {  	[dreg:$0x0] =	wrdreg $0x60  }
0xae: {  	[dreg:$0x2] =	wrdreg s24  }
0xaf: {  	[dreg:$0x3] =	wrdreg $0x9  }
0xb0: {  	_ =	task.clear_ibuf [dreg:s6], $0x4FFFF;
	_ =	strace $0x90000046  }
0xb1: {  	s29 =	simm.s32 $0x9;
	_ =	strace $0x80000048  }
0xb2: {  	_ =	swait.ge [sflag:s29], $0x1  }
0xb3: {  	[sflag:s29] =	ssyncadd.s32 $0xFFFFFFFF  }
0xb4: {  	_ =	strace $0x90000048  }
0xb5: {  	_ =	sfence  }
0xb6: {  	s30 =	sld [smem:$0x0];
	_ =	sdelay $0x2  }
0xb7: {  	s31 =	sshll.u32 s1, $0xD;
	s1 =	sshrl.u32 s1, $0x2  }
0xb8: {  	s3 =	sand.u32 $0x4000, s31;
	s1 =	sadd.s32 s1, s30  }
0xb9: {  	s0 =	sor.u32 s3, s0;
	s1 =	sshll.u32 s1, $0x11  }
0xba: {  	s0 =	sor.u32 s1, s0  }
0xbb: {  	s0 =	sadd.s32 $0x8F2B, s0  }
0xbc: {  	[sflag:s0] =	ssyncadd.remote.s32 $0x1  }
0xbd: {  	_ =	sfence.sel $0xFFFF  }
0xbe: {  	[dreg:$0x0] =	wrdreg $0xFFFFFFFF;
	(pc) =	sbr.abs _section_cstart, $3  }
0xbf: {  	[dreg:$0x1] =	wrdreg $0xFFFFFFFF  }
0xc0: {  	_ =	task.clear_ibuf [dreg:s6], $0x2FFFF;
	_ =	strace $0x9FFFFFFF  }
0xc1: {  	(tm) =	ssettm $0x7FFFFFFF  }
tec
execute0_lowered:
.L_overlay_start_1:
0x0: {  	(tag) =	ssettag $0x1  }
0x1: {  	s0 =	rddreg [dreg:$0x0]  }
0x2: {  	s3 =	srdreg.scid;
	s1 =	stileid.u32;
	s2 =	simm.s32 $0x0  }
0x3: {  	s28 =	simm.s32 $0x2080;
	s29 =	simm.s32 $0x2880;
	s30 =	simm.s32 $0x3080  }
0x4: {  	s31 =	simm.s32 $0x3880;
	s4 =	sand.u32 $0x1, s3;
	s5 =	sshll.u32 s1, $0x1  }
0x5: {  	[smem:$0x7FF] =	sst s2;
	s3 =	sadd.s32 $0x2000, s0;
	s5 =	sor.u32 s4, s5  }
0x6: {  	s19 =	sadd.s32 $0x4A000, s0;
	s4 =	ssub.s32 $0x2, s4;
	s17 =	smul.u32 $0xA0, s5  }
0x7: {  	s20 =	sadd.s32 $0x4A400, s0;
	s6 =	sshrl.u32 s4, $0x1;
	s5 =	smul.u32 $0x5000, s5  }
0x8: {  	_ =	strace $0x80000047;
	s21 =	ssub.s32 s4, s6;
	s4 =	sadd.s32 $0x2100, s0  }
0x9: {  	s7 =	sshrl.u32 s17, $0x3;
	s5 =	sadd.s32 s20, s5;
	s9 =	sadd.s32 $0x20, s17  }
0xa: {  	s12 =	sadd.s32 $0x30, s17;
	s18 =	sadd.s32 $0x60, s17;
	s21 =	smax.u32 s21, $0x1  }
0xb: {  	s6 =	sadd.s32 s19, s7;
	s7 =	sor.u32 $0x10, s17;
	[dreg:$0x3] =	wrdreg s5  }
0xc: {  	s11 =	sshrl.u32 s9, $0x3;
	s13 =	sshrl.u32 s12, $0x3;
	s8 =	sshrl.u32 s7, $0x3  }
0xd: {  	[dreg:$0x2] =	wrdreg s6;
	s6 =	sshll.u32 s7, $0x7;
	s5 =	sadd.s32 s19, s8  }
0xe: {  	s7 =	sshll.u32 s9, $0x7;
	s10 =	sadd.s32 s20, s6;
	[dreg:$0x4] =	wrdreg s5  }
0xf: {  	s6 =	sadd.s32 s19, s11;
	s7 =	sadd.s32 s20, s7;
	[dreg:$0x5] =	wrdreg s10  }
0x10: {  	s11 =	sadd.s32 $0x50, s17;
	s5 =	sadd.s32 $0x2200, s0;
	[dreg:$0x6] =	wrdreg s6  }
0x11: {  	s6 =	sadd.s32 $0x2300, s0;
	[dreg:$0x7] =	wrdreg s7;
	s0 =	sshll.u32 s12, $0x7  }
0x12: {  	s10 =	sadd.s32 $0x40, s17;
	s7 =	sadd.s32 s19, s13;
	s16 =	sshrl.u32 s11, $0x3  }
0x13: {  	s12 =	sshll.u32 s11, $0x7;
	s13 =	sshrl.u32 s18, $0x3;
	s8 =	sadd.s32 s20, s0  }
0x14: {  	s14 =	sshrl.u32 s10, $0x3;
	s15 =	sshll.u32 s10, $0x7;
	s11 =	sadd.s32 s19, s16  }
0x15: {  	s12 =	sadd.s32 s20, s12;
	s0 =	sshll.u32 s18, $0x7;
	s16 =	sadd.s32 $0x70, s17  }
0x16: {  	s13 =	sadd.s32 s19, s13;
	s18 =	sadd.s32 $0x80, s17;
	s9 =	sadd.s32 s19, s14  }
0x17: {  	s10 =	sadd.s32 s20, s15;
	s14 =	sadd.s32 s20, s0;
	s22 =	sshrl.u32 s16, $0x3  }
0x18: {  	s23 =	sshll.u32 s16, $0x7;
	s24 =	sshrl.u32 s18, $0x3;
	s25 =	sshll.u32 s18, $0x7  }
0x19: {  	s0 =	simm.s32 $0x1;
	s15 =	sadd.s32 s19, s22;
	s16 =	sadd.s32 s20, s23  }
0x1a: {  	s22 =	sadd.s32 $0x90, s17;
	s17 =	sadd.s32 s19, s24;
	s18 =	sadd.s32 s20, s25  }
0x1b: {  	v2 =	vlaneseq.u32;
	s24 =	simm.s32 $0x880;
	s25 =	simm.s32 $0x1080;
	s23 =	sshrl.u32 s22, $0x3  }
0x1c: {  	vm0 =	vmmov $0xffff;
	v1 =	vshrl.u32 v2, $0x3;
	s26 =	sshll.u32 s22, $0x7;
	s22 =	simm.s32 $0x2;
	s19 =	sadd.s32 s19, s23  }
0x1d: {  	v0 =	vand.u32 $0x7, v2;
	v2 =	vor.u32 $0x8, v2;
	v1 =	vmul.u32 $0x8, v1;
	s20 =	sadd.s32 s20, s26;
	s23 =	simm.s32 $0x80;
	s26 =	simm.s32 $0x1880  }
.LBB2_1:
0x1e: {  	s1 =	rddreg [dreg:$0x2]  }
0x1f: {  	[tilespmem:s2], [sflag:$0x2] =	stream.linear.gather [hbm4b:s1+s2], $0x10, $0x38;
	[tilespmem:$0x4080] =	vst v63  }
0x20: {  	_ =	swait.ge [sflag:s22], $0x10  }
0x21: {  	[sflag:s22] =	ssyncset.done $0x0  }
0x22: {  	[sflag:s22] =	ssyncadd.s32 $0xFFFFFFF0  }
0x23: {  	v3 =	vld [tilespmem:$0x0];
	_ =	sdelay $0x4  }
0x24: {  	v4 =	vshll.u32 v3, $0x3  }
0x25: {  	v3 =	vand.u32 $0x7, v3;
	v4 =	vand.u32 $0xFFFFFFC0, v4  }
0x26: {  	v3 =	vor.u32 v3, v4  }
0x27: {  	v4 =	vperm.xlane v3, v0;
	_ =	sdelay $0x1  }
0x28: {  	v4 =	vadd.s32 v1, v4;
	_ =	sdelay $0x4  }
0x29: {  	[tilespmem:s23], [sflag:$0x1] =	stream.indirect_vreg.gather [hbm4b:s3+s2], $0x80, v4, vm0, $0xb8;
	[tilespmem:$0x4080] =	vst v63  }
0x2a: {  	v3 =	vperm.xlane v3, v2  }
0x2b: {  	[tilespmem:s24], [sflag:$0x1] =	stream.indirect_vreg.gather [hbm4b:s4+s2], $0x80, v4, vm0, $0xb8;
	[tilespmem:$0x4080] =	vst v63  }
0x2c: {  	v3 =	vadd.s32 v1, v3  }
0x2d: {  	[tilespmem:s25], [sflag:$0x1] =	stream.indirect_vreg.gather [hbm4b:s5+s2], $0x80, v4, vm0, $0xb8;
	[tilespmem:$0x4080] =	vst v63  }
0x2e: {  	_ = 	snop  }
0x2f: {  	[tilespmem:s26], [sflag:$0x1] =	stream.indirect_vreg.gather [hbm4b:s6+s2], $0x80, v4, vm0, $0xb8;
	[tilespmem:$0x4080] =	vst v63  }
0x30: {  	_ = 	snop  }
0x31: {  	[tilespmem:s28], [sflag:$0x1] =	stream.indirect_vreg.gather [hbm4b:s3+s2], $0x80, v3, vm0, $0xb8;
	[tilespmem:$0x4080] =	vst v63  }
0x32: {  	_ = 	snop  }
0x33: {  	[tilespmem:s29], [sflag:$0x1] =	stream.indirect_vreg.gather [hbm4b:s4+s2], $0x80, v3, vm0, $0xb8;
	[tilespmem:$0x4080] =	vst v63  }
0x34: {  	_ = 	snop  }
0x35: {  	[tilespmem:s30], [sflag:$0x1] =	stream.indirect_vreg.gather [hbm4b:s5+s2], $0x80, v3, vm0, $0xb8;
	[tilespmem:$0x4080] =	vst v63  }
0x36: {  	_ = 	snop  }
0x37: {  	[tilespmem:s31], [sflag:$0x1] =	stream.indirect_vreg.gather [hbm4b:s6+s2], $0x80, v3, vm0, $0xb8;
	[tilespmem:$0x4080] =	vst v63  }
0x38: {  	_ =	swait.ge [sflag:s0], $0x4000  }
0x39: {  	[sflag:s0] =	ssyncset.done $0x0  }
0x3a: {  	s1 =	rddreg [dreg:$0x3];
	[sflag:s0] =	ssyncadd.s32 $0xFFFFC000  }
0x3b: {  	[hbm4b:s1+s2] =	stream.linear.scatter [tilespmem:s23], [sflag:$0x2], $0x4000, $0x38;
	[tilespmem:$0x4080] =	vst v63  }
0x3c: {  	_ =	swait.ge [sflag:s22], $0x4000  }
0x3d: {  	[sflag:s22] =	ssyncset.done $0x0  }
0x3e: {  	s1 =	rddreg [dreg:$0x4];
	[sflag:s22] =	ssyncadd.s32 $0xFFFFC000  }
0x3f: {  	[tilespmem:s2], [sflag:$0x2] =	stream.linear.gather [hbm4b:s1+s2], $0x10, $0x38;
	[tilespmem:$0x4080] =	vst v63  }
0x40: {  	_ =	swait.ge [sflag:s22], $0x10  }
0x41: {  	[sflag:s22] =	ssyncset.done $0x0  }
0x42: {  	[sflag:s22] =	ssyncadd.s32 $0xFFFFFFF0  }
0x43: {  	v3 =	vld [tilespmem:$0x0];
	_ =	sdelay $0x4  }
0x44: {  	v55 =	vshll.u32 v3, $0x3  }
0x45: {  	v3 =	vand.u32 $0x7, v3;
	v4 =	vand.u32 $0xFFFFFFC0, v55  }
0x46: {  	v3 =	vor.u32 v3, v4  }
0x47: {  	v4 =	vperm.xlane v3, v0;
	_ =	sdelay $0x1  }
0x48: {  	v4 =	vadd.s32 v1, v4;
	_ =	sdelay $0x4  }
0x49: {  	[tilespmem:s23], [sflag:$0x1] =	stream.indirect_vreg.gather [hbm4b:s3+s2], $0x80, v4, vm0, $0xb8;
	[tilespmem:$0x4080] =	vst v63  }
0x4a: {  	v3 =	vperm.xlane v3, v2  }
0x4b: {  	[tilespmem:s24], [sflag:$0x1] =	stream.indirect_vreg.gather [hbm4b:s4+s2], $0x80, v4, vm0, $0xb8;
	[tilespmem:$0x4080] =	vst v63  }
0x4c: {  	v3 =	vadd.s32 v1, v3  }
0x4d: {  	[tilespmem:s25], [sflag:$0x1] =	stream.indirect_vreg.gather [hbm4b:s5+s2], $0x80, v4, vm0, $0xb8;
	[tilespmem:$0x4080] =	vst v63  }
0x4e: {  	_ = 	snop  }
0x4f: {  	[tilespmem:s26], [sflag:$0x1] =	stream.indirect_vreg.gather [hbm4b:s6+s2], $0x80, v4, vm0, $0xb8;
	[tilespmem:$0x4080] =	vst v63  }
0x50: {  	_ = 	snop  }
0x51: {  	[tilespmem:s28], [sflag:$0x1] =	stream.indirect_vreg.gather [hbm4b:s3+s2], $0x80, v3, vm0, $0xb8;
	[tilespmem:$0x4080] =	vst v63  }
0x52: {  	_ = 	snop  }
0x53: {  	[tilespmem:s29], [sflag:$0x1] =	stream.indirect_vreg.gather [hbm4b:s4+s2], $0x80, v3, vm0, $0xb8;
	[tilespmem:$0x4080] =	vst v63  }
0x54: {  	_ = 	snop  }
0x55: {  	[tilespmem:s30], [sflag:$0x1] =	stream.indirect_vreg.gather [hbm4b:s5+s2], $0x80, v3, vm0, $0xb8;
	[tilespmem:$0x4080] =	vst v63  }
0x56: {  	_ = 	snop  }
0x57: {  	[tilespmem:s31], [sflag:$0x1] =	stream.indirect_vreg.gather [hbm4b:s6+s2], $0x80, v3, vm0, $0xb8;
	[tilespmem:$0x4080] =	vst v63  }
0x58: {  	_ =	swait.ge [sflag:s0], $0x4000  }
0x59: {  	[sflag:s0] =	ssyncset.done $0x0  }
0x5a: {  	s1 =	rddreg [dreg:$0x5];
	[sflag:s0] =	ssyncadd.s32 $0xFFFFC000  }
0x5b: {  	[hbm4b:s1+s2] =	stream.linear.scatter [tilespmem:s23], [sflag:$0x2], $0x4000, $0x38;
	[tilespmem:$0x4080] =	vst v63  }
0x5c: {  	_ =	swait.ge [sflag:s22], $0x4000  }
0x5d: {  	[sflag:s22] =	ssyncset.done $0x0  }
0x5e: {  	s1 =	rddreg [dreg:$0x6];
	[sflag:s22] =	ssyncadd.s32 $0xFFFFC000  }
0x5f: {  	[tilespmem:s2], [sflag:$0x2] =	stream.linear.gather [hbm4b:s1+s2], $0x10, $0x38;
	[tilespmem:$0x4080] =	vst v63  }
0x60: {  	_ =	swait.ge [sflag:s22], $0x10  }
0x61: {  	[sflag:s22] =	ssyncset.done $0x0  }
0x62: {  	[sflag:s22] =	ssyncadd.s32 $0xFFFFFFF0  }
0x63: {  	v3 =	vld [tilespmem:$0x0];
	_ =	sdelay $0x4  }
0x64: {  	v56 =	vshll.u32 v3, $0x3  }
0x65: {  	v3 =	vand.u32 $0x7, v3;
	v4 =	vand.u32 $0xFFFFFFC0, v56  }
0x66: {  	v3 =	vor.u32 v3, v4  }
0x67: {  	v4 =	vperm.xlane v3, v0;
	_ =	sdelay $0x1  }
0x68: {  	v4 =	vadd.s32 v1, v4;
	_ =	sdelay $0x4  }
0x69: {  	[tilespmem:s23], [sflag:$0x1] =	stream.indirect_vreg.gather [hbm4b:s3+s2], $0x80, v4, vm0, $0xb8;
	[tilespmem:$0x4080] =	vst v63  }
0x6a: {  	v3 =	vperm.xlane v3, v2  }
0x6b: {  	[tilespmem:s24], [sflag:$0x1] =	stream.indirect_vreg.gather [hbm4b:s4+s2], $0x80, v4, vm0, $0xb8;
	[tilespmem:$0x4080] =	vst v63  }
0x6c: {  	v3 =	vadd.s32 v1, v3  }
0x6d: {  	[tilespmem:s25], [sflag:$0x1] =	stream.indirect_vreg.gather [hbm4b:s5+s2], $0x80, v4, vm0, $0xb8;
	[tilespmem:$0x4080] =	vst v63  }
0x6e: {  	_ = 	snop  }
0x6f: {  	[tilespmem:s26], [sflag:$0x1] =	stream.indirect_vreg.gather [hbm4b:s6+s2], $0x80, v4, vm0, $0xb8;
	[tilespmem:$0x4080] =	vst v63  }
0x70: {  	_ = 	snop  }
0x71: {  	[tilespmem:s28], [sflag:$0x1] =	stream.indirect_vreg.gather [hbm4b:s3+s2], $0x80, v3, vm0, $0xb8;
	[tilespmem:$0x4080] =	vst v63  }
0x72: {  	_ = 	snop  }
0x73: {  	[tilespmem:s29], [sflag:$0x1] =	stream.indirect_vreg.gather [hbm4b:s4+s2], $0x80, v3, vm0, $0xb8;
	[tilespmem:$0x4080] =	vst v63  }
0x74: {  	_ = 	snop  }
0x75: {  	[tilespmem:s30], [sflag:$0x1] =	stream.indirect_vreg.gather [hbm4b:s5+s2], $0x80, v3, vm0, $0xb8;
	[tilespmem:$0x4080] =	vst v63  }
0x76: {  	_ = 	snop  }
0x77: {  	[tilespmem:s31], [sflag:$0x1] =	stream.indirect_vreg.gather [hbm4b:s6+s2], $0x80, v3, vm0, $0xb8;
	[tilespmem:$0x4080] =	vst v63  }
0x78: {  	_ =	swait.ge [sflag:s0], $0x4000  }
0x79: {  	[sflag:s0] =	ssyncset.done $0x0  }
0x7a: {  	s1 =	rddreg [dreg:$0x7];
	[sflag:s0] =	ssyncadd.s32 $0xFFFFC000  }
0x7b: {  	[hbm4b:s1+s2] =	stream.linear.scatter [tilespmem:s23], [sflag:$0x2], $0x4000, $0x38;
	[tilespmem:$0x4080] =	vst v63  }
0x7c: {  	_ =	swait.ge [sflag:s22], $0x4000  }
0x7d: {  	[sflag:s22] =	ssyncset.done $0x0  }
0x7e: {  	[sflag:s22] =	ssyncadd.s32 $0xFFFFC000  }
0x7f: {  	[tilespmem:s2], [sflag:$0x2] =	stream.linear.gather [hbm4b:s7+s2], $0x10, $0x38;
	[tilespmem:$0x4080] =	vst v63  }
0x80: {  	_ =	swait.ge [sflag:s22], $0x10  }
0x81: {  	[sflag:s22] =	ssyncset.done $0x0  }
0x82: {  	[sflag:s22] =	ssyncadd.s32 $0xFFFFFFF0  }
0x83: {  	v3 =	vld [tilespmem:$0x0];
	_ =	sdelay $0x4  }
0x84: {  	v57 =	vshll.u32 v3, $0x3  }
0x85: {  	v3 =	vand.u32 $0x7, v3;
	v4 =	vand.u32 $0xFFFFFFC0, v57  }
0x86: {  	v3 =	vor.u32 v3, v4  }
0x87: {  	v4 =	vperm.xlane v3, v0;
	_ =	sdelay $0x1  }
0x88: {  	v4 =	vadd.s32 v1, v4;
	_ =	sdelay $0x4  }
0x89: {  	[tilespmem:s23], [sflag:$0x1] =	stream.indirect_vreg.gather [hbm4b:s3+s2], $0x80, v4, vm0, $0xb8;
	[tilespmem:$0x4080] =	vst v63  }
0x8a: {  	v3 =	vperm.xlane v3, v2  }
0x8b: {  	[tilespmem:s24], [sflag:$0x1] =	stream.indirect_vreg.gather [hbm4b:s4+s2], $0x80, v4, vm0, $0xb8;
	[tilespmem:$0x4080] =	vst v63  }
0x8c: {  	v3 =	vadd.s32 v1, v3  }
0x8d: {  	[tilespmem:s25], [sflag:$0x1] =	stream.indirect_vreg.gather [hbm4b:s5+s2], $0x80, v4, vm0, $0xb8;
	[tilespmem:$0x4080] =	vst v63  }
0x8e: {  	_ = 	snop  }
0x8f: {  	[tilespmem:s26], [sflag:$0x1] =	stream.indirect_vreg.gather [hbm4b:s6+s2], $0x80, v4, vm0, $0xb8;
	[tilespmem:$0x4080] =	vst v63  }
0x90: {  	_ = 	snop  }
0x91: {  	[tilespmem:s28], [sflag:$0x1] =	stream.indirect_vreg.gather [hbm4b:s3+s2], $0x80, v3, vm0, $0xb8;
	[tilespmem:$0x4080] =	vst v63  }
0x92: {  	_ = 	snop  }
0x93: {  	[tilespmem:s29], [sflag:$0x1] =	stream.indirect_vreg.gather [hbm4b:s4+s2], $0x80, v3, vm0, $0xb8;
	[tilespmem:$0x4080] =	vst v63  }
0x94: {  	_ = 	snop  }
0x95: {  	[tilespmem:s30], [sflag:$0x1] =	stream.indirect_vreg.gather [hbm4b:s5+s2], $0x80, v3, vm0, $0xb8;
	[tilespmem:$0x4080] =	vst v63  }
0x96: {  	_ = 	snop  }
0x97: {  	[tilespmem:s31], [sflag:$0x1] =	stream.indirect_vreg.gather [hbm4b:s6+s2], $0x80, v3, vm0, $0xb8;
	[tilespmem:$0x4080] =	vst v63  }
0x98: {  	_ =	swait.ge [sflag:s0], $0x4000  }
0x99: {  	[sflag:s0] =	ssyncset.done $0x0  }
0x9a: {  	[sflag:s0] =	ssyncadd.s32 $0xFFFFC000  }
0x9b: {  	[hbm4b:s8+s2] =	stream.linear.scatter [tilespmem:s23], [sflag:$0x2], $0x4000, $0x38;
	[tilespmem:$0x4080] =	vst v63  }
0x9c: {  	_ =	swait.ge [sflag:s22], $0x4000  }
0x9d: {  	[sflag:s22] =	ssyncset.done $0x0  }
0x9e: {  	[sflag:s22] =	ssyncadd.s32 $0xFFFFC000  }
0x9f: {  	[tilespmem:s2], [sflag:$0x2] =	stream.linear.gather [hbm4b:s9+s2], $0x10, $0x38;
	[tilespmem:$0x4080] =	vst v63  }
0xa0: {  	_ =	swait.ge [sflag:s22], $0x10  }
0xa1: {  	[sflag:s22] =	ssyncset.done $0x0  }
0xa2: {  	[sflag:s22] =	ssyncadd.s32 $0xFFFFFFF0  }
0xa3: {  	v3 =	vld [tilespmem:$0x0];
	_ =	sdelay $0x4  }
0xa4: {  	v58 =	vshll.u32 v3, $0x3  }
0xa5: {  	v3 =	vand.u32 $0x7, v3;
	v4 =	vand.u32 $0xFFFFFFC0, v58  }
0xa6: {  	v3 =	vor.u32 v3, v4  }
0xa7: {  	v4 =	vperm.xlane v3, v0;
	_ =	sdelay $0x1  }
0xa8: {  	v4 =	vadd.s32 v1, v4;
	_ =	sdelay $0x4  }
0xa9: {  	[tilespmem:s23], [sflag:$0x1] =	stream.indirect_vreg.gather [hbm4b:s3+s2], $0x80, v4, vm0, $0xb8;
	[tilespmem:$0x4080] =	vst v63  }
0xaa: {  	v3 =	vperm.xlane v3, v2  }
0xab: {  	[tilespmem:s24], [sflag:$0x1] =	stream.indirect_vreg.gather [hbm4b:s4+s2], $0x80, v4, vm0, $0xb8;
	[tilespmem:$0x4080] =	vst v63  }
0xac: {  	v3 =	vadd.s32 v1, v3  }
0xad: {  	[tilespmem:s25], [sflag:$0x1] =	stream.indirect_vreg.gather [hbm4b:s5+s2], $0x80, v4, vm0, $0xb8;
	[tilespmem:$0x4080] =	vst v63  }
0xae: {  	_ = 	snop  }
0xaf: {  	[tilespmem:s26], [sflag:$0x1] =	stream.indirect_vreg.gather [hbm4b:s6+s2], $0x80, v4, vm0, $0xb8;
	[tilespmem:$0x4080] =	vst v63  }
0xb0: {  	_ = 	snop  }
0xb1: {  	[tilespmem:s28], [sflag:$0x1] =	stream.indirect_vreg.gather [hbm4b:s3+s2], $0x80, v3, vm0, $0xb8;
	[tilespmem:$0x4080] =	vst v63  }
0xb2: {  	_ = 	snop  }
0xb3: {  	[tilespmem:s29], [sflag:$0x1] =	stream.indirect_vreg.gather [hbm4b:s4+s2], $0x80, v3, vm0, $0xb8;
	[tilespmem:$0x4080] =	vst v63  }
0xb4: {  	_ = 	snop  }
0xb5: {  	[tilespmem:s30], [sflag:$0x1] =	stream.indirect_vreg.gather [hbm4b:s5+s2], $0x80, v3, vm0, $0xb8;
	[tilespmem:$0x4080] =	vst v63  }
0xb6: {  	_ = 	snop  }
0xb7: {  	[tilespmem:s31], [sflag:$0x1] =	stream.indirect_vreg.gather [hbm4b:s6+s2], $0x80, v3, vm0, $0xb8;
	[tilespmem:$0x4080] =	vst v63  }
0xb8: {  	_ =	swait.ge [sflag:s0], $0x4000  }
0xb9: {  	[sflag:s0] =	ssyncset.done $0x0  }
0xba: {  	[sflag:s0] =	ssyncadd.s32 $0xFFFFC000  }
0xbb: {  	[hbm4b:s10+s2] =	stream.linear.scatter [tilespmem:s23], [sflag:$0x2], $0x4000, $0x38;
	[tilespmem:$0x4080] =	vst v63  }
0xbc: {  	_ =	swait.ge [sflag:s22], $0x4000  }
0xbd: {  	[sflag:s22] =	ssyncset.done $0x0  }
0xbe: {  	[sflag:s22] =	ssyncadd.s32 $0xFFFFC000  }
0xbf: {  	[tilespmem:s2], [sflag:$0x2] =	stream.linear.gather [hbm4b:s11+s2], $0x10, $0x38;
	[tilespmem:$0x4080] =	vst v63  }
0xc0: {  	_ =	swait.ge [sflag:s22], $0x10  }
0xc1: {  	[sflag:s22] =	ssyncset.done $0x0  }
0xc2: {  	[sflag:s22] =	ssyncadd.s32 $0xFFFFFFF0  }
0xc3: {  	v3 =	vld [tilespmem:$0x0];
	_ =	sdelay $0x4  }
0xc4: {  	v59 =	vshll.u32 v3, $0x3  }
0xc5: {  	v3 =	vand.u32 $0x7, v3;
	v4 =	vand.u32 $0xFFFFFFC0, v59  }
0xc6: {  	v3 =	vor.u32 v3, v4  }
0xc7: {  	v4 =	vperm.xlane v3, v0;
	_ =	sdelay $0x1  }
0xc8: {  	v4 =	vadd.s32 v1, v4;
	_ =	sdelay $0x4  }
0xc9: {  	[tilespmem:s23], [sflag:$0x1] =	stream.indirect_vreg.gather [hbm4b:s3+s2], $0x80, v4, vm0, $0xb8;
	[tilespmem:$0x4080] =	vst v63  }
0xca: {  	v3 =	vperm.xlane v3, v2  }
0xcb: {  	[tilespmem:s24], [sflag:$0x1] =	stream.indirect_vreg.gather [hbm4b:s4+s2], $0x80, v4, vm0, $0xb8;
	[tilespmem:$0x4080] =	vst v63  }
0xcc: {  	v3 =	vadd.s32 v1, v3  }
0xcd: {  	[tilespmem:s25], [sflag:$0x1] =	stream.indirect_vreg.gather [hbm4b:s5+s2], $0x80, v4, vm0, $0xb8;
	[tilespmem:$0x4080] =	vst v63  }
0xce: {  	_ = 	snop  }
0xcf: {  	[tilespmem:s26], [sflag:$0x1] =	stream.indirect_vreg.gather [hbm4b:s6+s2], $0x80, v4, vm0, $0xb8;
	[tilespmem:$0x4080] =	vst v63  }
0xd0: {  	_ = 	snop  }
0xd1: {  	[tilespmem:s28], [sflag:$0x1] =	stream.indirect_vreg.gather [hbm4b:s3+s2], $0x80, v3, vm0, $0xb8;
	[tilespmem:$0x4080] =	vst v63  }
0xd2: {  	_ = 	snop  }
0xd3: {  	[tilespmem:s29], [sflag:$0x1] =	stream.indirect_vreg.gather [hbm4b:s4+s2], $0x80, v3, vm0, $0xb8;
	[tilespmem:$0x4080] =	vst v63  }
0xd4: {  	_ = 	snop  }
0xd5: {  	[tilespmem:s30], [sflag:$0x1] =	stream.indirect_vreg.gather [hbm4b:s5+s2], $0x80, v3, vm0, $0xb8;
	[tilespmem:$0x4080] =	vst v63  }
0xd6: {  	_ = 	snop  }
0xd7: {  	[tilespmem:s31], [sflag:$0x1] =	stream.indirect_vreg.gather [hbm4b:s6+s2], $0x80, v3, vm0, $0xb8;
	[tilespmem:$0x4080] =	vst v63  }
0xd8: {  	_ =	swait.ge [sflag:s0], $0x4000  }
0xd9: {  	[sflag:s0] =	ssyncset.done $0x0  }
0xda: {  	[sflag:s0] =	ssyncadd.s32 $0xFFFFC000  }
0xdb: {  	[hbm4b:s12+s2] =	stream.linear.scatter [tilespmem:s23], [sflag:$0x2], $0x4000, $0x38;
	[tilespmem:$0x4080] =	vst v63  }
0xdc: {  	_ =	swait.ge [sflag:s22], $0x4000  }
0xdd: {  	[sflag:s22] =	ssyncset.done $0x0  }
0xde: {  	[sflag:s22] =	ssyncadd.s32 $0xFFFFC000  }
0xdf: {  	[tilespmem:s2], [sflag:$0x2] =	stream.linear.gather [hbm4b:s13+s2], $0x10, $0x38;
	[tilespmem:$0x4080] =	vst v63  }
0xe0: {  	_ =	swait.ge [sflag:s22], $0x10  }
0xe1: {  	[sflag:s22] =	ssyncset.done $0x0  }
0xe2: {  	[sflag:s22] =	ssyncadd.s32 $0xFFFFFFF0  }
0xe3: {  	v3 =	vld [tilespmem:$0x0];
	_ =	sdelay $0x4  }
0xe4: {  	v60 =	vshll.u32 v3, $0x3  }
0xe5: {  	v3 =	vand.u32 $0x7, v3;
	v4 =	vand.u32 $0xFFFFFFC0, v60  }
0xe6: {  	v3 =	vor.u32 v3, v4  }
0xe7: {  	v4 =	vperm.xlane v3, v0;
	_ =	sdelay $0x1  }
0xe8: {  	v4 =	vadd.s32 v1, v4;
	_ =	sdelay $0x4  }
0xe9: {  	[tilespmem:s23], [sflag:$0x1] =	stream.indirect_vreg.gather [hbm4b:s3+s2], $0x80, v4, vm0, $0xb8;
	[tilespmem:$0x4080] =	vst v63  }
0xea: {  	v3 =	vperm.xlane v3, v2  }
0xeb: {  	[tilespmem:s24], [sflag:$0x1] =	stream.indirect_vreg.gather [hbm4b:s4+s2], $0x80, v4, vm0, $0xb8;
	[tilespmem:$0x4080] =	vst v63  }
0xec: {  	v3 =	vadd.s32 v1, v3  }
0xed: {  	[tilespmem:s25], [sflag:$0x1] =	stream.indirect_vreg.gather [hbm4b:s5+s2], $0x80, v4, vm0, $0xb8;
	[tilespmem:$0x4080] =	vst v63  }
0xee: {  	_ = 	snop  }
0xef: {  	[tilespmem:s26], [sflag:$0x1] =	stream.indirect_vreg.gather [hbm4b:s6+s2], $0x80, v4, vm0, $0xb8;
	[tilespmem:$0x4080] =	vst v63  }
0xf0: {  	_ = 	snop  }
0xf1: {  	[tilespmem:s28], [sflag:$0x1] =	stream.indirect_vreg.gather [hbm4b:s3+s2], $0x80, v3, vm0, $0xb8;
	[tilespmem:$0x4080] =	vst v63  }
0xf2: {  	_ = 	snop  }
0xf3: {  	[tilespmem:s29], [sflag:$0x1] =	stream.indirect_vreg.gather [hbm4b:s4+s2], $0x80, v3, vm0, $0xb8;
	[tilespmem:$0x4080] =	vst v63  }
0xf4: {  	_ = 	snop  }
0xf5: {  	[tilespmem:s30], [sflag:$0x1] =	stream.indirect_vreg.gather [hbm4b:s5+s2], $0x80, v3, vm0, $0xb8;
	[tilespmem:$0x4080] =	vst v63  }
0xf6: {  	_ = 	snop  }
0xf7: {  	[tilespmem:s31], [sflag:$0x1] =	stream.indirect_vreg.gather [hbm4b:s6+s2], $0x80, v3, vm0, $0xb8;
	[tilespmem:$0x4080] =	vst v63  }
0xf8: {  	_ =	swait.ge [sflag:s0], $0x4000  }
0xf9: {  	[sflag:s0] =	ssyncset.done $0x0  }
0xfa: {  	[sflag:s0] =	ssyncadd.s32 $0xFFFFC000  }
0xfb: {  	[hbm4b:s14+s2] =	stream.linear.scatter [tilespmem:s23], [sflag:$0x2], $0x4000, $0x38;
	[tilespmem:$0x4080] =	vst v63  }
0xfc: {  	_ =	swait.ge [sflag:s22], $0x4000  }
0xfd: {  	[sflag:s22] =	ssyncset.done $0x0  }
0xfe: {  	[sflag:s22] =	ssyncadd.s32 $0xFFFFC000  }
0xff: {  	[tilespmem:s2], [sflag:$0x2] =	stream.linear.gather [hbm4b:s15+s2], $0x10, $0x38;
	[tilespmem:$0x4080] =	vst v63  }
0x100: {  	_ =	swait.ge [sflag:s22], $0x10  }
0x101: {  	[sflag:s22] =	ssyncset.done $0x0  }
0x102: {  	[sflag:s22] =	ssyncadd.s32 $0xFFFFFFF0  }
0x103: {  	v3 =	vld [tilespmem:$0x0];
	_ =	sdelay $0x4  }
0x104: {  	v61 =	vshll.u32 v3, $0x3  }
0x105: {  	v3 =	vand.u32 $0x7, v3;
	v4 =	vand.u32 $0xFFFFFFC0, v61  }
0x106: {  	v3 =	vor.u32 v3, v4  }
0x107: {  	v4 =	vperm.xlane v3, v0;
	_ =	sdelay $0x1  }
0x108: {  	v4 =	vadd.s32 v1, v4;
	_ =	sdelay $0x4  }
0x109: {  	[tilespmem:s23], [sflag:$0x1] =	stream.indirect_vreg.gather [hbm4b:s3+s2], $0x80, v4, vm0, $0xb8;
	[tilespmem:$0x4080] =	vst v63  }
0x10a: {  	v3 =	vperm.xlane v3, v2  }
0x10b: {  	[tilespmem:s24], [sflag:$0x1] =	stream.indirect_vreg.gather [hbm4b:s4+s2], $0x80, v4, vm0, $0xb8;
	[tilespmem:$0x4080] =	vst v63  }
0x10c: {  	v3 =	vadd.s32 v1, v3  }
0x10d: {  	[tilespmem:s25], [sflag:$0x1] =	stream.indirect_vreg.gather [hbm4b:s5+s2], $0x80, v4, vm0, $0xb8;
	[tilespmem:$0x4080] =	vst v63  }
0x10e: {  	_ = 	snop  }
0x10f: {  	[tilespmem:s26], [sflag:$0x1] =	stream.indirect_vreg.gather [hbm4b:s6+s2], $0x80, v4, vm0, $0xb8;
	[tilespmem:$0x4080] =	vst v63  }
0x110: {  	_ = 	snop  }
0x111: {  	[tilespmem:s28], [sflag:$0x1] =	stream.indirect_vreg.gather [hbm4b:s3+s2], $0x80, v3, vm0, $0xb8;
	[tilespmem:$0x4080] =	vst v63  }
0x112: {  	_ = 	snop  }
0x113: {  	[tilespmem:s29], [sflag:$0x1] =	stream.indirect_vreg.gather [hbm4b:s4+s2], $0x80, v3, vm0, $0xb8;
	[tilespmem:$0x4080] =	vst v63  }
0x114: {  	_ = 	snop  }
0x115: {  	[tilespmem:s30], [sflag:$0x1] =	stream.indirect_vreg.gather [hbm4b:s5+s2], $0x80, v3, vm0, $0xb8;
	[tilespmem:$0x4080] =	vst v63  }
0x116: {  	_ = 	snop  }
0x117: {  	[tilespmem:s31], [sflag:$0x1] =	stream.indirect_vreg.gather [hbm4b:s6+s2], $0x80, v3, vm0, $0xb8;
	[tilespmem:$0x4080] =	vst v63  }
0x118: {  	_ =	swait.ge [sflag:s0], $0x4000  }
0x119: {  	[sflag:s0] =	ssyncset.done $0x0  }
0x11a: {  	[sflag:s0] =	ssyncadd.s32 $0xFFFFC000  }
0x11b: {  	[hbm4b:s16+s2] =	stream.linear.scatter [tilespmem:s23], [sflag:$0x2], $0x4000, $0x38;
	[tilespmem:$0x4080] =	vst v63  }
0x11c: {  	_ =	swait.ge [sflag:s22], $0x4000  }
0x11d: {  	[sflag:s22] =	ssyncset.done $0x0  }
0x11e: {  	[sflag:s22] =	ssyncadd.s32 $0xFFFFC000  }
0x11f: {  	[tilespmem:s2], [sflag:$0x2] =	stream.linear.gather [hbm4b:s17+s2], $0x10, $0x38;
	[tilespmem:$0x4080] =	vst v63  }
0x120: {  	_ =	swait.ge [sflag:s22], $0x10  }
0x121: {  	[sflag:s22] =	ssyncset.done $0x0  }
0x122: {  	[sflag:s22] =	ssyncadd.s32 $0xFFFFFFF0  }
0x123: {  	v3 =	vld [tilespmem:$0x0];
	_ =	sdelay $0x4  }
0x124: {  	v62 =	vshll.u32 v3, $0x3  }
0x125: {  	v3 =	vand.u32 $0x7, v3;
	v4 =	vand.u32 $0xFFFFFFC0, v62  }
0x126: {  	v3 =	vor.u32 v3, v4  }
0x127: {  	v4 =	vperm.xlane v3, v0;
	_ =	sdelay $0x1  }
0x128: {  	v4 =	vadd.s32 v1, v4;
	_ =	sdelay $0x4  }
0x129: {  	[tilespmem:s23], [sflag:$0x1] =	stream.indirect_vreg.gather [hbm4b:s3+s2], $0x80, v4, vm0, $0xb8;
	[tilespmem:$0x4080] =	vst v63  }
0x12a: {  	v3 =	vperm.xlane v3, v2  }
0x12b: {  	[tilespmem:s24], [sflag:$0x1] =	stream.indirect_vreg.gather [hbm4b:s4+s2], $0x80, v4, vm0, $0xb8;
	[tilespmem:$0x4080] =	vst v63  }
0x12c: {  	v3 =	vadd.s32 v1, v3  }
0x12d: {  	[tilespmem:s25], [sflag:$0x1] =	stream.indirect_vreg.gather [hbm4b:s5+s2], $0x80, v4, vm0, $0xb8;
	[tilespmem:$0x4080] =	vst v63  }
0x12e: {  	_ = 	snop  }
0x12f: {  	[tilespmem:s26], [sflag:$0x1] =	stream.indirect_vreg.gather [hbm4b:s6+s2], $0x80, v4, vm0, $0xb8;
	[tilespmem:$0x4080] =	vst v63  }
0x130: {  	_ = 	snop  }
0x131: {  	[tilespmem:s28], [sflag:$0x1] =	stream.indirect_vreg.gather [hbm4b:s3+s2], $0x80, v3, vm0, $0xb8;
	[tilespmem:$0x4080] =	vst v63  }
0x132: {  	_ = 	snop  }
0x133: {  	[tilespmem:s29], [sflag:$0x1] =	stream.indirect_vreg.gather [hbm4b:s4+s2], $0x80, v3, vm0, $0xb8;
	[tilespmem:$0x4080] =	vst v63  }
0x134: {  	_ = 	snop  }
0x135: {  	[tilespmem:s30], [sflag:$0x1] =	stream.indirect_vreg.gather [hbm4b:s5+s2], $0x80, v3, vm0, $0xb8;
	[tilespmem:$0x4080] =	vst v63  }
0x136: {  	_ = 	snop  }
0x137: {  	[tilespmem:s31], [sflag:$0x1] =	stream.indirect_vreg.gather [hbm4b:s6+s2], $0x80, v3, vm0, $0xb8;
	[tilespmem:$0x4080] =	vst v63  }
0x138: {  	_ =	swait.ge [sflag:s0], $0x4000  }
0x139: {  	[sflag:s0] =	ssyncset.done $0x0  }
0x13a: {  	[sflag:s0] =	ssyncadd.s32 $0xFFFFC000  }
0x13b: {  	[hbm4b:s18+s2] =	stream.linear.scatter [tilespmem:s23], [sflag:$0x2], $0x4000, $0x38;
	[tilespmem:$0x4080] =	vst v63  }
0x13c: {  	_ =	swait.ge [sflag:s22], $0x4000  }
0x13d: {  	[sflag:s22] =	ssyncset.done $0x0  }
0x13e: {  	[sflag:s22] =	ssyncadd.s32 $0xFFFFC000  }
0x13f: {  	[tilespmem:s2], [sflag:$0x2] =	stream.linear.gather [hbm4b:s19+s2], $0x10, $0x38;
	[tilespmem:$0x4080] =	vst v63  }
0x140: {  	_ =	swait.ge [sflag:s22], $0x10  }
0x141: {  	[sflag:s22] =	ssyncset.done $0x0  }
0x142: {  	[sflag:s22] =	ssyncadd.s32 $0xFFFFFFF0  }
0x143: {  	v3 =	vld [tilespmem:$0x0];
	_ =	sdelay $0x4  }
0x144: {  	v63 =	vshll.u32 v3, $0x3  }
0x145: {  	v3 =	vand.u32 $0x7, v3;
	v4 =	vand.u32 $0xFFFFFFC0, v63  }
0x146: {  	v3 =	vor.u32 v3, v4  }
0x147: {  	v4 =	vperm.xlane v3, v0;
	_ =	sdelay $0x1  }
0x148: {  	v4 =	vadd.s32 v1, v4;
	_ =	sdelay $0x4  }
0x149: {  	[tilespmem:s23], [sflag:$0x1] =	stream.indirect_vreg.gather [hbm4b:s3+s2], $0x80, v4, vm0, $0xb8;
	[tilespmem:$0x4080] =	vst v63  }
0x14a: {  	v3 =	vperm.xlane v3, v2  }
0x14b: {  	[tilespmem:s24], [sflag:$0x1] =	stream.indirect_vreg.gather [hbm4b:s4+s2], $0x80, v4, vm0, $0xb8;
	[tilespmem:$0x4080] =	vst v63  }
0x14c: {  	v3 =	vadd.s32 v1, v3  }
0x14d: {  	[tilespmem:s25], [sflag:$0x1] =	stream.indirect_vreg.gather [hbm4b:s5+s2], $0x80, v4, vm0, $0xb8;
	[tilespmem:$0x4080] =	vst v63  }
0x14e: {  	_ = 	snop  }
0x14f: {  	[tilespmem:s26], [sflag:$0x1] =	stream.indirect_vreg.gather [hbm4b:s6+s2], $0x80, v4, vm0, $0xb8;
	[tilespmem:$0x4080] =	vst v63  }
0x150: {  	_ = 	snop  }
0x151: {  	[tilespmem:s28], [sflag:$0x1] =	stream.indirect_vreg.gather [hbm4b:s3+s2], $0x80, v3, vm0, $0xb8;
	[tilespmem:$0x4080] =	vst v63  }
0x152: {  	_ = 	snop  }
0x153: {  	[tilespmem:s29], [sflag:$0x1] =	stream.indirect_vreg.gather [hbm4b:s4+s2], $0x80, v3, vm0, $0xb8;
	[tilespmem:$0x4080] =	vst v63  }
0x154: {  	_ = 	snop  }
0x155: {  	[tilespmem:s30], [sflag:$0x1] =	stream.indirect_vreg.gather [hbm4b:s5+s2], $0x80, v3, vm0, $0xb8;
	[tilespmem:$0x4080] =	vst v63  }
0x156: {  	_ = 	snop  }
0x157: {  	[tilespmem:s31], [sflag:$0x1] =	stream.indirect_vreg.gather [hbm4b:s6+s2], $0x80, v3, vm0, $0xb8;
	[tilespmem:$0x4080] =	vst v63  }
0x158: {  	_ =	swait.ge [sflag:s0], $0x4000  }
0x159: {  	p0 =	sne.s32 s21, $0x1;
	[sflag:s0] =	ssyncset.done $0x0  }
.Ltmp0:
0x15a: {  	[sflag:s0] =	ssyncadd.s32 $0xFFFFC000;
	(pc) =	sbr.rel @p0 .LBB2_1-.Ltmp0, $4  }
0x15b: {  	[hbm4b:s20+s2] =	stream.linear.scatter [tilespmem:s23], [sflag:$0x2], $0x4000, $0x38;
	[tilespmem:$0x4080] =	vst v63  }
0x15c: {  	_ =	swait.ge [sflag:s22], $0x4000  }
0x15d: {  	[sflag:s22] =	ssyncset.done $0x0  }
0x15e: {  	s21 =	sadd.s32 $0xFFFFFFFF, s21;
	[sflag:s22] =	ssyncadd.s32 $0xFFFFC000  }
0x15f: {  	_ =	sfence.sel $0x180000  }
0x160: {  	[bflag:$0x0] =	sbarrier.arrive $0xFFFF  }
0x161: {  	_ =	strace $0x90000047  }
0x162: {  	s0 =	stileid.u32;
	[bflag:$0x2] =	sbarrier.arrive $0xFFFF  }
0x163: {  	p0 =	sne.s32 s0, $0x0;
	s0 =	rddreg [dreg:$0x1]  }
0x164: {  	s0 =	sadd.s32 @!p0 $0x100000, s0  }
0x165: {  	[sflag:s0] =	ssyncadd.tile.s32 @!p0 $0x1;
	_ =	shalt  }
.Lfunc_end2:
_tile_overlayer_lowered:
.L_overlay_start_2:
0x166: {  	(tag) =	ssettag $0x2  }
0x167: {  	s0 =	rddreg [dreg:$0x0];
	s2 =	stileid.u32  }
0x168: {  	s1 =	rddreg [dreg:$0x1];
	p0 =	sne.s32 s2, $0x0  }
0x169: {  	s3 =	rddreg [dreg:$0x2];
	[bflag:$0x3] =	sbarrier.arrive $0xFFFF;
	s2 =	simm.s32 @!p0 $0x1C02  }
0x16a: {  	[timem:s3], [sflag:s2] =	dma.local @!p0 [hbm:s0], s1  }
0x16b: {  	s0 =	simm.s32 @!p0 $0x2  }
0x16c: {  	_ =	swait.ge @!p0 [sflag:s0], s1  }
0x16d: {  	s1 =	ssub.s32 @!p0 $0x0, s1;
	[sflag:s0] =	ssyncset.done @!p0 $0x0  }
0x16e: {  	[sflag:s0] =	ssyncadd.s32 @!p0 s1  }
0x16f: {  	[bflag:$0x3] =	sbarrier.arrive $0xFFFF  }
0x170: {  	_ =	shalt  }

// kernel: kernel.13.cloned.1.call-start
scs
__scs_entry_jumppad:
0x0: {  	(pc) =	sbr.rel $0x88, $3  }
0x1: {  	(tag) =	ssettag $0x0;
	lr =	simm.s32 $0x1  }
0x2: {  	[smem:$0x3F99] =	sst lr;
	_ =	strace $0xD0000000  }
0x3: {  	_ = 	snop  }
0x4: {  	_ = 	snop  }
0x5: {  	_ = 	snop  }
0x6: {  	_ = 	snop  }
0x7: {  	_ = 	snop  }
__scs_overlays_trampoline_lowered:
0x8: {  	[smem:$0x3FA8] =	sst s0  }
0x9: {  	[smem:$0x3FA9] =	sst s1  }
0xa: {  	[smem:$0x3FAA] =	sst s2  }
0xb: {  	[smem:$0x3FAB] =	sst s3  }
0xc: {  	[smem:$0x3FAC] =	sst s4  }
0xd: {  	[smem:$0x3FAD] =	sst s5  }
0xe: {  	[smem:$0x3FAE] =	sst s6  }
0xf: {  	[smem:$0x3FAF] =	sst s7  }
0x10: {  	[smem:$0x3FB0] =	sst s8  }
0x11: {  	[smem:$0x3FB1] =	sst s9;
	s0 =	simm.s32 @!p0 $0x0  }
0x12: {  	s1 =	sld [smem:$0x3F97];
	s0 =	simm.s32 @p0 $0x1  }
0x13: {  	[smem:$0x3FB2] =	sst s0;
	s0 =	simm.s32 @!p1 $0x0  }
0x14: {  	s2 =	sld [smem:$0x3F96];
	s0 =	simm.s32 @p1 $0x1  }
0x15: {  	[smem:$0x3FB3] =	sst s0;
	s0 =	simm.s32 @!p2 $0x0  }
0x16: {  	s3 =	sld [smem:$0x3FDB];
	s0 =	simm.s32 @p2 $0x1  }
0x17: {  	s4 =	simm.s32 $0x1BF5;
	[smem:$0x3FB5] =	sst s0  }
0x18: {  	s0 =	sld [smem:$0x3F98];
	_ =	swait.ge [sflag:s4], $0x0  }
0x19: {  	s7 =	sld [smem:$0x3F99]  }
0x1a: {  	s8 =	sadd.s32 $0xFFFFE003, lr  }
0x1b: {  	s9 =	sadd.s32 $0xFFFFFEF7, lr;
	s5 =	simm.s32 $0xFFFFFFFF;
	p2 =	slt.u32 s8, $0xFFFFF086  }
0x1c: {  	p1 =	slt.u32 s9, $0xF7A;
	s5 =	simm.s32 @!p2 $0x0  }
0x1d: {  	s5 =	simm.s32 @p1 $0x1;
	p0 =	seq.s32 s7, s2  }
0x1e: {  	s7 =	smul.u32 @!p0 $0xF7A, s2;
	p2 =	seq.s32 @!p0 s5, $0x0  }
0x1f: {  	s9 =	smul.u32 $0xF7A, s1;
	s8 =	simm.s32 @!p0 $0x1BF5;
	p2 =	por !p2, p0  }
0x20: {  	[sflag:s8] =	ssyncset.s32 @!p0 $0xFFFFF086;
	s6 =	sadd.s32 @!p0 s3, s7;
	s7 =	simm.s32 @!p0 $0x108  }
0x21: {  	s3 =	sadd.s32 s3, s9;
	s6 =	sadd.s32 @!p0 $0x88, s6;
	s7 =	simm.s32 @p2 $0x1082  }
0x22: {  	[simem:s7], [sflag:s8] =	dma.local @!p0 [hbm:s6], $0xF7A  }
0x23: {  	s9 =	sor.u32 $0xD0000000, s2;
	s6 =	simm.s32 $0x108;
	_ =	swait.ge @!p0 [sflag:s8], $0x0  }
0x24: {  	s3 =	sadd.s32 $0x88, s3;
	s6 =	simm.s32 @!p1 $0x1082;
	[sflag:s4] =	ssyncset.s32 $0xFFFFF086  }
0x25: {  	[simem:s6], [sflag:s4] =	dma.local [hbm:s3], $0xF7A  }
0x26: {  	[smem:$0x3F99] =	sst s1;
	(tag) =	ssettag s2;
	_ =	strace s9  }
0x27: {  	s1 =	sld [smem:$0x3FA9]  }
0x28: {  	s2 =	sld [smem:$0x3FAA]  }
0x29: {  	s4 =	sld [smem:$0x3FAC]  }
0x2a: {  	p0 =	seq.s32 s5, $0x0;
	s5 =	sld [smem:$0x3FAD]  }
0x2b: {  	s6 =	sld [smem:$0x3FAE]  }
0x2c: {  	s7 =	sld [smem:$0x3FAF]  }
0x2d: {  	s3 =	simm.s32 $0x108;
	s8 =	sld [smem:$0x3FB0]  }
0x2e: {  	s3 =	simm.s32 @!p0 $0x1082;
	s9 =	sld [smem:$0x3FB1]  }
0x2f: {  	lr =	sadd.s32 s0, s3;
	s0 =	sld [smem:$0x3FA8]  }
0x30: {  	s3 =	sld [smem:$0x3FAB]  }
0x31: {  	[smem:$0x3FB4] =	sst s10  }
0x32: {  	s10 =	sld [smem:$0x3FB2];
	_ =	sdelay $0x3  }
0x33: {  	p0 =	seq.s32 s10, $0x1;
	s10 =	sld [smem:$0x3FB4];
	_ =	sdelay $0x3  }
0x34: {  	[smem:$0x3FB4] =	sst s10  }
0x35: {  	s10 =	sld [smem:$0x3FB3];
	_ =	sdelay $0x3  }
0x36: {  	p1 =	seq.s32 s10, $0x1;
	s10 =	sld [smem:$0x3FB4];
	_ =	sdelay $0x3  }
0x37: {  	[smem:$0x3FB4] =	sst s10  }
0x38: {  	s10 =	sld [smem:$0x3FB5]  }
0x39: {  	_ = 	snop;
	(pc) =	sbr.ind lr, $3  }
0x3a: {  	_ = 	snop  }
0x3b: {  	_ = 	snop  }
0x3c: {  	p2 =	seq.s32 s10, $0x1;
	s10 =	sld [smem:$0x3FB4]  }
0x3d: {  	_ =	shalt  }
0x3e: {  	_ =	shalt  }
0x3f: {  	_ =	shalt  }
0x40: {  	_ =	shalt  }
0x41: {  	_ =	shalt  }
0x42: {  	_ =	shalt  }
0x43: {  	_ =	shalt  }
0x44: {  	_ =	shalt  }
0x45: {  	_ =	shalt  }
0x46: {  	_ =	shalt  }
0x47: {  	_ =	shalt  }
0x48: {  	_ =	shalt  }
0x49: {  	_ =	shalt  }
0x4a: {  	_ =	shalt  }
0x4b: {  	_ =	shalt  }
0x4c: {  	_ =	shalt  }
0x4d: {  	_ =	shalt  }
0x4e: {  	_ =	shalt  }
0x4f: {  	_ =	shalt  }
0x50: {  	_ =	shalt  }
0x51: {  	_ =	shalt  }
0x52: {  	_ =	shalt  }
0x53: {  	_ =	shalt  }
0x54: {  	_ =	shalt  }
0x55: {  	_ =	shalt  }
0x56: {  	_ =	shalt  }
0x57: {  	_ =	shalt  }
0x58: {  	_ =	shalt  }
0x59: {  	_ =	shalt  }
0x5a: {  	_ =	shalt  }
0x5b: {  	_ =	shalt  }
0x5c: {  	_ =	shalt  }
0x5d: {  	_ =	shalt  }
0x5e: {  	_ =	shalt  }
0x5f: {  	_ =	shalt  }
0x60: {  	_ =	shalt  }
0x61: {  	_ =	shalt  }
0x62: {  	_ =	shalt  }
0x63: {  	_ =	shalt  }
0x64: {  	_ =	shalt  }
0x65: {  	_ =	shalt  }
0x66: {  	_ =	shalt  }
0x67: {  	_ =	shalt  }
0x68: {  	_ =	shalt  }
0x69: {  	_ =	shalt  }
0x6a: {  	_ =	shalt  }
0x6b: {  	_ =	shalt  }
0x6c: {  	_ =	shalt  }
0x6d: {  	_ =	shalt  }
0x6e: {  	_ =	shalt  }
0x6f: {  	_ =	shalt  }
0x70: {  	_ =	shalt  }
0x71: {  	_ =	shalt  }
0x72: {  	_ =	shalt  }
0x73: {  	_ =	shalt  }
0x74: {  	_ =	shalt  }
0x75: {  	_ =	shalt  }
0x76: {  	_ =	shalt  }
0x77: {  	_ =	shalt  }
0x78: {  	_ =	shalt  }
0x79: {  	_ =	shalt  }
0x7a: {  	_ =	shalt  }
0x7b: {  	_ =	shalt  }
0x7c: {  	_ =	shalt  }
0x7d: {  	_ =	shalt  }
0x7e: {  	_ =	shalt  }
0x7f: {  	_ =	shalt  }
0x80: {  	_ =	shalt  }
0x81: {  	_ =	shalt  }
0x82: {  	_ =	shalt  }
0x83: {  	_ =	shalt  }
0x84: {  	_ =	shalt  }
0x85: {  	_ =	shalt  }
0x86: {  	_ =	shalt  }
0x87: {  	_ =	shalt  }
.Lfunc_end0:
.L_simem_size_0:
called_computation.1_lowered:
.L_overlay_start_0:
0x88: {  	s2 =	sld [smem:$0x3FD9]  }
0x89: {  	s3 =	sld [smem:$0x3FFE];
	_ =	sdelay $0x1  }
0x8a: {  	s1 =	srdreg.scid  }
0x8b: {  	s0 =	sand.u32 $0x1, s1  }
0x8c: {  	s16 =	sshll.u32 s0, $0xA;
	s2 =	sadd.s32 s3, s2  }
0x8d: {  	s2 =	sadd.s32 s2, s16  }
0x8e: {  	[smem:$0x3FC0] =	sst s2  }
0x8f: {  	_ = 	snop  }
0x90: {  	(tm) =	ssettm $0x1  }
0x91: {  	s17 =	sld [smem:$0x3FFB];
	_ =	sdelay $0x3  }
0x92: {  	_ =	strace s17  }
0x93: {  	s2 =	sld [smem:$0x3FFC];
	_ =	sdelay $0x3  }
0x94: {  	_ =	strace s2  }
0x95: {  	s2 =	sld [smem:$0x3FFD];
	_ =	sdelay $0x3  }
0x96: {  	_ =	strace s2  }
0x97: {  	_ =	strace $0x8FFFFFFF  }
0x98: {  	s18 =	sld [smem:$0x3FDB];
	_ =	sdelay $0x1  }
0x99: {  	s19 =	simm.s32 $_scs_section_size  }
0x9a: {  	s4 =	simm.s32 $_size__tile_overlayer_lowered;
	s5 =	simm.s32 $_tile_overlayer_lowered  }
0x9b: {  	s22 =	simm.s32 $0x1BFF;
	s21 =	sshll.u32 s5, $0x1;
	s2 =	sadd.s32 s19, s18  }
0x9c: {  	s6 =	simm.s32 $0x0;
	s20 =	sshll.u32 s4, $0x1;
	s4 =	sadd.s32 s21, s2  }
0x9d: {  	[timem:s6], [sflag:s22] =	dma.local [hbm:s4], s20  }
0x9e: {  	_ =	swait.ge [sflag:s22], s20  }
0x9f: {  	s3 =	ssub.s32 $0x0, s20;
	[sflag:s22] =	ssyncset.done $0x0  }
0xa0: {  	[sflag:s22] =	ssyncadd.s32 s3;
	_ =	sdelay $0x1  }
0xa1: {  	s23 =	simm.s32 $0x1B8B  }
0xa2: {  	_ =	swait.ge [sflag:s23], $0x1  }
0xa3: {  	[sflag:s23] =	ssyncset.done $0x0  }
0xa4: {  	s25 =	simm.s32 $0x1B8E;
	s24 =	sld [smem:$0x3FFE];
	[sflag:s23] =	ssyncadd.s32 $0xFFFFFFFF  }
0xa5: {  	s26 =	simm.s32 $execute0_lowered;
	[smem:$0x3FD2] =	sst s25  }
0xa6: {  	s4 =	sshll.u32 s26, $0x1;
	_ =	strace $0x80000049;
	[dreg:$0x1] =	wrdreg $0xFFFFFFFF  }
0xa7: {  	s28 =	simm.s32 $_size_execute0_lowered;
	s2 =	sadd.s32 s2, s4;
	[dreg:$0x0] =	wrdreg $0x0  }
0xa8: {  	s4 =	sshll.u32 s28, $0x1;
	[dreg:$0x2] =	wrdreg s2  }
0xa9: {  	[dreg:$0x3] =	wrdreg s4  }
0xaa: {  	[dreg:$0x4] =	wrdreg $0xC0  }
0xab: {  	_ =	task [dreg:s6], $0x5FFFF  }
0xac: {  	[dreg:$0x1] =	wrdreg $0xFFFFFFFF  }
0xad: {  	[dreg:$0x0] =	wrdreg $0x60  }
0xae: {  	[dreg:$0x2] =	wrdreg s24  }
0xaf: {  	[dreg:$0x3] =	wrdreg $0x9  }
0xb0: {  	_ =	task.clear_ibuf [dreg:s6], $0x4FFFF;
	_ =	strace $0x90000049  }
0xb1: {  	s29 =	simm.s32 $0x9;
	_ =	strace $0x8000004B  }
0xb2: {  	_ =	swait.ge [sflag:s29], $0x1  }
0xb3: {  	[sflag:s29] =	ssyncadd.s32 $0xFFFFFFFF  }
0xb4: {  	_ =	strace $0x9000004B  }
0xb5: {  	_ =	sfence  }
0xb6: {  	s30 =	sld [smem:$0x0];
	_ =	sdelay $0x2  }
0xb7: {  	s31 =	sshll.u32 s1, $0xD;
	s1 =	sshrl.u32 s1, $0x2  }
0xb8: {  	s3 =	sand.u32 $0x4000, s31;
	s1 =	sadd.s32 s1, s30  }
0xb9: {  	s0 =	sor.u32 s3, s0;
	s1 =	sshll.u32 s1, $0x11  }
0xba: {  	s0 =	sor.u32 s1, s0  }
0xbb: {  	s0 =	sadd.s32 $0x8F2B, s0  }
0xbc: {  	[sflag:s0] =	ssyncadd.remote.s32 $0x1  }
0xbd: {  	_ =	sfence.sel $0xFFFF  }
0xbe: {  	[dreg:$0x0] =	wrdreg $0xFFFFFFFF;
	(pc) =	sbr.abs _section_cstart, $3  }
0xbf: {  	[dreg:$0x1] =	wrdreg $0xFFFFFFFF  }
0xc0: {  	_ =	task.clear_ibuf [dreg:s6], $0x2FFFF;
	_ =	strace $0x9FFFFFFF  }
0xc1: {  	(tm) =	ssettm $0x7FFFFFFF  }
tec
execute0_lowered:
.L_overlay_start_1:
0x0: {  	(tag) =	ssettag $0x1  }
0x1: {  	s0 =	rddreg [dreg:$0x0];
	s3 =	srdreg.scid  }
0x2: {  	s2 =	simm.s32 $0x0;
	s1 =	stileid.u32;
	s28 =	simm.s32 $0x2080  }
0x3: {  	s29 =	simm.s32 $0x2880;
	s30 =	simm.s32 $0x3080;
	s31 =	simm.s32 $0x3880  }
0x4: {  	s4 =	sand.u32 $0x1, s3;
	[smem:$0x7FF] =	sst s2;
	s5 =	sshll.u32 s1, $0x8  }
0x5: {  	s3 =	sadd.s32 $0x4A000, s0;
	s19 =	sadd.s32 $0xEA400, s0;
	s20 =	sadd.s32 $0xEA600, s0  }
0x6: {  	s6 =	sshll.u32 s4, $0x7;
	_ =	strace $0x8000004A;
	s4 =	ssub.s32 $0x2, s4  }
0x7: {  	s17 =	sor.u32 s6, s5;
	s10 =	sshrl.u32 s4, $0x1;
	s6 =	sadd.s32 $0x4A300, s0  }
0x8: {  	s5 =	sshrl.u32 s17, $0x3;
	s21 =	ssub.s32 s4, s10;
	s11 =	sshll.u32 s17, $0x7  }
0x9: {  	s4 =	sadd.s32 $0x4A100, s0;
	s12 =	sor.u32 $0x10, s17;
	s10 =	sor.u32 $0x20, s17  }
0xa: {  	s18 =	sor.u32 $0x40, s17;
	s5 =	sadd.s32 s19, s5;
	s7 =	sadd.s32 s20, s11  }
0xb: {  	s13 =	sshrl.u32 s12, $0x3;
	s14 =	sshrl.u32 s10, $0x3;
	s15 =	sshll.u32 s10, $0x7  }
0xc: {  	s11 =	sor.u32 $0x30, s17;
	s21 =	smax.u32 s21, $0x1;
	[dreg:$0x2] =	wrdreg s5  }
0xd: {  	s5 =	sadd.s32 $0x4A200, s0;
	[dreg:$0x3] =	wrdreg s7;
	s0 =	sshll.u32 s12, $0x7  }
0xe: {  	s7 =	sadd.s32 s19, s13;
	s9 =	sadd.s32 s19, s14;
	s10 =	sadd.s32 s20, s15  }
0xf: {  	s16 =	sshrl.u32 s11, $0x3;
	s12 =	sshll.u32 s11, $0x7;
	s13 =	sshrl.u32 s18, $0x3  }
0x10: {  	s8 =	sadd.s32 s20, s0;
	s11 =	sadd.s32 s19, s16;
	s12 =	sadd.s32 s20, s12  }
0x11: {  	s0 =	sshll.u32 s18, $0x7;
	s16 =	sor.u32 $0x50, s17;
	s13 =	sadd.s32 s19, s13  }
0x12: {  	s18 =	sor.u32 $0x60, s17;
	s14 =	sadd.s32 s20, s0;
	s22 =	sshrl.u32 s16, $0x3  }
0x13: {  	s23 =	sshll.u32 s16, $0x7;
	s24 =	sshrl.u32 s18, $0x3;
	s25 =	sshll.u32 s18, $0x7  }
0x14: {  	s0 =	simm.s32 $0x1;
	s15 =	sadd.s32 s19, s22;
	s16 =	sadd.s32 s20, s23  }
0x15: {  	s22 =	sor.u32 $0x70, s17;
	s17 =	sadd.s32 s19, s24;
	s18 =	sadd.s32 s20, s25  }
0x16: {  	v2 =	vlaneseq.u32;
	s24 =	simm.s32 $0x880;
	s25 =	simm.s32 $0x1080;
	s23 =	sshrl.u32 s22, $0x3  }
0x17: {  	vm0 =	vmmov $0xffff;
	v1 =	vshrl.u32 v2, $0x3;
	s26 =	sshll.u32 s22, $0x7;
	s22 =	simm.s32 $0x2;
	s19 =	sadd.s32 s19, s23  }
0x18: {  	v0 =	vand.u32 $0x7, v2;
	v2 =	vor.u32 $0x8, v2;
	v1 =	vmul.u32 $0x8, v1;
	s20 =	sadd.s32 s20, s26;
	s23 =	simm.s32 $0x80;
	s26 =	simm.s32 $0x1880  }
.LBB2_1:
0x19: {  	s1 =	rddreg [dreg:$0x2]  }
0x1a: {  	[tilespmem:s2], [sflag:$0x2] =	stream.linear.gather [hbm4b:s1+s2], $0x10, $0x38;
	[tilespmem:$0x4080] =	vst v63  }
0x1b: {  	_ =	swait.ge [sflag:s22], $0x10  }
0x1c: {  	[sflag:s22] =	ssyncset.done $0x0  }
0x1d: {  	[sflag:s22] =	ssyncadd.s32 $0xFFFFFFF0  }
0x1e: {  	v3 =	vld [tilespmem:$0x0];
	_ =	sdelay $0x4  }
0x1f: {  	v4 =	vshll.u32 v3, $0x3  }
0x20: {  	v3 =	vand.u32 $0x7, v3;
	v4 =	vand.u32 $0xFFFFFFC0, v4  }
0x21: {  	v3 =	vor.u32 v3, v4  }
0x22: {  	v4 =	vperm.xlane v3, v0;
	_ =	sdelay $0x1  }
0x23: {  	v4 =	vadd.s32 v1, v4;
	_ =	sdelay $0x4  }
0x24: {  	[tilespmem:s23], [sflag:$0x1] =	stream.indirect_vreg.gather [hbm4b:s3+s2], $0x80, v4, vm0, $0xb8;
	[tilespmem:$0x4080] =	vst v63  }
0x25: {  	v3 =	vperm.xlane v3, v2  }
0x26: {  	[tilespmem:s24], [sflag:$0x1] =	stream.indirect_vreg.gather [hbm4b:s4+s2], $0x80, v4, vm0, $0xb8;
	[tilespmem:$0x4080] =	vst v63  }
0x27: {  	v3 =	vadd.s32 v1, v3  }
0x28: {  	[tilespmem:s25], [sflag:$0x1] =	stream.indirect_vreg.gather [hbm4b:s5+s2], $0x80, v4, vm0, $0xb8;
	[tilespmem:$0x4080] =	vst v63  }
0x29: {  	_ = 	snop  }
0x2a: {  	[tilespmem:s26], [sflag:$0x1] =	stream.indirect_vreg.gather [hbm4b:s6+s2], $0x80, v4, vm0, $0xb8;
	[tilespmem:$0x4080] =	vst v63  }
0x2b: {  	_ = 	snop  }
0x2c: {  	[tilespmem:s28], [sflag:$0x1] =	stream.indirect_vreg.gather [hbm4b:s3+s2], $0x80, v3, vm0, $0xb8;
	[tilespmem:$0x4080] =	vst v63  }
0x2d: {  	_ = 	snop  }
0x2e: {  	[tilespmem:s29], [sflag:$0x1] =	stream.indirect_vreg.gather [hbm4b:s4+s2], $0x80, v3, vm0, $0xb8;
	[tilespmem:$0x4080] =	vst v63  }
0x2f: {  	_ = 	snop  }
0x30: {  	[tilespmem:s30], [sflag:$0x1] =	stream.indirect_vreg.gather [hbm4b:s5+s2], $0x80, v3, vm0, $0xb8;
	[tilespmem:$0x4080] =	vst v63  }
0x31: {  	_ = 	snop  }
0x32: {  	[tilespmem:s31], [sflag:$0x1] =	stream.indirect_vreg.gather [hbm4b:s6+s2], $0x80, v3, vm0, $0xb8;
	[tilespmem:$0x4080] =	vst v63  }
0x33: {  	_ =	swait.ge [sflag:s0], $0x4000  }
0x34: {  	[sflag:s0] =	ssyncset.done $0x0  }
0x35: {  	s1 =	rddreg [dreg:$0x3];
	[sflag:s0] =	ssyncadd.s32 $0xFFFFC000  }
0x36: {  	[hbm4b:s1+s2] =	stream.linear.scatter [tilespmem:s23], [sflag:$0x2], $0x4000, $0x38;
	[tilespmem:$0x4080] =	vst v63  }
0x37: {  	_ =	swait.ge [sflag:s22], $0x4000  }
0x38: {  	[sflag:s22] =	ssyncset.done $0x0  }
0x39: {  	[sflag:s22] =	ssyncadd.s32 $0xFFFFC000  }
0x3a: {  	[tilespmem:s2], [sflag:$0x2] =	stream.linear.gather [hbm4b:s7+s2], $0x10, $0x38;
	[tilespmem:$0x4080] =	vst v63  }
0x3b: {  	_ =	swait.ge [sflag:s22], $0x10  }
0x3c: {  	[sflag:s22] =	ssyncset.done $0x0  }
0x3d: {  	[sflag:s22] =	ssyncadd.s32 $0xFFFFFFF0  }
0x3e: {  	v3 =	vld [tilespmem:$0x0];
	_ =	sdelay $0x4  }
0x3f: {  	v57 =	vshll.u32 v3, $0x3  }
0x40: {  	v3 =	vand.u32 $0x7, v3;
	v4 =	vand.u32 $0xFFFFFFC0, v57  }
0x41: {  	v3 =	vor.u32 v3, v4  }
0x42: {  	v4 =	vperm.xlane v3, v0;
	_ =	sdelay $0x1  }
0x43: {  	v4 =	vadd.s32 v1, v4;
	_ =	sdelay $0x4  }
0x44: {  	[tilespmem:s23], [sflag:$0x1] =	stream.indirect_vreg.gather [hbm4b:s3+s2], $0x80, v4, vm0, $0xb8;
	[tilespmem:$0x4080] =	vst v63  }
0x45: {  	v3 =	vperm.xlane v3, v2  }
0x46: {  	[tilespmem:s24], [sflag:$0x1] =	stream.indirect_vreg.gather [hbm4b:s4+s2], $0x80, v4, vm0, $0xb8;
	[tilespmem:$0x4080] =	vst v63  }
0x47: {  	v3 =	vadd.s32 v1, v3  }
0x48: {  	[tilespmem:s25], [sflag:$0x1] =	stream.indirect_vreg.gather [hbm4b:s5+s2], $0x80, v4, vm0, $0xb8;
	[tilespmem:$0x4080] =	vst v63  }
0x49: {  	_ = 	snop  }
0x4a: {  	[tilespmem:s26], [sflag:$0x1] =	stream.indirect_vreg.gather [hbm4b:s6+s2], $0x80, v4, vm0, $0xb8;
	[tilespmem:$0x4080] =	vst v63  }
0x4b: {  	_ = 	snop  }
0x4c: {  	[tilespmem:s28], [sflag:$0x1] =	stream.indirect_vreg.gather [hbm4b:s3+s2], $0x80, v3, vm0, $0xb8;
	[tilespmem:$0x4080] =	vst v63  }
0x4d: {  	_ = 	snop  }
0x4e: {  	[tilespmem:s29], [sflag:$0x1] =	stream.indirect_vreg.gather [hbm4b:s4+s2], $0x80, v3, vm0, $0xb8;
	[tilespmem:$0x4080] =	vst v63  }
0x4f: {  	_ = 	snop  }
0x50: {  	[tilespmem:s30], [sflag:$0x1] =	stream.indirect_vreg.gather [hbm4b:s5+s2], $0x80, v3, vm0, $0xb8;
	[tilespmem:$0x4080] =	vst v63  }
0x51: {  	_ = 	snop  }
0x52: {  	[tilespmem:s31], [sflag:$0x1] =	stream.indirect_vreg.gather [hbm4b:s6+s2], $0x80, v3, vm0, $0xb8;
	[tilespmem:$0x4080] =	vst v63  }
0x53: {  	_ =	swait.ge [sflag:s0], $0x4000  }
0x54: {  	[sflag:s0] =	ssyncset.done $0x0  }
0x55: {  	[sflag:s0] =	ssyncadd.s32 $0xFFFFC000  }
0x56: {  	[hbm4b:s8+s2] =	stream.linear.scatter [tilespmem:s23], [sflag:$0x2], $0x4000, $0x38;
	[tilespmem:$0x4080] =	vst v63  }
0x57: {  	_ =	swait.ge [sflag:s22], $0x4000  }
0x58: {  	[sflag:s22] =	ssyncset.done $0x0  }
0x59: {  	[sflag:s22] =	ssyncadd.s32 $0xFFFFC000  }
0x5a: {  	[tilespmem:s2], [sflag:$0x2] =	stream.linear.gather [hbm4b:s9+s2], $0x10, $0x38;
	[tilespmem:$0x4080] =	vst v63  }
0x5b: {  	_ =	swait.ge [sflag:s22], $0x10  }
0x5c: {  	[sflag:s22] =	ssyncset.done $0x0  }
0x5d: {  	[sflag:s22] =	ssyncadd.s32 $0xFFFFFFF0  }
0x5e: {  	v3 =	vld [tilespmem:$0x0];
	_ =	sdelay $0x4  }
0x5f: {  	v58 =	vshll.u32 v3, $0x3  }
0x60: {  	v3 =	vand.u32 $0x7, v3;
	v4 =	vand.u32 $0xFFFFFFC0, v58  }
0x61: {  	v3 =	vor.u32 v3, v4  }
0x62: {  	v4 =	vperm.xlane v3, v0;
	_ =	sdelay $0x1  }
0x63: {  	v4 =	vadd.s32 v1, v4;
	_ =	sdelay $0x4  }
0x64: {  	[tilespmem:s23], [sflag:$0x1] =	stream.indirect_vreg.gather [hbm4b:s3+s2], $0x80, v4, vm0, $0xb8;
	[tilespmem:$0x4080] =	vst v63  }
0x65: {  	v3 =	vperm.xlane v3, v2  }
0x66: {  	[tilespmem:s24], [sflag:$0x1] =	stream.indirect_vreg.gather [hbm4b:s4+s2], $0x80, v4, vm0, $0xb8;
	[tilespmem:$0x4080] =	vst v63  }
0x67: {  	v3 =	vadd.s32 v1, v3  }
0x68: {  	[tilespmem:s25], [sflag:$0x1] =	stream.indirect_vreg.gather [hbm4b:s5+s2], $0x80, v4, vm0, $0xb8;
	[tilespmem:$0x4080] =	vst v63  }
0x69: {  	_ = 	snop  }
0x6a: {  	[tilespmem:s26], [sflag:$0x1] =	stream.indirect_vreg.gather [hbm4b:s6+s2], $0x80, v4, vm0, $0xb8;
	[tilespmem:$0x4080] =	vst v63  }
0x6b: {  	_ = 	snop  }
0x6c: {  	[tilespmem:s28], [sflag:$0x1] =	stream.indirect_vreg.gather [hbm4b:s3+s2], $0x80, v3, vm0, $0xb8;
	[tilespmem:$0x4080] =	vst v63  }
0x6d: {  	_ = 	snop  }
0x6e: {  	[tilespmem:s29], [sflag:$0x1] =	stream.indirect_vreg.gather [hbm4b:s4+s2], $0x80, v3, vm0, $0xb8;
	[tilespmem:$0x4080] =	vst v63  }
0x6f: {  	_ = 	snop  }
0x70: {  	[tilespmem:s30], [sflag:$0x1] =	stream.indirect_vreg.gather [hbm4b:s5+s2], $0x80, v3, vm0, $0xb8;
	[tilespmem:$0x4080] =	vst v63  }
0x71: {  	_ = 	snop  }
0x72: {  	[tilespmem:s31], [sflag:$0x1] =	stream.indirect_vreg.gather [hbm4b:s6+s2], $0x80, v3, vm0, $0xb8;
	[tilespmem:$0x4080] =	vst v63  }
0x73: {  	_ =	swait.ge [sflag:s0], $0x4000  }
0x74: {  	[sflag:s0] =	ssyncset.done $0x0  }
0x75: {  	[sflag:s0] =	ssyncadd.s32 $0xFFFFC000  }
0x76: {  	[hbm4b:s10+s2] =	stream.linear.scatter [tilespmem:s23], [sflag:$0x2], $0x4000, $0x38;
	[tilespmem:$0x4080] =	vst v63  }
0x77: {  	_ =	swait.ge [sflag:s22], $0x4000  }
0x78: {  	[sflag:s22] =	ssyncset.done $0x0  }
0x79: {  	[sflag:s22] =	ssyncadd.s32 $0xFFFFC000  }
0x7a: {  	[tilespmem:s2], [sflag:$0x2] =	stream.linear.gather [hbm4b:s11+s2], $0x10, $0x38;
	[tilespmem:$0x4080] =	vst v63  }
0x7b: {  	_ =	swait.ge [sflag:s22], $0x10  }
0x7c: {  	[sflag:s22] =	ssyncset.done $0x0  }
0x7d: {  	[sflag:s22] =	ssyncadd.s32 $0xFFFFFFF0  }
0x7e: {  	v3 =	vld [tilespmem:$0x0];
	_ =	sdelay $0x4  }
0x7f: {  	v59 =	vshll.u32 v3, $0x3  }
0x80: {  	v3 =	vand.u32 $0x7, v3;
	v4 =	vand.u32 $0xFFFFFFC0, v59  }
0x81: {  	v3 =	vor.u32 v3, v4  }
0x82: {  	v4 =	vperm.xlane v3, v0;
	_ =	sdelay $0x1  }
0x83: {  	v4 =	vadd.s32 v1, v4;
	_ =	sdelay $0x4  }
0x84: {  	[tilespmem:s23], [sflag:$0x1] =	stream.indirect_vreg.gather [hbm4b:s3+s2], $0x80, v4, vm0, $0xb8;
	[tilespmem:$0x4080] =	vst v63  }
0x85: {  	v3 =	vperm.xlane v3, v2  }
0x86: {  	[tilespmem:s24], [sflag:$0x1] =	stream.indirect_vreg.gather [hbm4b:s4+s2], $0x80, v4, vm0, $0xb8;
	[tilespmem:$0x4080] =	vst v63  }
0x87: {  	v3 =	vadd.s32 v1, v3  }
0x88: {  	[tilespmem:s25], [sflag:$0x1] =	stream.indirect_vreg.gather [hbm4b:s5+s2], $0x80, v4, vm0, $0xb8;
	[tilespmem:$0x4080] =	vst v63  }
0x89: {  	_ = 	snop  }
0x8a: {  	[tilespmem:s26], [sflag:$0x1] =	stream.indirect_vreg.gather [hbm4b:s6+s2], $0x80, v4, vm0, $0xb8;
	[tilespmem:$0x4080] =	vst v63  }
0x8b: {  	_ = 	snop  }
0x8c: {  	[tilespmem:s28], [sflag:$0x1] =	stream.indirect_vreg.gather [hbm4b:s3+s2], $0x80, v3, vm0, $0xb8;
	[tilespmem:$0x4080] =	vst v63  }
0x8d: {  	_ = 	snop  }
0x8e: {  	[tilespmem:s29], [sflag:$0x1] =	stream.indirect_vreg.gather [hbm4b:s4+s2], $0x80, v3, vm0, $0xb8;
	[tilespmem:$0x4080] =	vst v63  }
0x8f: {  	_ = 	snop  }
0x90: {  	[tilespmem:s30], [sflag:$0x1] =	stream.indirect_vreg.gather [hbm4b:s5+s2], $0x80, v3, vm0, $0xb8;
	[tilespmem:$0x4080] =	vst v63  }
0x91: {  	_ = 	snop  }
0x92: {  	[tilespmem:s31], [sflag:$0x1] =	stream.indirect_vreg.gather [hbm4b:s6+s2], $0x80, v3, vm0, $0xb8;
	[tilespmem:$0x4080] =	vst v63  }
0x93: {  	_ =	swait.ge [sflag:s0], $0x4000  }
0x94: {  	[sflag:s0] =	ssyncset.done $0x0  }
0x95: {  	[sflag:s0] =	ssyncadd.s32 $0xFFFFC000  }
0x96: {  	[hbm4b:s12+s2] =	stream.linear.scatter [tilespmem:s23], [sflag:$0x2], $0x4000, $0x38;
	[tilespmem:$0x4080] =	vst v63  }
0x97: {  	_ =	swait.ge [sflag:s22], $0x4000  }
0x98: {  	[sflag:s22] =	ssyncset.done $0x0  }
0x99: {  	[sflag:s22] =	ssyncadd.s32 $0xFFFFC000  }
0x9a: {  	[tilespmem:s2], [sflag:$0x2] =	stream.linear.gather [hbm4b:s13+s2], $0x10, $0x38;
	[tilespmem:$0x4080] =	vst v63  }
0x9b: {  	_ =	swait.ge [sflag:s22], $0x10  }
0x9c: {  	[sflag:s22] =	ssyncset.done $0x0  }
0x9d: {  	[sflag:s22] =	ssyncadd.s32 $0xFFFFFFF0  }
0x9e: {  	v3 =	vld [tilespmem:$0x0];
	_ =	sdelay $0x4  }
0x9f: {  	v60 =	vshll.u32 v3, $0x3  }
0xa0: {  	v3 =	vand.u32 $0x7, v3;
	v4 =	vand.u32 $0xFFFFFFC0, v60  }
0xa1: {  	v3 =	vor.u32 v3, v4  }
0xa2: {  	v4 =	vperm.xlane v3, v0;
	_ =	sdelay $0x1  }
0xa3: {  	v4 =	vadd.s32 v1, v4;
	_ =	sdelay $0x4  }
0xa4: {  	[tilespmem:s23], [sflag:$0x1] =	stream.indirect_vreg.gather [hbm4b:s3+s2], $0x80, v4, vm0, $0xb8;
	[tilespmem:$0x4080] =	vst v63  }
0xa5: {  	v3 =	vperm.xlane v3, v2  }
0xa6: {  	[tilespmem:s24], [sflag:$0x1] =	stream.indirect_vreg.gather [hbm4b:s4+s2], $0x80, v4, vm0, $0xb8;
	[tilespmem:$0x4080] =	vst v63  }
0xa7: {  	v3 =	vadd.s32 v1, v3  }
0xa8: {  	[tilespmem:s25], [sflag:$0x1] =	stream.indirect_vreg.gather [hbm4b:s5+s2], $0x80, v4, vm0, $0xb8;
	[tilespmem:$0x4080] =	vst v63  }
0xa9: {  	_ = 	snop  }
0xaa: {  	[tilespmem:s26], [sflag:$0x1] =	stream.indirect_vreg.gather [hbm4b:s6+s2], $0x80, v4, vm0, $0xb8;
	[tilespmem:$0x4080] =	vst v63  }
0xab: {  	_ = 	snop  }
0xac: {  	[tilespmem:s28], [sflag:$0x1] =	stream.indirect_vreg.gather [hbm4b:s3+s2], $0x80, v3, vm0, $0xb8;
	[tilespmem:$0x4080] =	vst v63  }
0xad: {  	_ = 	snop  }
0xae: {  	[tilespmem:s29], [sflag:$0x1] =	stream.indirect_vreg.gather [hbm4b:s4+s2], $0x80, v3, vm0, $0xb8;
	[tilespmem:$0x4080] =	vst v63  }
0xaf: {  	_ = 	snop  }
0xb0: {  	[tilespmem:s30], [sflag:$0x1] =	stream.indirect_vreg.gather [hbm4b:s5+s2], $0x80, v3, vm0, $0xb8;
	[tilespmem:$0x4080] =	vst v63  }
0xb1: {  	_ = 	snop  }
0xb2: {  	[tilespmem:s31], [sflag:$0x1] =	stream.indirect_vreg.gather [hbm4b:s6+s2], $0x80, v3, vm0, $0xb8;
	[tilespmem:$0x4080] =	vst v63  }
0xb3: {  	_ =	swait.ge [sflag:s0], $0x4000  }
0xb4: {  	[sflag:s0] =	ssyncset.done $0x0  }
0xb5: {  	[sflag:s0] =	ssyncadd.s32 $0xFFFFC000  }
0xb6: {  	[hbm4b:s14+s2] =	stream.linear.scatter [tilespmem:s23], [sflag:$0x2], $0x4000, $0x38;
	[tilespmem:$0x4080] =	vst v63  }
0xb7: {  	_ =	swait.ge [sflag:s22], $0x4000  }
0xb8: {  	[sflag:s22] =	ssyncset.done $0x0  }
0xb9: {  	[sflag:s22] =	ssyncadd.s32 $0xFFFFC000  }
0xba: {  	[tilespmem:s2], [sflag:$0x2] =	stream.linear.gather [hbm4b:s15+s2], $0x10, $0x38;
	[tilespmem:$0x4080] =	vst v63  }
0xbb: {  	_ =	swait.ge [sflag:s22], $0x10  }
0xbc: {  	[sflag:s22] =	ssyncset.done $0x0  }
0xbd: {  	[sflag:s22] =	ssyncadd.s32 $0xFFFFFFF0  }
0xbe: {  	v3 =	vld [tilespmem:$0x0];
	_ =	sdelay $0x4  }
0xbf: {  	v61 =	vshll.u32 v3, $0x3  }
0xc0: {  	v3 =	vand.u32 $0x7, v3;
	v4 =	vand.u32 $0xFFFFFFC0, v61  }
0xc1: {  	v3 =	vor.u32 v3, v4  }
0xc2: {  	v4 =	vperm.xlane v3, v0;
	_ =	sdelay $0x1  }
0xc3: {  	v4 =	vadd.s32 v1, v4;
	_ =	sdelay $0x4  }
0xc4: {  	[tilespmem:s23], [sflag:$0x1] =	stream.indirect_vreg.gather [hbm4b:s3+s2], $0x80, v4, vm0, $0xb8;
	[tilespmem:$0x4080] =	vst v63  }
0xc5: {  	v3 =	vperm.xlane v3, v2  }
0xc6: {  	[tilespmem:s24], [sflag:$0x1] =	stream.indirect_vreg.gather [hbm4b:s4+s2], $0x80, v4, vm0, $0xb8;
	[tilespmem:$0x4080] =	vst v63  }
0xc7: {  	v3 =	vadd.s32 v1, v3  }
0xc8: {  	[tilespmem:s25], [sflag:$0x1] =	stream.indirect_vreg.gather [hbm4b:s5+s2], $0x80, v4, vm0, $0xb8;
	[tilespmem:$0x4080] =	vst v63  }
0xc9: {  	_ = 	snop  }
0xca: {  	[tilespmem:s26], [sflag:$0x1] =	stream.indirect_vreg.gather [hbm4b:s6+s2], $0x80, v4, vm0, $0xb8;
	[tilespmem:$0x4080] =	vst v63  }
0xcb: {  	_ = 	snop  }
0xcc: {  	[tilespmem:s28], [sflag:$0x1] =	stream.indirect_vreg.gather [hbm4b:s3+s2], $0x80, v3, vm0, $0xb8;
	[tilespmem:$0x4080] =	vst v63  }
0xcd: {  	_ = 	snop  }
0xce: {  	[tilespmem:s29], [sflag:$0x1] =	stream.indirect_vreg.gather [hbm4b:s4+s2], $0x80, v3, vm0, $0xb8;
	[tilespmem:$0x4080] =	vst v63  }
0xcf: {  	_ = 	snop  }
0xd0: {  	[tilespmem:s30], [sflag:$0x1] =	stream.indirect_vreg.gather [hbm4b:s5+s2], $0x80, v3, vm0, $0xb8;
	[tilespmem:$0x4080] =	vst v63  }
0xd1: {  	_ = 	snop  }
0xd2: {  	[tilespmem:s31], [sflag:$0x1] =	stream.indirect_vreg.gather [hbm4b:s6+s2], $0x80, v3, vm0, $0xb8;
	[tilespmem:$0x4080] =	vst v63  }
0xd3: {  	_ =	swait.ge [sflag:s0], $0x4000  }
0xd4: {  	[sflag:s0] =	ssyncset.done $0x0  }
0xd5: {  	[sflag:s0] =	ssyncadd.s32 $0xFFFFC000  }
0xd6: {  	[hbm4b:s16+s2] =	stream.linear.scatter [tilespmem:s23], [sflag:$0x2], $0x4000, $0x38;
	[tilespmem:$0x4080] =	vst v63  }
0xd7: {  	_ =	swait.ge [sflag:s22], $0x4000  }
0xd8: {  	[sflag:s22] =	ssyncset.done $0x0  }
0xd9: {  	[sflag:s22] =	ssyncadd.s32 $0xFFFFC000  }
0xda: {  	[tilespmem:s2], [sflag:$0x2] =	stream.linear.gather [hbm4b:s17+s2], $0x10, $0x38;
	[tilespmem:$0x4080] =	vst v63  }
0xdb: {  	_ =	swait.ge [sflag:s22], $0x10  }
0xdc: {  	[sflag:s22] =	ssyncset.done $0x0  }
0xdd: {  	[sflag:s22] =	ssyncadd.s32 $0xFFFFFFF0  }
0xde: {  	v3 =	vld [tilespmem:$0x0];
	_ =	sdelay $0x4  }
0xdf: {  	v62 =	vshll.u32 v3, $0x3  }
0xe0: {  	v3 =	vand.u32 $0x7, v3;
	v4 =	vand.u32 $0xFFFFFFC0, v62  }
0xe1: {  	v3 =	vor.u32 v3, v4  }
0xe2: {  	v4 =	vperm.xlane v3, v0;
	_ =	sdelay $0x1  }
0xe3: {  	v4 =	vadd.s32 v1, v4;
	_ =	sdelay $0x4  }
0xe4: {  	[tilespmem:s23], [sflag:$0x1] =	stream.indirect_vreg.gather [hbm4b:s3+s2], $0x80, v4, vm0, $0xb8;
	[tilespmem:$0x4080] =	vst v63  }
0xe5: {  	v3 =	vperm.xlane v3, v2  }
0xe6: {  	[tilespmem:s24], [sflag:$0x1] =	stream.indirect_vreg.gather [hbm4b:s4+s2], $0x80, v4, vm0, $0xb8;
	[tilespmem:$0x4080] =	vst v63  }
0xe7: {  	v3 =	vadd.s32 v1, v3  }
0xe8: {  	[tilespmem:s25], [sflag:$0x1] =	stream.indirect_vreg.gather [hbm4b:s5+s2], $0x80, v4, vm0, $0xb8;
	[tilespmem:$0x4080] =	vst v63  }
0xe9: {  	_ = 	snop  }
0xea: {  	[tilespmem:s26], [sflag:$0x1] =	stream.indirect_vreg.gather [hbm4b:s6+s2], $0x80, v4, vm0, $0xb8;
	[tilespmem:$0x4080] =	vst v63  }
0xeb: {  	_ = 	snop  }
0xec: {  	[tilespmem:s28], [sflag:$0x1] =	stream.indirect_vreg.gather [hbm4b:s3+s2], $0x80, v3, vm0, $0xb8;
	[tilespmem:$0x4080] =	vst v63  }
0xed: {  	_ = 	snop  }
0xee: {  	[tilespmem:s29], [sflag:$0x1] =	stream.indirect_vreg.gather [hbm4b:s4+s2], $0x80, v3, vm0, $0xb8;
	[tilespmem:$0x4080] =	vst v63  }
0xef: {  	_ = 	snop  }
0xf0: {  	[tilespmem:s30], [sflag:$0x1] =	stream.indirect_vreg.gather [hbm4b:s5+s2], $0x80, v3, vm0, $0xb8;
	[tilespmem:$0x4080] =	vst v63  }
0xf1: {  	_ = 	snop  }
0xf2: {  	[tilespmem:s31], [sflag:$0x1] =	stream.indirect_vreg.gather [hbm4b:s6+s2], $0x80, v3, vm0, $0xb8;
	[tilespmem:$0x4080] =	vst v63  }
0xf3: {  	_ =	swait.ge [sflag:s0], $0x4000  }
0xf4: {  	[sflag:s0] =	ssyncset.done $0x0  }
0xf5: {  	[sflag:s0] =	ssyncadd.s32 $0xFFFFC000  }
0xf6: {  	[hbm4b:s18+s2] =	stream.linear.scatter [tilespmem:s23], [sflag:$0x2], $0x4000, $0x38;
	[tilespmem:$0x4080] =	vst v63  }
0xf7: {  	_ =	swait.ge [sflag:s22], $0x4000  }
0xf8: {  	[sflag:s22] =	ssyncset.done $0x0  }
0xf9: {  	[sflag:s22] =	ssyncadd.s32 $0xFFFFC000  }
0xfa: {  	[tilespmem:s2], [sflag:$0x2] =	stream.linear.gather [hbm4b:s19+s2], $0x10, $0x38;
	[tilespmem:$0x4080] =	vst v63  }
0xfb: {  	_ =	swait.ge [sflag:s22], $0x10  }
0xfc: {  	[sflag:s22] =	ssyncset.done $0x0  }
0xfd: {  	[sflag:s22] =	ssyncadd.s32 $0xFFFFFFF0  }
0xfe: {  	v3 =	vld [tilespmem:$0x0];
	_ =	sdelay $0x4  }
0xff: {  	v63 =	vshll.u32 v3, $0x3  }
0x100: {  	v3 =	vand.u32 $0x7, v3;
	v4 =	vand.u32 $0xFFFFFFC0, v63  }
0x101: {  	v3 =	vor.u32 v3, v4  }
0x102: {  	v4 =	vperm.xlane v3, v0;
	_ =	sdelay $0x1  }
0x103: {  	v4 =	vadd.s32 v1, v4;
	_ =	sdelay $0x4  }
0x104: {  	[tilespmem:s23], [sflag:$0x1] =	stream.indirect_vreg.gather [hbm4b:s3+s2], $0x80, v4, vm0, $0xb8;
	[tilespmem:$0x4080] =	vst v63  }
0x105: {  	v3 =	vperm.xlane v3, v2  }
0x106: {  	[tilespmem:s24], [sflag:$0x1] =	stream.indirect_vreg.gather [hbm4b:s4+s2], $0x80, v4, vm0, $0xb8;
	[tilespmem:$0x4080] =	vst v63  }
0x107: {  	v3 =	vadd.s32 v1, v3  }
0x108: {  	[tilespmem:s25], [sflag:$0x1] =	stream.indirect_vreg.gather [hbm4b:s5+s2], $0x80, v4, vm0, $0xb8;
	[tilespmem:$0x4080] =	vst v63  }
0x109: {  	_ = 	snop  }
0x10a: {  	[tilespmem:s26], [sflag:$0x1] =	stream.indirect_vreg.gather [hbm4b:s6+s2], $0x80, v4, vm0, $0xb8;
	[tilespmem:$0x4080] =	vst v63  }
0x10b: {  	_ = 	snop  }
0x10c: {  	[tilespmem:s28], [sflag:$0x1] =	stream.indirect_vreg.gather [hbm4b:s3+s2], $0x80, v3, vm0, $0xb8;
	[tilespmem:$0x4080] =	vst v63  }
0x10d: {  	_ = 	snop  }
0x10e: {  	[tilespmem:s29], [sflag:$0x1] =	stream.indirect_vreg.gather [hbm4b:s4+s2], $0x80, v3, vm0, $0xb8;
	[tilespmem:$0x4080] =	vst v63  }
0x10f: {  	_ = 	snop  }
0x110: {  	[tilespmem:s30], [sflag:$0x1] =	stream.indirect_vreg.gather [hbm4b:s5+s2], $0x80, v3, vm0, $0xb8;
	[tilespmem:$0x4080] =	vst v63  }
0x111: {  	_ = 	snop  }
0x112: {  	[tilespmem:s31], [sflag:$0x1] =	stream.indirect_vreg.gather [hbm4b:s6+s2], $0x80, v3, vm0, $0xb8;
	[tilespmem:$0x4080] =	vst v63  }
0x113: {  	_ =	swait.ge [sflag:s0], $0x4000  }
0x114: {  	p0 =	sne.s32 s21, $0x1;
	[sflag:s0] =	ssyncset.done $0x0  }
.Ltmp0:
0x115: {  	[sflag:s0] =	ssyncadd.s32 $0xFFFFC000;
	(pc) =	sbr.rel @p0 .LBB2_1-.Ltmp0, $4  }
0x116: {  	[hbm4b:s20+s2] =	stream.linear.scatter [tilespmem:s23], [sflag:$0x2], $0x4000, $0x38;
	[tilespmem:$0x4080] =	vst v63  }
0x117: {  	_ =	swait.ge [sflag:s22], $0x4000  }
0x118: {  	[sflag:s22] =	ssyncset.done $0x0  }
0x119: {  	s21 =	sadd.s32 $0xFFFFFFFF, s21;
	[sflag:s22] =	ssyncadd.s32 $0xFFFFC000  }
0x11a: {  	_ =	sfence.sel $0x180000  }
0x11b: {  	[bflag:$0x0] =	sbarrier.arrive $0xFFFF  }
0x11c: {  	_ =	strace $0x9000004A  }
0x11d: {  	s0 =	stileid.u32;
	[bflag:$0x2] =	sbarrier.arrive $0xFFFF  }
0x11e: {  	p0 =	sne.s32 s0, $0x0;
	s0 =	rddreg [dreg:$0x1]  }
0x11f: {  	s0 =	sadd.s32 @!p0 $0x100000, s0  }
0x120: {  	[sflag:s0] =	ssyncadd.tile.s32 @!p0 $0x1;
	_ =	shalt  }
.Lfunc_end2:
_tile_overlayer_lowered:
.L_overlay_start_2:
0x121: {  	(tag) =	ssettag $0x2  }
0x122: {  	s0 =	rddreg [dreg:$0x0];
	s2 =	stileid.u32  }
0x123: {  	s1 =	rddreg [dreg:$0x1];
	p0 =	sne.s32 s2, $0x0  }
0x124: {  	s3 =	rddreg [dreg:$0x2];
	[bflag:$0x3] =	sbarrier.arrive $0xFFFF;
	s2 =	simm.s32 @!p0 $0x1C02  }
0x125: {  	[timem:s3], [sflag:s2] =	dma.local @!p0 [hbm:s0], s1  }
0x126: {  	s0 =	simm.s32 @!p0 $0x2  }
0x127: {  	_ =	swait.ge @!p0 [sflag:s0], s1  }
0x128: {  	s1 =	ssub.s32 @!p0 $0x0, s1;
	[sflag:s0] =	ssyncset.done @!p0 $0x0  }
0x129: {  	[sflag:s0] =	ssyncadd.s32 @!p0 s1  }
0x12a: {  	[bflag:$0x3] =	sbarrier.arrive $0xFFFF  }
0x12b: {  	_ =	shalt  }

</sc_bundles>
